<compile_context>
chip_gen: v7x
topology: tpu7x:2x2x1
jax: 0.10.2.dev20260603
libtpu: 0.0.44.dev20260713+nightly
codegen_flags: <defaults>
</compile_context>

<pallas_src>
import functools

import jax
import jax.numpy as jnp
from jax import lax
from jax.experimental import pallas as pl
from jax.experimental.pallas import tpu as pltpu
from jax.experimental.pallas import tpu_sc as plsc

N = 10000
E = 320000
NC = 2
NS = 16
NW = NC * NS
CH = 80
NCHUNK = -(-(E // NW) // CH)
NCHUNK += 1 - (NCHUNK % 2)
EPT = NCHUNK * CH
EPAD = NW * EPT
NPAD = 10240
RPT = NPAD // NS
DUMMY_DST = N

_MESH = plsc.VectorSubcoreMesh(core_axis_name="c", subcore_axis_name="s")


def _make_msg_kernel(d):

    @functools.partial(
        pl.kernel,
        mesh=_MESH,
        out_type=jax.ShapeDtypeStruct((NC, NPAD, d), jnp.float32),
        scratch_types=[
            pltpu.VMEM((CH,), jnp.int32),
            pltpu.VMEM((CH,), jnp.int32),
            pltpu.VMEM((CH,), jnp.int32),
            pltpu.VMEM((CH,), jnp.int32),
            pltpu.VMEM((CH, d), jnp.float32),
            pltpu.VMEM((CH, d), jnp.float32),
            pltpu.VMEM_SHARED((NPAD, d), jnp.float32),
            pltpu.SemaphoreType.DMA,
            pltpu.SemaphoreType.DMA,
            pltpu.SemaphoreType.DMA,
            pltpu.SemaphoreType.DMA,
            pltpu.SemaphoreType.DMA,
            pltpu.SemaphoreType.DMA,
        ],
    )
    def msg_kernel(g_hbm, src_hbm, dst_hbm, zeros_hbm, out_hbm,
                   sb0, sb1, db0, db1, rows0, rows1, acc,
                   si0, si1, di0, di1, sg0, sg1):
        c = lax.axis_index("c")
        s = lax.axis_index("s")
        wid = c * NS + s
        base = wid * EPT

        def fS(i, b, sem):
            return pltpu.make_async_copy(
                src_hbm.at[pl.ds(base + i * CH, CH)], b, sem)

        def fD(i, b, sem):
            return pltpu.make_async_copy(
                dst_hbm.at[pl.ds(base + i * CH, CH)], b, sem)

        def gat(b, r, sem):
            return pltpu.make_async_copy(g_hbm.at[b], r, sem)

        def sca(r, b):
            pltpu.sync_copy(r, acc.at[b], add=True)

        pltpu.sync_copy(zeros_hbm.at[pl.ds(s * RPT, RPT)],
                        acc.at[pl.ds(s * RPT, RPT)])
        plsc.subcore_barrier()

        fS(0, sb0, si0).start()
        fD(0, db0, di0).start()
        fS(1, sb1, si1).start()
        fD(1, db1, di1).start()
        fS(0, sb0, si0).wait()
        gat(sb0, rows0, sg0).start()

        @pl.loop(0, NCHUNK - 1, step=2)
        def _(i):
            fS(i + 1, sb1, si1).wait()
            gat(sb1, rows1, sg1).start()
            gat(sb0, rows0, sg0).wait()
            fD(i, db0, di0).wait()
            sca(rows0, db0)
            fS(i + 2, sb0, si0).start()
            fD(i + 2, db0, di0).start()
            fS(i + 2, sb0, si0).wait()
            gat(sb0, rows0, sg0).start()
            gat(sb1, rows1, sg1).wait()
            fD(i + 1, db1, di1).wait()
            sca(rows1, db1)
            fS(i + 3, sb1, si1).start()
            fD(i + 3, db1, di1).start()

        gat(sb0, rows0, sg0).wait()
        fD(NCHUNK - 1, db0, di0).wait()
        sca(rows0, db0)
        fS(NCHUNK, sb1, si1).wait()
        fD(NCHUNK, db1, di1).wait()

        plsc.subcore_barrier()
        pltpu.sync_copy(acc.at[pl.ds(s * RPT, RPT)],
                        out_hbm.at[c, pl.ds(s * RPT, RPT)])

    return msg_kernel


_msg_kernel_128 = _make_msg_kernel(128)


def _tc0_body(deg_ref, x_ref, w_ref, dinv_ref, g_ref):
    deg = deg_ref[0, :N, 0:1] + deg_ref[1, :N, 0:1] + 1.0
    dinv = lax.rsqrt(deg)
    dinv_ref[...] = dinv
    h = jnp.dot(x_ref[...], w_ref[...], preferred_element_type=jnp.float32)
    g_ref[...] = h * dinv


def _tc_boundary_body(acc_ref, g_ref, dinv_ref, b_ref, w_ref, gn_ref):
    dinv = dinv_ref[...]
    m = acc_ref[0, :N, :] + acc_ref[1, :N, :] + g_ref[...]
    a = jnp.maximum(m * dinv + b_ref[...], 0.0)
    gn_ref[...] = jnp.dot(a, w_ref[...],
                          preferred_element_type=jnp.float32) * dinv


def _tc_final_body(acc_ref, g_ref, dinv_ref, b_ref, out_ref):
    m = acc_ref[0, :N, :] + acc_ref[1, :N, :] + g_ref[...]
    out_ref[...] = m * dinv_ref[...] + b_ref[...]


def _tc0(deg, x, w):
    return pl.pallas_call(
        _tc0_body,
        out_shape=(jax.ShapeDtypeStruct((N, 1), jnp.float32),
                   jax.ShapeDtypeStruct((N, w.shape[1]), jnp.float32)),
    )(deg, x, w)


def _tc_boundary(acc, g, dinv, b, w):
    return pl.pallas_call(
        _tc_boundary_body,
        out_shape=jax.ShapeDtypeStruct((N, w.shape[1]), jnp.float32),
    )(acc, g, dinv, b.reshape(1, -1), w)


def _tc_final(acc, g, dinv, b):
    return pl.pallas_call(
        _tc_final_body,
        out_shape=jax.ShapeDtypeStruct((N, g.shape[1]), jnp.float32),
    )(acc, g, dinv, b.reshape(1, -1))


def kernel(x, edge_index, W1, b1, W2, b2, W3, b3, W4, b4):
    ei = edge_index.astype(jnp.int32)
    npad_e = EPAD - E + CH
    src = jnp.concatenate([ei[0], jnp.zeros((npad_e,), jnp.int32)])
    pad_dst = DUMMY_DST + (jnp.arange(npad_e, dtype=jnp.int32) % (NPAD - N))
    dst = jnp.concatenate([ei[1], pad_dst])
    zeros128 = jnp.zeros((NPAD, 128), jnp.float32)
    ones128 = jnp.ones((N, 128), jnp.float32)

    W2p = jnp.pad(W2, ((0, 0), (0, 64)))
    b2p = jnp.pad(b2, (0, 64))
    W3p = jnp.pad(W3, ((0, 64), (0, 0)))

    deg = _msg_kernel_128(ones128, src, dst, zeros128)
    dinv, g1 = _tc0(deg, x, W1)

    acc1 = _msg_kernel_128(g1, src, dst, zeros128)
    g2 = _tc_boundary(acc1, g1, dinv, b1, W2p)

    acc2 = _msg_kernel_128(g2, src, dst, zeros128)
    g3 = _tc_boundary(acc2, g2, dinv, b2p, W3p)

    acc3 = _msg_kernel_128(g3, src, dst, zeros128)
    g4 = _tc_boundary(acc3, g3, dinv, b3, W4)

    acc4 = _msg_kernel_128(g4, src, dst, zeros128)
    return _tc_final(acc4, g4, dinv, b4)

# --- scband reference (transcript-rebuilt; emitter-appended) ---
"""Pipeline reference for scband-graph-autoencoder-31748398252155 (READ-ONLY COPY).

The authoritative reference and input builder live on the scoring server;
editing this copy changes nothing except your own understanding.
"""

import jax, jax.numpy as jnp
import numpy as np

N_NODES = 10000
N_EDGES = 320000
INPUT_DIM = 128
HIDDEN_DIM = 128
EMBED_DIM = 64


def gcn_conv(x, edge_index, W, b, n_nodes):
    # PyG GCNConv: add self-loops, symmetric normalization, linear transform, aggregate, bias
    src = edge_index[0]
    dst = edge_index[1]
    loop = jnp.arange(n_nodes, dtype=edge_index.dtype)
    src = jnp.concatenate([src, loop])
    dst = jnp.concatenate([dst, loop])
    deg = jax.ops.segment_sum(jnp.ones_like(dst, dtype=x.dtype), dst, num_segments=n_nodes)
    dinv = jnp.where(deg > 0, 1.0 / jnp.sqrt(deg), 0.0)
    norm = dinv[src] * dinv[dst]
    h = x @ W
    msg = h[src] * norm[:, None]
    out = jax.ops.segment_sum(msg, dst, num_segments=n_nodes)
    return out + b


def setup_inputs(seed: int = 0) -> dict:
    key = jax.random.key(seed)
    ks = jax.random.split(key, 10)
    x = jax.random.normal(ks[0], (N_NODES, INPUT_DIM), dtype=jnp.float32)
    edge_index = jax.random.randint(ks[1], (2, N_EDGES), 0, N_NODES, dtype=jnp.int64)
    def glorot(k, fan_in, fan_out):
        s = jnp.sqrt(6.0 / (fan_in + fan_out))
        return jax.random.uniform(k, (fan_in, fan_out), dtype=jnp.float32, minval=-s, maxval=s)
    W1 = glorot(ks[2], INPUT_DIM, HIDDEN_DIM)
    b1 = jnp.zeros((HIDDEN_DIM,), dtype=jnp.float32)
    W2 = glorot(ks[3], HIDDEN_DIM, EMBED_DIM)
    b2 = jnp.zeros((EMBED_DIM,), dtype=jnp.float32)
    W3 = glorot(ks[4], EMBED_DIM, HIDDEN_DIM)
    b3 = jnp.zeros((HIDDEN_DIM,), dtype=jnp.float32)
    W4 = glorot(ks[5], HIDDEN_DIM, INPUT_DIM)
    b4 = jnp.zeros((INPUT_DIM,), dtype=jnp.float32)
    return {"x": x, "edge_index": edge_index, "W1": W1, "b1": b1, "W2": W2, "b2": b2, "W3": W3, "b3": b3, "W4": W4, "b4": b4}


def reference(x, edge_index, W1, b1, W2, b2, W3, b3, W4, b4):
    n = x.shape[0]
    # encode
    h = jax.nn.relu(gcn_conv(x, edge_index, W1, b1, n))
    h = jax.nn.relu(gcn_conv(h, edge_index, W2, b2, n))
    # decode
    h = jax.nn.relu(gcn_conv(h, edge_index, W3, b3, n))
    out = gcn_conv(h, edge_index, W4, b4, n)
    return out

if __name__ == "__main__":
    import jax
    _d = setup_inputs()
    print(jax.jit(kernel)(*tuple(_d.values())))

</pallas_src>

<mosaic_0001>
#map = affine_map<(d0, d1) -> (0, 0)>
#map1 = affine_map<(d0, d1) -> (0)>
#map2 = affine_map<(d0, d1) -> (0, 0, 0)>
module attributes {stable_mosaic.version = 14 : i64} {
  func.func @msg_kernel(%arg0: i32, %arg1: i32, %arg2: memref<10000x128xf32, #tpu.memory_space<hbm>>, %arg3: memref<320080xi32, #tpu.memory_space<hbm>>, %arg4: memref<320080xi32, #tpu.memory_space<hbm>>, %arg5: memref<10240x128xf32, #tpu.memory_space<hbm>>, %arg6: memref<2x10240x128xf32, #tpu.memory_space<hbm>>, %arg7: memref<80xi32, #tpu.memory_space<vmem>>, %arg8: memref<80xi32, #tpu.memory_space<vmem>>, %arg9: memref<80xi32, #tpu.memory_space<vmem>>, %arg10: memref<80xi32, #tpu.memory_space<vmem>>, %arg11: memref<80x128xf32, #tpu.memory_space<vmem>>, %arg12: memref<80x128xf32, #tpu.memory_space<vmem>>, %arg13: memref<10240x128xf32, #tpu.memory_space<vmem_shared>>, %arg14: memref<!tpu.dma_semaphore, #tpu.memory_space<semaphore_mem>>, %arg15: memref<!tpu.dma_semaphore, #tpu.memory_space<semaphore_mem>>, %arg16: memref<!tpu.dma_semaphore, #tpu.memory_space<semaphore_mem>>, %arg17: memref<!tpu.dma_semaphore, #tpu.memory_space<semaphore_mem>>, %arg18: memref<!tpu.dma_semaphore, #tpu.memory_space<semaphore_mem>>, %arg19: memref<!tpu.dma_semaphore, #tpu.memory_space<semaphore_mem>>) attributes {dimension_semantics = [#tpu.dimension_semantics<core_parallel>, #tpu.dimension_semantics<subcore_parallel>], iteration_bounds = array<i64: 2, 16>, scalar_prefetch = 0 : i64, scratch_operands = 13 : i64, tpu.core_type = #tpu.core_type<sc_vector_subcore>, window_params = [{transform_indices = #map}, {transform_indices = #map1}, {transform_indices = #map1}, {transform_indices = #map}, {transform_indices = #map2}]} {
    %mul3A = arith.constant 16 : i32
    %mul3A_0 = arith.muli %arg0, %mul3A : i32
    %add3A = arith.addi %mul3A_0, %arg1 : i32
    %mul3A_1 = arith.constant 10000 : i32
    %mul3A_2 = arith.muli %add3A, %mul3A_1 : i32
    %mul3A_3 = arith.constant 640 : i32
    %mul3A_4 = arith.muli %arg1, %mul3A_3 : i32
    %mul3A_5 = arith.constant 640 : i32
    %mul3A_6 = arith.muli %arg1, %mul3A_5 : i32
    "tpu.region"() ({
      %run_scoped3A = tpu.sem_alloc : memref<!tpu.dma_semaphore, #tpu.memory_space<semaphore_mem>>
      %dma_start3A_52 = arith.constant 0 : i32
      %dma_start3A_53 = tpu.memref_slice %arg13[%mul3A_6, %dma_start3A_52] : memref<10240x128xf32, #tpu.memory_space<vmem_shared>> -> memref<640x128xf32, #tpu.memory_space<vmem_shared>>
      %dma_start3A_54 = arith.constant 0 : i32
      %dma_start3A_55 = tpu.memref_slice %arg5[%mul3A_4, %dma_start3A_54] : memref<10240x128xf32, #tpu.memory_space<hbm>> -> memref<640x128xf32, #tpu.memory_space<hbm>>
      tpu.enqueue_dma source(%dma_start3A_55 : memref<640x128xf32, #tpu.memory_space<hbm>>) target(%dma_start3A_53 : memref<640x128xf32, #tpu.memory_space<vmem_shared>>) target_semaphore(%run_scoped3A : memref<!tpu.dma_semaphore, #tpu.memory_space<semaphore_mem>>)
      %dma_wait3A_56 = arith.constant 0 : i32
      %dma_wait3A_57 = tpu.memref_slice %arg13[%mul3A_6, %dma_wait3A_56] : memref<10240x128xf32, #tpu.memory_space<vmem_shared>> -> memref<640x128xf32, #tpu.memory_space<vmem_shared>>
      %dma_wait3A_58 = arith.constant 0 : i32
      %dma_wait3A_59 = tpu.memref_slice %arg5[%mul3A_4, %dma_wait3A_58] : memref<10240x128xf32, #tpu.memory_space<hbm>> -> memref<640x128xf32, #tpu.memory_space<hbm>>
      tpu.wait_dma2 semaphore(%run_scoped3A : memref<!tpu.dma_semaphore, #tpu.memory_space<semaphore_mem>>) src(%dma_wait3A_59 : memref<640x128xf32, #tpu.memory_space<hbm>>) dst(%dma_wait3A_57 : memref<640x128xf32, #tpu.memory_space<vmem_shared>>)
      tpu.yield
    }) : () -> ()
    %barrier3A = arith.constant 0 : index
    tpu.barrier barrier_id(%barrier3A)
    %add3A_7 = arith.constant 0 : i32
    %add3A_8 = arith.addi %mul3A_2, %add3A_7 : i32
    %dma_start3A = tpu.memref_slice %arg3[%add3A_8] : memref<320080xi32, #tpu.memory_space<hbm>> -> memref<80xi32, #tpu.memory_space<hbm>>
    %dma_start3A_9 = tpu.memref_slice %arg3[%add3A_8] : memref<320080xi32, #tpu.memory_space<hbm>> -> memref<80xi32, #tpu.memory_space<hbm>>
    tpu.enqueue_dma source(%dma_start3A_9 : memref<80xi32, #tpu.memory_space<hbm>>) target(%arg7 : memref<80xi32, #tpu.memory_space<vmem>>) target_semaphore(%arg14 : memref<!tpu.dma_semaphore, #tpu.memory_space<semaphore_mem>>)
    %add3A_10 = arith.constant 0 : i32
    %add3A_11 = arith.addi %mul3A_2, %add3A_10 : i32
    %dma_start3A_12 = tpu.memref_slice %arg4[%add3A_11] : memref<320080xi32, #tpu.memory_space<hbm>> -> memref<80xi32, #tpu.memory_space<hbm>>
    %dma_start3A_13 = tpu.memref_slice %arg4[%add3A_11] : memref<320080xi32, #tpu.memory_space<hbm>> -> memref<80xi32, #tpu.memory_space<hbm>>
    tpu.enqueue_dma source(%dma_start3A_13 : memref<80xi32, #tpu.memory_space<hbm>>) target(%arg9 : memref<80xi32, #tpu.memory_space<vmem>>) target_semaphore(%arg16 : memref<!tpu.dma_semaphore, #tpu.memory_space<semaphore_mem>>)
    %add3A_14 = arith.constant 80 : i32
    %add3A_15 = arith.addi %mul3A_2, %add3A_14 : i32
    %dma_start3A_16 = tpu.memref_slice %arg3[%add3A_15] : memref<320080xi32, #tpu.memory_space<hbm>> -> memref<80xi32, #tpu.memory_space<hbm>>
    %dma_start3A_17 = tpu.memref_slice %arg3[%add3A_15] : memref<320080xi32, #tpu.memory_space<hbm>> -> memref<80xi32, #tpu.memory_space<hbm>>
    tpu.enqueue_dma source(%dma_start3A_17 : memref<80xi32, #tpu.memory_space<hbm>>) target(%arg8 : memref<80xi32, #tpu.memory_space<vmem>>) target_semaphore(%arg15 : memref<!tpu.dma_semaphore, #tpu.memory_space<semaphore_mem>>)
    %add3A_18 = arith.constant 80 : i32
    %add3A_19 = arith.addi %mul3A_2, %add3A_18 : i32
    %dma_start3A_20 = tpu.memref_slice %arg4[%add3A_19] : memref<320080xi32, #tpu.memory_space<hbm>> -> memref<80xi32, #tpu.memory_space<hbm>>
    %dma_start3A_21 = tpu.memref_slice %arg4[%add3A_19] : memref<320080xi32, #tpu.memory_space<hbm>> -> memref<80xi32, #tpu.memory_space<hbm>>
    tpu.enqueue_dma source(%dma_start3A_21 : memref<80xi32, #tpu.memory_space<hbm>>) target(%arg10 : memref<80xi32, #tpu.memory_space<vmem>>) target_semaphore(%arg17 : memref<!tpu.dma_semaphore, #tpu.memory_space<semaphore_mem>>)
    %add3A_22 = arith.constant 0 : i32
    %add3A_23 = arith.addi %mul3A_2, %add3A_22 : i32
    %dma_wait3A = tpu.memref_slice %arg3[%add3A_23] : memref<320080xi32, #tpu.memory_space<hbm>> -> memref<80xi32, #tpu.memory_space<hbm>>
    %dma_wait3A_24 = tpu.memref_slice %arg3[%add3A_23] : memref<320080xi32, #tpu.memory_space<hbm>> -> memref<80xi32, #tpu.memory_space<hbm>>
    tpu.wait_dma2 semaphore(%arg14 : memref<!tpu.dma_semaphore, #tpu.memory_space<semaphore_mem>>) src(%dma_wait3A_24 : memref<80xi32, #tpu.memory_space<hbm>>) dst(%arg7 : memref<80xi32, #tpu.memory_space<vmem>>)
    %dma_start3A_25 = arith.constant 0 : i32
    %dma_start3A_26 = arith.constant 0 : i32
    %dma_start3A_27 = tpu.memref_slice %arg2[%dma_start3A_25, %dma_start3A_26] : memref<10000x128xf32, #tpu.memory_space<hbm>> -> memref<10000x128xf32, #tpu.memory_space<hbm>>
    tpu.enqueue_indirect_dma source(%dma_start3A_27 : memref<10000x128xf32, #tpu.memory_space<hbm>>) target(%arg11 : memref<80x128xf32, #tpu.memory_space<vmem>>) offsets(%arg7 : memref<80xi32, #tpu.memory_space<vmem>>) semaphore(%arg18 : memref<!tpu.dma_semaphore, #tpu.memory_space<semaphore_mem>>)
    %scan3A = arith.constant 0 : i32
    %scan3A_28 = arith.constant 62 : i32
    %scan3A_29 = arith.addi %scan3A, %scan3A_28 : i32
    %scan3A_30 = arith.constant 1 : i32
    scf.for %scan3A_52 = %scan3A to %scan3A_29 step %scan3A_30  : i32 {
      %mul3A_53 = arith.constant 2 : i32
      %mul3A_54 = arith.muli %scan3A_52, %mul3A_53 : i32
      %add3A_55 = arith.constant 0 : i32
      %add3A_56 = arith.addi %add3A_55, %mul3A_54 : i32
      %add3A_57 = arith.constant 1 : i32
      %add3A_58 = arith.addi %add3A_56, %add3A_57 : i32
      %mul3A_59 = arith.constant 80 : i32
      %mul3A_60 = arith.muli %add3A_58, %mul3A_59 : i32
      %add3A_61 = arith.addi %mul3A_2, %mul3A_60 : i32
      %dma_wait3A_62 = tpu.memref_slice %arg3[%add3A_61] : memref<320080xi32, #tpu.memory_space<hbm>> -> memref<80xi32, #tpu.memory_space<hbm>>
      %dma_wait3A_63 = tpu.memref_slice %arg3[%add3A_61] : memref<320080xi32, #tpu.memory_space<hbm>> -> memref<80xi32, #tpu.memory_space<hbm>>
      tpu.wait_dma2 semaphore(%arg15 : memref<!tpu.dma_semaphore, #tpu.memory_space<semaphore_mem>>) src(%dma_wait3A_63 : memref<80xi32, #tpu.memory_space<hbm>>) dst(%arg8 : memref<80xi32, #tpu.memory_space<vmem>>)
      %dma_start3A_64 = arith.constant 0 : i32
      %dma_start3A_65 = arith.constant 0 : i32
      %dma_start3A_66 = tpu.memref_slice %arg2[%dma_start3A_64, %dma_start3A_65] : memref<10000x128xf32, #tpu.memory_space<hbm>> -> memref<10000x128xf32, #tpu.memory_space<hbm>>
      tpu.enqueue_indirect_dma source(%dma_start3A_66 : memref<10000x128xf32, #tpu.memory_space<hbm>>) target(%arg12 : memref<80x128xf32, #tpu.memory_space<vmem>>) offsets(%arg8 : memref<80xi32, #tpu.memory_space<vmem>>) semaphore(%arg19 : memref<!tpu.dma_semaphore, #tpu.memory_space<semaphore_mem>>)
      %dma_wait3A_67 = arith.constant 0 : i32
      %dma_wait3A_68 = arith.constant 0 : i32
      %dma_wait3A_69 = tpu.memref_slice %arg2[%dma_wait3A_67, %dma_wait3A_68] : memref<10000x128xf32, #tpu.memory_space<hbm>> -> memref<10000x128xf32, #tpu.memory_space<hbm>>
      tpu.wait_indirect_dma semaphore(%arg18 : memref<!tpu.dma_semaphore, #tpu.memory_space<semaphore_mem>>) src(%dma_wait3A_69 : memref<10000x128xf32, #tpu.memory_space<hbm>>) dst(%arg11 : memref<80x128xf32, #tpu.memory_space<vmem>>)
      %mul3A_70 = arith.constant 80 : i32
      %mul3A_71 = arith.muli %add3A_56, %mul3A_70 : i32
      %add3A_72 = arith.addi %mul3A_2, %mul3A_71 : i32
      %dma_wait3A_73 = tpu.memref_slice %arg4[%add3A_72] : memref<320080xi32, #tpu.memory_space<hbm>> -> memref<80xi32, #tpu.memory_space<hbm>>
      %dma_wait3A_74 = tpu.memref_slice %arg4[%add3A_72] : memref<320080xi32, #tpu.memory_space<hbm>> -> memref<80xi32, #tpu.memory_space<hbm>>
      tpu.wait_dma2 semaphore(%arg16 : memref<!tpu.dma_semaphore, #tpu.memory_space<semaphore_mem>>) src(%dma_wait3A_74 : memref<80xi32, #tpu.memory_space<hbm>>) dst(%arg9 : memref<80xi32, #tpu.memory_space<vmem>>)
      "tpu.region"() ({
        %run_scoped3A = tpu.sem_alloc : memref<!tpu.dma_semaphore, #tpu.memory_space<semaphore_mem>>
        %dma_start3A_123 = arith.constant 0 : i32
        %dma_start3A_124 = arith.constant 0 : i32
        %dma_start3A_125 = tpu.memref_slice %arg13[%dma_start3A_123, %dma_start3A_124] : memref<10240x128xf32, #tpu.memory_space<vmem_shared>> -> memref<10240x128xf32, #tpu.memory_space<vmem_shared>>
        tpu.enqueue_indirect_dma source(%arg11 : memref<80x128xf32, #tpu.memory_space<vmem>>) target(%dma_start3A_125 : memref<10240x128xf32, #tpu.memory_space<vmem_shared>>) offsets(%arg9 : memref<80xi32, #tpu.memory_space<vmem>>) semaphore(%run_scoped3A : memref<!tpu.dma_semaphore, #tpu.memory_space<semaphore_mem>>) {add = true}
        %dma_wait3A_126 = arith.constant 0 : i32
        %dma_wait3A_127 = arith.constant 0 : i32
        %dma_wait3A_128 = tpu.memref_slice %arg13[%dma_wait3A_126, %dma_wait3A_127] : memref<10240x128xf32, #tpu.memory_space<vmem_shared>> -> memref<10240x128xf32, #tpu.memory_space<vmem_shared>>
        tpu.wait_indirect_dma semaphore(%run_scoped3A : memref<!tpu.dma_semaphore, #tpu.memory_space<semaphore_mem>>) src(%arg11 : memref<80x128xf32, #tpu.memory_space<vmem>>) dst(%dma_wait3A_128 : memref<10240x128xf32, #tpu.memory_space<vmem_shared>>)
        tpu.yield
      }) : () -> ()
      %add3A_75 = arith.constant 2 : i32
      %add3A_76 = arith.addi %add3A_56, %add3A_75 : i32
      %mul3A_77 = arith.constant 80 : i32
      %mul3A_78 = arith.muli %add3A_76, %mul3A_77 : i32
      %add3A_79 = arith.addi %mul3A_2, %mul3A_78 : i32
      %dma_start3A_80 = tpu.memref_slice %arg3[%add3A_79] : memref<320080xi32, #tpu.memory_space<hbm>> -> memref<80xi32, #tpu.memory_space<hbm>>
      %dma_start3A_81 = tpu.memref_slice %arg3[%add3A_79] : memref<320080xi32, #tpu.memory_space<hbm>> -> memref<80xi32, #tpu.memory_space<hbm>>
      tpu.enqueue_dma source(%dma_start3A_81 : memref<80xi32, #tpu.memory_space<hbm>>) target(%arg7 : memref<80xi32, #tpu.memory_space<vmem>>) target_semaphore(%arg14 : memref<!tpu.dma_semaphore, #tpu.memory_space<semaphore_mem>>)
      %add3A_82 = arith.constant 2 : i32
      %add3A_83 = arith.addi %add3A_56, %add3A_82 : i32
      %mul3A_84 = arith.constant 80 : i32
      %mul3A_85 = arith.muli %add3A_83, %mul3A_84 : i32
      %add3A_86 = arith.addi %mul3A_2, %mul3A_85 : i32
      %dma_start3A_87 = tpu.memref_slice %arg4[%add3A_86] : memref<320080xi32, #tpu.memory_space<hbm>> -> memref<80xi32, #tpu.memory_space<hbm>>
      %dma_start3A_88 = tpu.memref_slice %arg4[%add3A_86] : memref<320080xi32, #tpu.memory_space<hbm>> -> memref<80xi32, #tpu.memory_space<hbm>>
      tpu.enqueue_dma source(%dma_start3A_88 : memref<80xi32, #tpu.memory_space<hbm>>) target(%arg9 : memref<80xi32, #tpu.memory_space<vmem>>) target_semaphore(%arg16 : memref<!tpu.dma_semaphore, #tpu.memory_space<semaphore_mem>>)
      %add3A_89 = arith.constant 2 : i32
      %add3A_90 = arith.addi %add3A_56, %add3A_89 : i32
      %mul3A_91 = arith.constant 80 : i32
      %mul3A_92 = arith.muli %add3A_90, %mul3A_91 : i32
      %add3A_93 = arith.addi %mul3A_2, %mul3A_92 : i32
      %dma_wait3A_94 = tpu.memref_slice %arg3[%add3A_93] : memref<320080xi32, #tpu.memory_space<hbm>> -> memref<80xi32, #tpu.memory_space<hbm>>
      %dma_wait3A_95 = tpu.memref_slice %arg3[%add3A_93] : memref<320080xi32, #tpu.memory_space<hbm>> -> memref<80xi32, #tpu.memory_space<hbm>>
      tpu.wait_dma2 semaphore(%arg14 : memref<!tpu.dma_semaphore, #tpu.memory_space<semaphore_mem>>) src(%dma_wait3A_95 : memref<80xi32, #tpu.memory_space<hbm>>) dst(%arg7 : memref<80xi32, #tpu.memory_space<vmem>>)
      %dma_start3A_96 = arith.constant 0 : i32
      %dma_start3A_97 = arith.constant 0 : i32
      %dma_start3A_98 = tpu.memref_slice %arg2[%dma_start3A_96, %dma_start3A_97] : memref<10000x128xf32, #tpu.memory_space<hbm>> -> memref<10000x128xf32, #tpu.memory_space<hbm>>
      tpu.enqueue_indirect_dma source(%dma_start3A_98 : memref<10000x128xf32, #tpu.memory_space<hbm>>) target(%arg11 : memref<80x128xf32, #tpu.memory_space<vmem>>) offsets(%arg7 : memref<80xi32, #tpu.memory_space<vmem>>) semaphore(%arg18 : memref<!tpu.dma_semaphore, #tpu.memory_space<semaphore_mem>>)
      %dma_wait3A_99 = arith.constant 0 : i32
      %dma_wait3A_100 = arith.constant 0 : i32
      %dma_wait3A_101 = tpu.memref_slice %arg2[%dma_wait3A_99, %dma_wait3A_100] : memref<10000x128xf32, #tpu.memory_space<hbm>> -> memref<10000x128xf32, #tpu.memory_space<hbm>>
      tpu.wait_indirect_dma semaphore(%arg19 : memref<!tpu.dma_semaphore, #tpu.memory_space<semaphore_mem>>) src(%dma_wait3A_101 : memref<10000x128xf32, #tpu.memory_space<hbm>>) dst(%arg12 : memref<80x128xf32, #tpu.memory_space<vmem>>)
      %add3A_102 = arith.constant 1 : i32
      %add3A_103 = arith.addi %add3A_56, %add3A_102 : i32
      %mul3A_104 = arith.constant 80 : i32
      %mul3A_105 = arith.muli %add3A_103, %mul3A_104 : i32
      %add3A_106 = arith.addi %mul3A_2, %mul3A_105 : i32
      %dma_wait3A_107 = tpu.memref_slice %arg4[%add3A_106] : memref<320080xi32, #tpu.memory_space<hbm>> -> memref<80xi32, #tpu.memory_space<hbm>>
      %dma_wait3A_108 = tpu.memref_slice %arg4[%add3A_106] : memref<320080xi32, #tpu.memory_space<hbm>> -> memref<80xi32, #tpu.memory_space<hbm>>
      tpu.wait_dma2 semaphore(%arg17 : memref<!tpu.dma_semaphore, #tpu.memory_space<semaphore_mem>>) src(%dma_wait3A_108 : memref<80xi32, #tpu.memory_space<hbm>>) dst(%arg10 : memref<80xi32, #tpu.memory_space<vmem>>)
      "tpu.region"() ({
        %run_scoped3A = tpu.sem_alloc : memref<!tpu.dma_semaphore, #tpu.memory_space<semaphore_mem>>
        %dma_start3A_123 = arith.constant 0 : i32
        %dma_start3A_124 = arith.constant 0 : i32
        %dma_start3A_125 = tpu.memref_slice %arg13[%dma_start3A_123, %dma_start3A_124] : memref<10240x128xf32, #tpu.memory_space<vmem_shared>> -> memref<10240x128xf32, #tpu.memory_space<vmem_shared>>
        tpu.enqueue_indirect_dma source(%arg12 : memref<80x128xf32, #tpu.memory_space<vmem>>) target(%dma_start3A_125 : memref<10240x128xf32, #tpu.memory_space<vmem_shared>>) offsets(%arg10 : memref<80xi32, #tpu.memory_space<vmem>>) semaphore(%run_scoped3A : memref<!tpu.dma_semaphore, #tpu.memory_space<semaphore_mem>>) {add = true}
        %dma_wait3A_126 = arith.constant 0 : i32
        %dma_wait3A_127 = arith.constant 0 : i32
        %dma_wait3A_128 = tpu.memref_slice %arg13[%dma_wait3A_126, %dma_wait3A_127] : memref<10240x128xf32, #tpu.memory_space<vmem_shared>> -> memref<10240x128xf32, #tpu.memory_space<vmem_shared>>
        tpu.wait_indirect_dma semaphore(%run_scoped3A : memref<!tpu.dma_semaphore, #tpu.memory_space<semaphore_mem>>) src(%arg12 : memref<80x128xf32, #tpu.memory_space<vmem>>) dst(%dma_wait3A_128 : memref<10240x128xf32, #tpu.memory_space<vmem_shared>>)
        tpu.yield
      }) : () -> ()
      %add3A_109 = arith.constant 3 : i32
      %add3A_110 = arith.addi %add3A_56, %add3A_109 : i32
      %mul3A_111 = arith.constant 80 : i32
      %mul3A_112 = arith.muli %add3A_110, %mul3A_111 : i32
      %add3A_113 = arith.addi %mul3A_2, %mul3A_112 : i32
      %dma_start3A_114 = tpu.memref_slice %arg3[%add3A_113] : memref<320080xi32, #tpu.memory_space<hbm>> -> memref<80xi32, #tpu.memory_space<hbm>>
      %dma_start3A_115 = tpu.memref_slice %arg3[%add3A_113] : memref<320080xi32, #tpu.memory_space<hbm>> -> memref<80xi32, #tpu.memory_space<hbm>>
      tpu.enqueue_dma source(%dma_start3A_115 : memref<80xi32, #tpu.memory_space<hbm>>) target(%arg8 : memref<80xi32, #tpu.memory_space<vmem>>) target_semaphore(%arg15 : memref<!tpu.dma_semaphore, #tpu.memory_space<semaphore_mem>>)
      %add3A_116 = arith.constant 3 : i32
      %add3A_117 = arith.addi %add3A_56, %add3A_116 : i32
      %mul3A_118 = arith.constant 80 : i32
      %mul3A_119 = arith.muli %add3A_117, %mul3A_118 : i32
      %add3A_120 = arith.addi %mul3A_2, %mul3A_119 : i32
      %dma_start3A_121 = tpu.memref_slice %arg4[%add3A_120] : memref<320080xi32, #tpu.memory_space<hbm>> -> memref<80xi32, #tpu.memory_space<hbm>>
      %dma_start3A_122 = tpu.memref_slice %arg4[%add3A_120] : memref<320080xi32, #tpu.memory_space<hbm>> -> memref<80xi32, #tpu.memory_space<hbm>>
      tpu.enqueue_dma source(%dma_start3A_122 : memref<80xi32, #tpu.memory_space<hbm>>) target(%arg10 : memref<80xi32, #tpu.memory_space<vmem>>) target_semaphore(%arg17 : memref<!tpu.dma_semaphore, #tpu.memory_space<semaphore_mem>>)
    }
    %scan3A_31 = arith.constant 62 : i32
    %dma_wait3A_32 = arith.constant 0 : i32
    %dma_wait3A_33 = arith.constant 0 : i32
    %dma_wait3A_34 = tpu.memref_slice %arg2[%dma_wait3A_32, %dma_wait3A_33] : memref<10000x128xf32, #tpu.memory_space<hbm>> -> memref<10000x128xf32, #tpu.memory_space<hbm>>
    tpu.wait_indirect_dma semaphore(%arg18 : memref<!tpu.dma_semaphore, #tpu.memory_space<semaphore_mem>>) src(%dma_wait3A_34 : memref<10000x128xf32, #tpu.memory_space<hbm>>) dst(%arg11 : memref<80x128xf32, #tpu.memory_space<vmem>>)
    %add3A_35 = arith.constant 9920 : i32
    %add3A_36 = arith.addi %mul3A_2, %add3A_35 : i32
    %dma_wait3A_37 = tpu.memref_slice %arg4[%add3A_36] : memref<320080xi32, #tpu.memory_space<hbm>> -> memref<80xi32, #tpu.memory_space<hbm>>
    %dma_wait3A_38 = tpu.memref_slice %arg4[%add3A_36] : memref<320080xi32, #tpu.memory_space<hbm>> -> memref<80xi32, #tpu.memory_space<hbm>>
    tpu.wait_dma2 semaphore(%arg16 : memref<!tpu.dma_semaphore, #tpu.memory_space<semaphore_mem>>) src(%dma_wait3A_38 : memref<80xi32, #tpu.memory_space<hbm>>) dst(%arg9 : memref<80xi32, #tpu.memory_space<vmem>>)
    "tpu.region"() ({
      %run_scoped3A = tpu.sem_alloc : memref<!tpu.dma_semaphore, #tpu.memory_space<semaphore_mem>>
      %dma_start3A_52 = arith.constant 0 : i32
      %dma_start3A_53 = arith.constant 0 : i32
      %dma_start3A_54 = tpu.memref_slice %arg13[%dma_start3A_52, %dma_start3A_53] : memref<10240x128xf32, #tpu.memory_space<vmem_shared>> -> memref<10240x128xf32, #tpu.memory_space<vmem_shared>>
      tpu.enqueue_indirect_dma source(%arg11 : memref<80x128xf32, #tpu.memory_space<vmem>>) target(%dma_start3A_54 : memref<10240x128xf32, #tpu.memory_space<vmem_shared>>) offsets(%arg9 : memref<80xi32, #tpu.memory_space<vmem>>) semaphore(%run_scoped3A : memref<!tpu.dma_semaphore, #tpu.memory_space<semaphore_mem>>) {add = true}
      %dma_wait3A_55 = arith.constant 0 : i32
      %dma_wait3A_56 = arith.constant 0 : i32
      %dma_wait3A_57 = tpu.memref_slice %arg13[%dma_wait3A_55, %dma_wait3A_56] : memref<10240x128xf32, #tpu.memory_space<vmem_shared>> -> memref<10240x128xf32, #tpu.memory_space<vmem_shared>>
      tpu.wait_indirect_dma semaphore(%run_scoped3A : memref<!tpu.dma_semaphore, #tpu.memory_space<semaphore_mem>>) src(%arg11 : memref<80x128xf32, #tpu.memory_space<vmem>>) dst(%dma_wait3A_57 : memref<10240x128xf32, #tpu.memory_space<vmem_shared>>)
      tpu.yield
    }) : () -> ()
    %add3A_39 = arith.constant 10000 : i32
    %add3A_40 = arith.addi %mul3A_2, %add3A_39 : i32
    %dma_wait3A_41 = tpu.memref_slice %arg3[%add3A_40] : memref<320080xi32, #tpu.memory_space<hbm>> -> memref<80xi32, #tpu.memory_space<hbm>>
    %dma_wait3A_42 = tpu.memref_slice %arg3[%add3A_40] : memref<320080xi32, #tpu.memory_space<hbm>> -> memref<80xi32, #tpu.memory_space<hbm>>
    tpu.wait_dma2 semaphore(%arg15 : memref<!tpu.dma_semaphore, #tpu.memory_space<semaphore_mem>>) src(%dma_wait3A_42 : memref<80xi32, #tpu.memory_space<hbm>>) dst(%arg8 : memref<80xi32, #tpu.memory_space<vmem>>)
    %add3A_43 = arith.constant 10000 : i32
    %add3A_44 = arith.addi %mul3A_2, %add3A_43 : i32
    %dma_wait3A_45 = tpu.memref_slice %arg4[%add3A_44] : memref<320080xi32, #tpu.memory_space<hbm>> -> memref<80xi32, #tpu.memory_space<hbm>>
    %dma_wait3A_46 = tpu.memref_slice %arg4[%add3A_44] : memref<320080xi32, #tpu.memory_space<hbm>> -> memref<80xi32, #tpu.memory_space<hbm>>
    tpu.wait_dma2 semaphore(%arg17 : memref<!tpu.dma_semaphore, #tpu.memory_space<semaphore_mem>>) src(%dma_wait3A_46 : memref<80xi32, #tpu.memory_space<hbm>>) dst(%arg10 : memref<80xi32, #tpu.memory_space<vmem>>)
    %barrier3A_47 = arith.constant 0 : index
    tpu.barrier barrier_id(%barrier3A_47)
    %mul3A_48 = arith.constant 640 : i32
    %mul3A_49 = arith.muli %arg1, %mul3A_48 : i32
    %mul3A_50 = arith.constant 640 : i32
    %mul3A_51 = arith.muli %arg1, %mul3A_50 : i32
    "tpu.region"() ({
      %run_scoped3A = tpu.sem_alloc : memref<!tpu.dma_semaphore, #tpu.memory_space<semaphore_mem>>
      %dma_start3A_52 = arith.constant 0 : i32
      %dma_start3A_53 = tpu.memref_slice %arg6[%arg0, %mul3A_51, %dma_start3A_52] : memref<2x10240x128xf32, #tpu.memory_space<hbm>> -> memref<1x640x128xf32, #tpu.memory_space<hbm>>
      %dma_start3A_54 = tpu.memref_squeeze %dma_start3A_53 : memref<1x640x128xf32, #tpu.memory_space<hbm>> -> memref<640x128xf32, #tpu.memory_space<hbm>>
      %dma_start3A_55 = arith.constant 0 : i32
      %dma_start3A_56 = tpu.memref_slice %arg13[%mul3A_49, %dma_start3A_55] : memref<10240x128xf32, #tpu.memory_space<vmem_shared>> -> memref<640x128xf32, #tpu.memory_space<vmem_shared>>
      tpu.enqueue_dma source(%dma_start3A_56 : memref<640x128xf32, #tpu.memory_space<vmem_shared>>) target(%dma_start3A_54 : memref<640x128xf32, #tpu.memory_space<hbm>>) target_semaphore(%run_scoped3A : memref<!tpu.dma_semaphore, #tpu.memory_space<semaphore_mem>>)
      %dma_wait3A_57 = arith.constant 0 : i32
      %dma_wait3A_58 = tpu.memref_slice %arg6[%arg0, %mul3A_51, %dma_wait3A_57] : memref<2x10240x128xf32, #tpu.memory_space<hbm>> -> memref<1x640x128xf32, #tpu.memory_space<hbm>>
      %dma_wait3A_59 = tpu.memref_squeeze %dma_wait3A_58 : memref<1x640x128xf32, #tpu.memory_space<hbm>> -> memref<640x128xf32, #tpu.memory_space<hbm>>
      %dma_wait3A_60 = arith.constant 0 : i32
      %dma_wait3A_61 = tpu.memref_slice %arg13[%mul3A_49, %dma_wait3A_60] : memref<10240x128xf32, #tpu.memory_space<vmem_shared>> -> memref<640x128xf32, #tpu.memory_space<vmem_shared>>
      tpu.wait_dma2 semaphore(%run_scoped3A : memref<!tpu.dma_semaphore, #tpu.memory_space<semaphore_mem>>) src(%dma_wait3A_61 : memref<640x128xf32, #tpu.memory_space<vmem_shared>>) dst(%dma_wait3A_59 : memref<640x128xf32, #tpu.memory_space<hbm>>)
      tpu.yield
    }) : () -> ()
    return
  }
}

#map = affine_map<(d0, d1) -> (0, 0)>
#map1 = affine_map<(d0, d1) -> (0)>
#map2 = affine_map<(d0, d1) -> (0, 0, 0)>
module attributes {stable_mosaic.version = 14 : i64} {
  func.func @msg_kernel(%arg0: i32, %arg1: i32, %arg2: memref<10000x128xf32, #tpu.memory_space<hbm>>, %arg3: memref<320080xi32, #tpu.memory_space<hbm>>, %arg4: memref<320080xi32, #tpu.memory_space<hbm>>, %arg5: memref<10240x128xf32, #tpu.memory_space<hbm>>, %arg6: memref<2x10240x128xf32, #tpu.memory_space<hbm>>, %arg7: memref<80xi32, #tpu.memory_space<vmem>>, %arg8: memref<80xi32, #tpu.memory_space<vmem>>, %arg9: memref<80xi32, #tpu.memory_space<vmem>>, %arg10: memref<80xi32, #tpu.memory_space<vmem>>, %arg11: memref<80x128xf32, #tpu.memory_space<vmem>>, %arg12: memref<80x128xf32, #tpu.memory_space<vmem>>, %arg13: memref<10240x128xf32, #tpu.memory_space<vmem_shared>>, %arg14: memref<!tpu.dma_semaphore, #tpu.memory_space<semaphore_mem>>, %arg15: memref<!tpu.dma_semaphore, #tpu.memory_space<semaphore_mem>>, %arg16: memref<!tpu.dma_semaphore, #tpu.memory_space<semaphore_mem>>, %arg17: memref<!tpu.dma_semaphore, #tpu.memory_space<semaphore_mem>>, %arg18: memref<!tpu.dma_semaphore, #tpu.memory_space<semaphore_mem>>, %arg19: memref<!tpu.dma_semaphore, #tpu.memory_space<semaphore_mem>>) attributes {dimension_semantics = [#tpu.dimension_semantics<core_parallel>, #tpu.dimension_semantics<subcore_parallel>], iteration_bounds = array<i64: 2, 16>, scalar_prefetch = 0 : i64, scratch_operands = 13 : i64, tpu.core_type = #tpu.core_type<sc_vector_subcore>, window_params = [{transform_indices = #map}, {transform_indices = #map1}, {transform_indices = #map1}, {transform_indices = #map}, {transform_indices = #map2}]} {
    %mul3A = arith.constant 16 : i32
    %mul3A_0 = arith.muli %arg0, %mul3A : i32
    %add3A = arith.addi %mul3A_0, %arg1 : i32
    %mul3A_1 = arith.constant 10000 : i32
    %mul3A_2 = arith.muli %add3A, %mul3A_1 : i32
    %mul3A_3 = arith.constant 640 : i32
    %mul3A_4 = arith.muli %arg1, %mul3A_3 : i32
    %mul3A_5 = arith.constant 640 : i32
    %mul3A_6 = arith.muli %arg1, %mul3A_5 : i32
    "tpu.region"() ({
      %run_scoped3A = tpu.sem_alloc : memref<!tpu.dma_semaphore, #tpu.memory_space<semaphore_mem>>
      %dma_start3A_52 = arith.constant 0 : i32
      %dma_start3A_53 = tpu.memref_slice %arg13[%mul3A_6, %dma_start3A_52] : memref<10240x128xf32, #tpu.memory_space<vmem_shared>> -> memref<640x128xf32, #tpu.memory_space<vmem_shared>>
      %dma_start3A_54 = arith.constant 0 : i32
      %dma_start3A_55 = tpu.memref_slice %arg5[%mul3A_4, %dma_start3A_54] : memref<10240x128xf32, #tpu.memory_space<hbm>> -> memref<640x128xf32, #tpu.memory_space<hbm>>
      tpu.enqueue_dma source(%dma_start3A_55 : memref<640x128xf32, #tpu.memory_space<hbm>>) target(%dma_start3A_53 : memref<640x128xf32, #tpu.memory_space<vmem_shared>>) target_semaphore(%run_scoped3A : memref<!tpu.dma_semaphore, #tpu.memory_space<semaphore_mem>>)
      %dma_wait3A_56 = arith.constant 0 : i32
      %dma_wait3A_57 = tpu.memref_slice %arg13[%mul3A_6, %dma_wait3A_56] : memref<10240x128xf32, #tpu.memory_space<vmem_shared>> -> memref<640x128xf32, #tpu.memory_space<vmem_shared>>
      %dma_wait3A_58 = arith.constant 0 : i32
      %dma_wait3A_59 = tpu.memref_slice %arg5[%mul3A_4, %dma_wait3A_58] : memref<10240x128xf32, #tpu.memory_space<hbm>> -> memref<640x128xf32, #tpu.memory_space<hbm>>
      tpu.wait_dma2 semaphore(%run_scoped3A : memref<!tpu.dma_semaphore, #tpu.memory_space<semaphore_mem>>) src(%dma_wait3A_59 : memref<640x128xf32, #tpu.memory_space<hbm>>) dst(%dma_wait3A_57 : memref<640x128xf32, #tpu.memory_space<vmem_shared>>)
      tpu.yield
    }) : () -> ()
    %barrier3A = arith.constant 0 : index
    tpu.barrier barrier_id(%barrier3A)
    %add3A_7 = arith.constant 0 : i32
    %add3A_8 = arith.addi %mul3A_2, %add3A_7 : i32
    %dma_start3A = tpu.memref_slice %arg3[%add3A_8] : memref<320080xi32, #tpu.memory_space<hbm>> -> memref<80xi32, #tpu.memory_space<hbm>>
    %dma_start3A_9 = tpu.memref_slice %arg3[%add3A_8] : memref<320080xi32, #tpu.memory_space<hbm>> -> memref<80xi32, #tpu.memory_space<hbm>>
    tpu.enqueue_dma source(%dma_start3A_9 : memref<80xi32, #tpu.memory_space<hbm>>) target(%arg7 : memref<80xi32, #tpu.memory_space<vmem>>) target_semaphore(%arg14 : memref<!tpu.dma_semaphore, #tpu.memory_space<semaphore_mem>>)
    %add3A_10 = arith.constant 0 : i32
    %add3A_11 = arith.addi %mul3A_2, %add3A_10 : i32
    %dma_start3A_12 = tpu.memref_slice %arg4[%add3A_11] : memref<320080xi32, #tpu.memory_space<hbm>> -> memref<80xi32, #tpu.memory_space<hbm>>
    %dma_start3A_13 = tpu.memref_slice %arg4[%add3A_11] : memref<320080xi32, #tpu.memory_space<hbm>> -> memref<80xi32, #tpu.memory_space<hbm>>
    tpu.enqueue_dma source(%dma_start3A_13 : memref<80xi32, #tpu.memory_space<hbm>>) target(%arg9 : memref<80xi32, #tpu.memory_space<vmem>>) target_semaphore(%arg16 : memref<!tpu.dma_semaphore, #tpu.memory_space<semaphore_mem>>)
    %add3A_14 = arith.constant 80 : i32
    %add3A_15 = arith.addi %mul3A_2, %add3A_14 : i32
    %dma_start3A_16 = tpu.memref_slice %arg3[%add3A_15] : memref<320080xi32, #tpu.memory_space<hbm>> -> memref<80xi32, #tpu.memory_space<hbm>>
    %dma_start3A_17 = tpu.memref_slice %arg3[%add3A_15] : memref<320080xi32, #tpu.memory_space<hbm>> -> memref<80xi32, #tpu.memory_space<hbm>>
    tpu.enqueue_dma source(%dma_start3A_17 : memref<80xi32, #tpu.memory_space<hbm>>) target(%arg8 : memref<80xi32, #tpu.memory_space<vmem>>) target_semaphore(%arg15 : memref<!tpu.dma_semaphore, #tpu.memory_space<semaphore_mem>>)
    %add3A_18 = arith.constant 80 : i32
    %add3A_19 = arith.addi %mul3A_2, %add3A_18 : i32
    %dma_start3A_20 = tpu.memref_slice %arg4[%add3A_19] : memref<320080xi32, #tpu.memory_space<hbm>> -> memref<80xi32, #tpu.memory_space<hbm>>
    %dma_start3A_21 = tpu.memref_slice %arg4[%add3A_19] : memref<320080xi32, #tpu.memory_space<hbm>> -> memref<80xi32, #tpu.memory_space<hbm>>
    tpu.enqueue_dma source(%dma_start3A_21 : memref<80xi32, #tpu.memory_space<hbm>>) target(%arg10 : memref<80xi32, #tpu.memory_space<vmem>>) target_semaphore(%arg17 : memref<!tpu.dma_semaphore, #tpu.memory_space<semaphore_mem>>)
    %add3A_22 = arith.constant 0 : i32
    %add3A_23 = arith.addi %mul3A_2, %add3A_22 : i32
    %dma_wait3A = tpu.memref_slice %arg3[%add3A_23] : memref<320080xi32, #tpu.memory_space<hbm>> -> memref<80xi32, #tpu.memory_space<hbm>>
    %dma_wait3A_24 = tpu.memref_slice %arg3[%add3A_23] : memref<320080xi32, #tpu.memory_space<hbm>> -> memref<80xi32, #tpu.memory_space<hbm>>
    tpu.wait_dma2 semaphore(%arg14 : memref<!tpu.dma_semaphore, #tpu.memory_space<semaphore_mem>>) src(%dma_wait3A_24 : memref<80xi32, #tpu.memory_space<hbm>>) dst(%arg7 : memref<80xi32, #tpu.memory_space<vmem>>)
    %dma_start3A_25 = arith.constant 0 : i32
    %dma_start3A_26 = arith.constant 0 : i32
    %dma_start3A_27 = tpu.memref_slice %arg2[%dma_start3A_25, %dma_start3A_26] : memref<10000x128xf32, #tpu.memory_space<hbm>> -> memref<10000x128xf32, #tpu.memory_space<hbm>>
    tpu.enqueue_indirect_dma source(%dma_start3A_27 : memref<10000x128xf32, #tpu.memory_space<hbm>>) target(%arg11 : memref<80x128xf32, #tpu.memory_space<vmem>>) offsets(%arg7 : memref<80xi32, #tpu.memory_space<vmem>>) semaphore(%arg18 : memref<!tpu.dma_semaphore, #tpu.memory_space<semaphore_mem>>)
    %scan3A = arith.constant 0 : i32
    %scan3A_28 = arith.constant 62 : i32
    %scan3A_29 = arith.addi %scan3A, %scan3A_28 : i32
    %scan3A_30 = arith.constant 1 : i32
    scf.for %scan3A_52 = %scan3A to %scan3A_29 step %scan3A_30  : i32 {
      %mul3A_53 = arith.constant 2 : i32
      %mul3A_54 = arith.muli %scan3A_52, %mul3A_53 : i32
      %add3A_55 = arith.constant 0 : i32
      %add3A_56 = arith.addi %add3A_55, %mul3A_54 : i32
      %add3A_57 = arith.constant 1 : i32
      %add3A_58 = arith.addi %add3A_56, %add3A_57 : i32
      %mul3A_59 = arith.constant 80 : i32
      %mul3A_60 = arith.muli %add3A_58, %mul3A_59 : i32
      %add3A_61 = arith.addi %mul3A_2, %mul3A_60 : i32
      %dma_wait3A_62 = tpu.memref_slice %arg3[%add3A_61] : memref<320080xi32, #tpu.memory_space<hbm>> -> memref<80xi32, #tpu.memory_space<hbm>>
      %dma_wait3A_63 = tpu.memref_slice %arg3[%add3A_61] : memref<320080xi32, #tpu.memory_space<hbm>> -> memref<80xi32, #tpu.memory_space<hbm>>
      tpu.wait_dma2 semaphore(%arg15 : memref<!tpu.dma_semaphore, #tpu.memory_space<semaphore_mem>>) src(%dma_wait3A_63 : memref<80xi32, #tpu.memory_space<hbm>>) dst(%arg8 : memref<80xi32, #tpu.memory_space<vmem>>)
      %dma_start3A_64 = arith.constant 0 : i32
      %dma_start3A_65 = arith.constant 0 : i32
      %dma_start3A_66 = tpu.memref_slice %arg2[%dma_start3A_64, %dma_start3A_65] : memref<10000x128xf32, #tpu.memory_space<hbm>> -> memref<10000x128xf32, #tpu.memory_space<hbm>>
      tpu.enqueue_indirect_dma source(%dma_start3A_66 : memref<10000x128xf32, #tpu.memory_space<hbm>>) target(%arg12 : memref<80x128xf32, #tpu.memory_space<vmem>>) offsets(%arg8 : memref<80xi32, #tpu.memory_space<vmem>>) semaphore(%arg19 : memref<!tpu.dma_semaphore, #tpu.memory_space<semaphore_mem>>)
      %dma_wait3A_67 = arith.constant 0 : i32
      %dma_wait3A_68 = arith.constant 0 : i32
      %dma_wait3A_69 = tpu.memref_slice %arg2[%dma_wait3A_67, %dma_wait3A_68] : memref<10000x128xf32, #tpu.memory_space<hbm>> -> memref<10000x128xf32, #tpu.memory_space<hbm>>
      tpu.wait_indirect_dma semaphore(%arg18 : memref<!tpu.dma_semaphore, #tpu.memory_space<semaphore_mem>>) src(%dma_wait3A_69 : memref<10000x128xf32, #tpu.memory_space<hbm>>) dst(%arg11 : memref<80x128xf32, #tpu.memory_space<vmem>>)
      %mul3A_70 = arith.constant 80 : i32
      %mul3A_71 = arith.muli %add3A_56, %mul3A_70 : i32
      %add3A_72 = arith.addi %mul3A_2, %mul3A_71 : i32
      %dma_wait3A_73 = tpu.memref_slice %arg4[%add3A_72] : memref<320080xi32, #tpu.memory_space<hbm>> -> memref<80xi32, #tpu.memory_space<hbm>>
      %dma_wait3A_74 = tpu.memref_slice %arg4[%add3A_72] : memref<320080xi32, #tpu.memory_space<hbm>> -> memref<80xi32, #tpu.memory_space<hbm>>
      tpu.wait_dma2 semaphore(%arg16 : memref<!tpu.dma_semaphore, #tpu.memory_space<semaphore_mem>>) src(%dma_wait3A_74 : memref<80xi32, #tpu.memory_space<hbm>>) dst(%arg9 : memref<80xi32, #tpu.memory_space<vmem>>)
      "tpu.region"() ({
        %run_scoped3A = tpu.sem_alloc : memref<!tpu.dma_semaphore, #tpu.memory_space<semaphore_mem>>
        %dma_start3A_123 = arith.constant 0 : i32
        %dma_start3A_124 = arith.constant 0 : i32
        %dma_start3A_125 = tpu.memref_slice %arg13[%dma_start3A_123, %dma_start3A_124] : memref<10240x128xf32, #tpu.memory_space<vmem_shared>> -> memref<10240x128xf32, #tpu.memory_space<vmem_shared>>
        tpu.enqueue_indirect_dma source(%arg11 : memref<80x128xf32, #tpu.memory_space<vmem>>) target(%dma_start3A_125 : memref<10240x128xf32, #tpu.memory_space<vmem_shared>>) offsets(%arg9 : memref<80xi32, #tpu.memory_space<vmem>>) semaphore(%run_scoped3A : memref<!tpu.dma_semaphore, #tpu.memory_space<semaphore_mem>>) {add = true}
        %dma_wait3A_126 = arith.constant 0 : i32
        %dma_wait3A_127 = arith.constant 0 : i32
        %dma_wait3A_128 = tpu.memref_slice %arg13[%dma_wait3A_126, %dma_wait3A_127] : memref<10240x128xf32, #tpu.memory_space<vmem_shared>> -> memref<10240x128xf32, #tpu.memory_space<vmem_shared>>
        tpu.wait_indirect_dma semaphore(%run_scoped3A : memref<!tpu.dma_semaphore, #tpu.memory_space<semaphore_mem>>) src(%arg11 : memref<80x128xf32, #tpu.memory_space<vmem>>) dst(%dma_wait3A_128 : memref<10240x128xf32, #tpu.memory_space<vmem_shared>>)
        tpu.yield
      }) : () -> ()
      %add3A_75 = arith.constant 2 : i32
      %add3A_76 = arith.addi %add3A_56, %add3A_75 : i32
      %mul3A_77 = arith.constant 80 : i32
      %mul3A_78 = arith.muli %add3A_76, %mul3A_77 : i32
      %add3A_79 = arith.addi %mul3A_2, %mul3A_78 : i32
      %dma_start3A_80 = tpu.memref_slice %arg3[%add3A_79] : memref<320080xi32, #tpu.memory_space<hbm>> -> memref<80xi32, #tpu.memory_space<hbm>>
      %dma_start3A_81 = tpu.memref_slice %arg3[%add3A_79] : memref<320080xi32, #tpu.memory_space<hbm>> -> memref<80xi32, #tpu.memory_space<hbm>>
      tpu.enqueue_dma source(%dma_start3A_81 : memref<80xi32, #tpu.memory_space<hbm>>) target(%arg7 : memref<80xi32, #tpu.memory_space<vmem>>) target_semaphore(%arg14 : memref<!tpu.dma_semaphore, #tpu.memory_space<semaphore_mem>>)
      %add3A_82 = arith.constant 2 : i32
      %add3A_83 = arith.addi %add3A_56, %add3A_82 : i32
      %mul3A_84 = arith.constant 80 : i32
      %mul3A_85 = arith.muli %add3A_83, %mul3A_84 : i32
      %add3A_86 = arith.addi %mul3A_2, %mul3A_85 : i32
      %dma_start3A_87 = tpu.memref_slice %arg4[%add3A_86] : memref<320080xi32, #tpu.memory_space<hbm>> -> memref<80xi32, #tpu.memory_space<hbm>>
      %dma_start3A_88 = tpu.memref_slice %arg4[%add3A_86] : memref<320080xi32, #tpu.memory_space<hbm>> -> memref<80xi32, #tpu.memory_space<hbm>>
      tpu.enqueue_dma source(%dma_start3A_88 : memref<80xi32, #tpu.memory_space<hbm>>) target(%arg9 : memref<80xi32, #tpu.memory_space<vmem>>) target_semaphore(%arg16 : memref<!tpu.dma_semaphore, #tpu.memory_space<semaphore_mem>>)
      %add3A_89 = arith.constant 2 : i32
      %add3A_90 = arith.addi %add3A_56, %add3A_89 : i32
      %mul3A_91 = arith.constant 80 : i32
      %mul3A_92 = arith.muli %add3A_90, %mul3A_91 : i32
      %add3A_93 = arith.addi %mul3A_2, %mul3A_92 : i32
      %dma_wait3A_94 = tpu.memref_slice %arg3[%add3A_93] : memref<320080xi32, #tpu.memory_space<hbm>> -> memref<80xi32, #tpu.memory_space<hbm>>
      %dma_wait3A_95 = tpu.memref_slice %arg3[%add3A_93] : memref<320080xi32, #tpu.memory_space<hbm>> -> memref<80xi32, #tpu.memory_space<hbm>>
      tpu.wait_dma2 semaphore(%arg14 : memref<!tpu.dma_semaphore, #tpu.memory_space<semaphore_mem>>) src(%dma_wait3A_95 : memref<80xi32, #tpu.memory_space<hbm>>) dst(%arg7 : memref<80xi32, #tpu.memory_space<vmem>>)
      %dma_start3A_96 = arith.constant 0 : i32
      %dma_start3A_97 = arith.constant 0 : i32
      %dma_start3A_98 = tpu.memref_slice %arg2[%dma_start3A_96, %dma_start3A_97] : memref<10000x128xf32, #tpu.memory_space<hbm>> -> memref<10000x128xf32, #tpu.memory_space<hbm>>
      tpu.enqueue_indirect_dma source(%dma_start3A_98 : memref<10000x128xf32, #tpu.memory_space<hbm>>) target(%arg11 : memref<80x128xf32, #tpu.memory_space<vmem>>) offsets(%arg7 : memref<80xi32, #tpu.memory_space<vmem>>) semaphore(%arg18 : memref<!tpu.dma_semaphore, #tpu.memory_space<semaphore_mem>>)
      %dma_wait3A_99 = arith.constant 0 : i32
      %dma_wait3A_100 = arith.constant 0 : i32
      %dma_wait3A_101 = tpu.memref_slice %arg2[%dma_wait3A_99, %dma_wait3A_100] : memref<10000x128xf32, #tpu.memory_space<hbm>> -> memref<10000x128xf32, #tpu.memory_space<hbm>>
      tpu.wait_indirect_dma semaphore(%arg19 : memref<!tpu.dma_semaphore, #tpu.memory_space<semaphore_mem>>) src(%dma_wait3A_101 : memref<10000x128xf32, #tpu.memory_space<hbm>>) dst(%arg12 : memref<80x128xf32, #tpu.memory_space<vmem>>)
      %add3A_102 = arith.constant 1 : i32
      %add3A_103 = arith.addi %add3A_56, %add3A_102 : i32
      %mul3A_104 = arith.constant 80 : i32
      %mul3A_105 = arith.muli %add3A_103, %mul3A_104 : i32
      %add3A_106 = arith.addi %mul3A_2, %mul3A_105 : i32
      %dma_wait3A_107 = tpu.memref_slice %arg4[%add3A_106] : memref<320080xi32, #tpu.memory_space<hbm>> -> memref<80xi32, #tpu.memory_space<hbm>>
      %dma_wait3A_108 = tpu.memref_slice %arg4[%add3A_106] : memref<320080xi32, #tpu.memory_space<hbm>> -> memref<80xi32, #tpu.memory_space<hbm>>
      tpu.wait_dma2 semaphore(%arg17 : memref<!tpu.dma_semaphore, #tpu.memory_space<semaphore_mem>>) src(%dma_wait3A_108 : memref<80xi32, #tpu.memory_space<hbm>>) dst(%arg10 : memref<80xi32, #tpu.memory_space<vmem>>)
      "tpu.region"() ({
        %run_scoped3A = tpu.sem_alloc : memref<!tpu.dma_semaphore, #tpu.memory_space<semaphore_mem>>
        %dma_start3A_123 = arith.constant 0 : i32
        %dma_start3A_124 = arith.constant 0 : i32
        %dma_start3A_125 = tpu.memref_slice %arg13[%dma_start3A_123, %dma_start3A_124] : memref<10240x128xf32, #tpu.memory_space<vmem_shared>> -> memref<10240x128xf32, #tpu.memory_space<vmem_shared>>
        tpu.enqueue_indirect_dma source(%arg12 : memref<80x128xf32, #tpu.memory_space<vmem>>) target(%dma_start3A_125 : memref<10240x128xf32, #tpu.memory_space<vmem_shared>>) offsets(%arg10 : memref<80xi32, #tpu.memory_space<vmem>>) semaphore(%run_scoped3A : memref<!tpu.dma_semaphore, #tpu.memory_space<semaphore_mem>>) {add = true}
        %dma_wait3A_126 = arith.constant 0 : i32
        %dma_wait3A_127 = arith.constant 0 : i32
        %dma_wait3A_128 = tpu.memref_slice %arg13[%dma_wait3A_126, %dma_wait3A_127] : memref<10240x128xf32, #tpu.memory_space<vmem_shared>> -> memref<10240x128xf32, #tpu.memory_space<vmem_shared>>
        tpu.wait_indirect_dma semaphore(%run_scoped3A : memref<!tpu.dma_semaphore, #tpu.memory_space<semaphore_mem>>) src(%arg12 : memref<80x128xf32, #tpu.memory_space<vmem>>) dst(%dma_wait3A_128 : memref<10240x128xf32, #tpu.memory_space<vmem_shared>>)
        tpu.yield
      }) : () -> ()
      %add3A_109 = arith.constant 3 : i32
      %add3A_110 = arith.addi %add3A_56, %add3A_109 : i32
      %mul3A_111 = arith.constant 80 : i32
      %mul3A_112 = arith.muli %add3A_110, %mul3A_111 : i32
      %add3A_113 = arith.addi %mul3A_2, %mul3A_112 : i32
      %dma_start3A_114 = tpu.memref_slice %arg3[%add3A_113] : memref<320080xi32, #tpu.memory_space<hbm>> -> memref<80xi32, #tpu.memory_space<hbm>>
      %dma_start3A_115 = tpu.memref_slice %arg3[%add3A_113] : memref<320080xi32, #tpu.memory_space<hbm>> -> memref<80xi32, #tpu.memory_space<hbm>>
      tpu.enqueue_dma source(%dma_start3A_115 : memref<80xi32, #tpu.memory_space<hbm>>) target(%arg8 : memref<80xi32, #tpu.memory_space<vmem>>) target_semaphore(%arg15 : memref<!tpu.dma_semaphore, #tpu.memory_space<semaphore_mem>>)
      %add3A_116 = arith.constant 3 : i32
      %add3A_117 = arith.addi %add3A_56, %add3A_116 : i32
      %mul3A_118 = arith.constant 80 : i32
      %mul3A_119 = arith.muli %add3A_117, %mul3A_118 : i32
      %add3A_120 = arith.addi %mul3A_2, %mul3A_119 : i32
      %dma_start3A_121 = tpu.memref_slice %arg4[%add3A_120] : memref<320080xi32, #tpu.memory_space<hbm>> -> memref<80xi32, #tpu.memory_space<hbm>>
      %dma_start3A_122 = tpu.memref_slice %arg4[%add3A_120] : memref<320080xi32, #tpu.memory_space<hbm>> -> memref<80xi32, #tpu.memory_space<hbm>>
      tpu.enqueue_dma source(%dma_start3A_122 : memref<80xi32, #tpu.memory_space<hbm>>) target(%arg10 : memref<80xi32, #tpu.memory_space<vmem>>) target_semaphore(%arg17 : memref<!tpu.dma_semaphore, #tpu.memory_space<semaphore_mem>>)
    }
    %scan3A_31 = arith.constant 62 : i32
    %dma_wait3A_32 = arith.constant 0 : i32
    %dma_wait3A_33 = arith.constant 0 : i32
    %dma_wait3A_34 = tpu.memref_slice %arg2[%dma_wait3A_32, %dma_wait3A_33] : memref<10000x128xf32, #tpu.memory_space<hbm>> -> memref<10000x128xf32, #tpu.memory_space<hbm>>
    tpu.wait_indirect_dma semaphore(%arg18 : memref<!tpu.dma_semaphore, #tpu.memory_space<semaphore_mem>>) src(%dma_wait3A_34 : memref<10000x128xf32, #tpu.memory_space<hbm>>) dst(%arg11 : memref<80x128xf32, #tpu.memory_space<vmem>>)
    %add3A_35 = arith.constant 9920 : i32
    %add3A_36 = arith.addi %mul3A_2, %add3A_35 : i32
    %dma_wait3A_37 = tpu.memref_slice %arg4[%add3A_36] : memref<320080xi32, #tpu.memory_space<hbm>> -> memref<80xi32, #tpu.memory_space<hbm>>
    %dma_wait3A_38 = tpu.memref_slice %arg4[%add3A_36] : memref<320080xi32, #tpu.memory_space<hbm>> -> memref<80xi32, #tpu.memory_space<hbm>>
    tpu.wait_dma2 semaphore(%arg16 : memref<!tpu.dma_semaphore, #tpu.memory_space<semaphore_mem>>) src(%dma_wait3A_38 : memref<80xi32, #tpu.memory_space<hbm>>) dst(%arg9 : memref<80xi32, #tpu.memory_space<vmem>>)
    "tpu.region"() ({
      %run_scoped3A = tpu.sem_alloc : memref<!tpu.dma_semaphore, #tpu.memory_space<semaphore_mem>>
      %dma_start3A_52 = arith.constant 0 : i32
      %dma_start3A_53 = arith.constant 0 : i32
      %dma_start3A_54 = tpu.memref_slice %arg13[%dma_start3A_52, %dma_start3A_53] : memref<10240x128xf32, #tpu.memory_space<vmem_shared>> -> memref<10240x128xf32, #tpu.memory_space<vmem_shared>>
      tpu.enqueue_indirect_dma source(%arg11 : memref<80x128xf32, #tpu.memory_space<vmem>>) target(%dma_start3A_54 : memref<10240x128xf32, #tpu.memory_space<vmem_shared>>) offsets(%arg9 : memref<80xi32, #tpu.memory_space<vmem>>) semaphore(%run_scoped3A : memref<!tpu.dma_semaphore, #tpu.memory_space<semaphore_mem>>) {add = true}
      %dma_wait3A_55 = arith.constant 0 : i32
      %dma_wait3A_56 = arith.constant 0 : i32
      %dma_wait3A_57 = tpu.memref_slice %arg13[%dma_wait3A_55, %dma_wait3A_56] : memref<10240x128xf32, #tpu.memory_space<vmem_shared>> -> memref<10240x128xf32, #tpu.memory_space<vmem_shared>>
      tpu.wait_indirect_dma semaphore(%run_scoped3A : memref<!tpu.dma_semaphore, #tpu.memory_space<semaphore_mem>>) src(%arg11 : memref<80x128xf32, #tpu.memory_space<vmem>>) dst(%dma_wait3A_57 : memref<10240x128xf32, #tpu.memory_space<vmem_shared>>)
      tpu.yield
    }) : () -> ()
    %add3A_39 = arith.constant 10000 : i32
    %add3A_40 = arith.addi %mul3A_2, %add3A_39 : i32
    %dma_wait3A_41 = tpu.memref_slice %arg3[%add3A_40] : memref<320080xi32, #tpu.memory_space<hbm>> -> memref<80xi32, #tpu.memory_space<hbm>>
    %dma_wait3A_42 = tpu.memref_slice %arg3[%add3A_40] : memref<320080xi32, #tpu.memory_space<hbm>> -> memref<80xi32, #tpu.memory_space<hbm>>
    tpu.wait_dma2 semaphore(%arg15 : memref<!tpu.dma_semaphore, #tpu.memory_space<semaphore_mem>>) src(%dma_wait3A_42 : memref<80xi32, #tpu.memory_space<hbm>>) dst(%arg8 : memref<80xi32, #tpu.memory_space<vmem>>)
    %add3A_43 = arith.constant 10000 : i32
    %add3A_44 = arith.addi %mul3A_2, %add3A_43 : i32
    %dma_wait3A_45 = tpu.memref_slice %arg4[%add3A_44] : memref<320080xi32, #tpu.memory_space<hbm>> -> memref<80xi32, #tpu.memory_space<hbm>>
    %dma_wait3A_46 = tpu.memref_slice %arg4[%add3A_44] : memref<320080xi32, #tpu.memory_space<hbm>> -> memref<80xi32, #tpu.memory_space<hbm>>
    tpu.wait_dma2 semaphore(%arg17 : memref<!tpu.dma_semaphore, #tpu.memory_space<semaphore_mem>>) src(%dma_wait3A_46 : memref<80xi32, #tpu.memory_space<hbm>>) dst(%arg10 : memref<80xi32, #tpu.memory_space<vmem>>)
    %barrier3A_47 = arith.constant 0 : index
    tpu.barrier barrier_id(%barrier3A_47)
    %mul3A_48 = arith.constant 640 : i32
    %mul3A_49 = arith.muli %arg1, %mul3A_48 : i32
    %mul3A_50 = arith.constant 640 : i32
    %mul3A_51 = arith.muli %arg1, %mul3A_50 : i32
    "tpu.region"() ({
      %run_scoped3A = tpu.sem_alloc : memref<!tpu.dma_semaphore, #tpu.memory_space<semaphore_mem>>
      %dma_start3A_52 = arith.constant 0 : i32
      %dma_start3A_53 = tpu.memref_slice %arg6[%arg0, %mul3A_51, %dma_start3A_52] : memref<2x10240x128xf32, #tpu.memory_space<hbm>> -> memref<1x640x128xf32, #tpu.memory_space<hbm>>
      %dma_start3A_54 = tpu.memref_squeeze %dma_start3A_53 : memref<1x640x128xf32, #tpu.memory_space<hbm>> -> memref<640x128xf32, #tpu.memory_space<hbm>>
      %dma_start3A_55 = arith.constant 0 : i32
      %dma_start3A_56 = tpu.memref_slice %arg13[%mul3A_49, %dma_start3A_55] : memref<10240x128xf32, #tpu.memory_space<vmem_shared>> -> memref<640x128xf32, #tpu.memory_space<vmem_shared>>
      tpu.enqueue_dma source(%dma_start3A_56 : memref<640x128xf32, #tpu.memory_space<vmem_shared>>) target(%dma_start3A_54 : memref<640x128xf32, #tpu.memory_space<hbm>>) target_semaphore(%run_scoped3A : memref<!tpu.dma_semaphore, #tpu.memory_space<semaphore_mem>>)
      %dma_wait3A_57 = arith.constant 0 : i32
      %dma_wait3A_58 = tpu.memref_slice %arg6[%arg0, %mul3A_51, %dma_wait3A_57] : memref<2x10240x128xf32, #tpu.memory_space<hbm>> -> memref<1x640x128xf32, #tpu.memory_space<hbm>>
      %dma_wait3A_59 = tpu.memref_squeeze %dma_wait3A_58 : memref<1x640x128xf32, #tpu.memory_space<hbm>> -> memref<640x128xf32, #tpu.memory_space<hbm>>
      %dma_wait3A_60 = arith.constant 0 : i32
      %dma_wait3A_61 = tpu.memref_slice %arg13[%mul3A_49, %dma_wait3A_60] : memref<10240x128xf32, #tpu.memory_space<vmem_shared>> -> memref<640x128xf32, #tpu.memory_space<vmem_shared>>
      tpu.wait_dma2 semaphore(%run_scoped3A : memref<!tpu.dma_semaphore, #tpu.memory_space<semaphore_mem>>) src(%dma_wait3A_61 : memref<640x128xf32, #tpu.memory_space<vmem_shared>>) dst(%dma_wait3A_59 : memref<640x128xf32, #tpu.memory_space<hbm>>)
      tpu.yield
    }) : () -> ()
    return
  }
}

#map = affine_map<(d0, d1) -> (0, 0)>
#map1 = affine_map<(d0, d1) -> (0)>
#map2 = affine_map<(d0, d1) -> (0, 0, 0)>
module attributes {stable_mosaic.version = 14 : i64} {
  func.func @msg_kernel(%arg0: i32, %arg1: i32, %arg2: memref<10000x128xf32, #tpu.memory_space<hbm>>, %arg3: memref<320080xi32, #tpu.memory_space<hbm>>, %arg4: memref<320080xi32, #tpu.memory_space<hbm>>, %arg5: memref<10240x128xf32, #tpu.memory_space<hbm>>, %arg6: memref<2x10240x128xf32, #tpu.memory_space<hbm>>, %arg7: memref<80xi32, #tpu.memory_space<vmem>>, %arg8: memref<80xi32, #tpu.memory_space<vmem>>, %arg9: memref<80xi32, #tpu.memory_space<vmem>>, %arg10: memref<80xi32, #tpu.memory_space<vmem>>, %arg11: memref<80x128xf32, #tpu.memory_space<vmem>>, %arg12: memref<80x128xf32, #tpu.memory_space<vmem>>, %arg13: memref<10240x128xf32, #tpu.memory_space<vmem_shared>>, %arg14: memref<!tpu.dma_semaphore, #tpu.memory_space<semaphore_mem>>, %arg15: memref<!tpu.dma_semaphore, #tpu.memory_space<semaphore_mem>>, %arg16: memref<!tpu.dma_semaphore, #tpu.memory_space<semaphore_mem>>, %arg17: memref<!tpu.dma_semaphore, #tpu.memory_space<semaphore_mem>>, %arg18: memref<!tpu.dma_semaphore, #tpu.memory_space<semaphore_mem>>, %arg19: memref<!tpu.dma_semaphore, #tpu.memory_space<semaphore_mem>>) attributes {dimension_semantics = [#tpu.dimension_semantics<core_parallel>, #tpu.dimension_semantics<subcore_parallel>], iteration_bounds = array<i64: 2, 16>, scalar_prefetch = 0 : i64, scratch_operands = 13 : i64, tpu.core_type = #tpu.core_type<sc_vector_subcore>, window_params = [{transform_indices = #map}, {transform_indices = #map1}, {transform_indices = #map1}, {transform_indices = #map}, {transform_indices = #map2}]} {
    %mul3A = arith.constant 16 : i32
    %mul3A_0 = arith.muli %arg0, %mul3A : i32
    %add3A = arith.addi %mul3A_0, %arg1 : i32
    %mul3A_1 = arith.constant 10000 : i32
    %mul3A_2 = arith.muli %add3A, %mul3A_1 : i32
    %mul3A_3 = arith.constant 640 : i32
    %mul3A_4 = arith.muli %arg1, %mul3A_3 : i32
    %mul3A_5 = arith.constant 640 : i32
    %mul3A_6 = arith.muli %arg1, %mul3A_5 : i32
    "tpu.region"() ({
      %run_scoped3A = tpu.sem_alloc : memref<!tpu.dma_semaphore, #tpu.memory_space<semaphore_mem>>
      %dma_start3A_52 = arith.constant 0 : i32
      %dma_start3A_53 = tpu.memref_slice %arg13[%mul3A_6, %dma_start3A_52] : memref<10240x128xf32, #tpu.memory_space<vmem_shared>> -> memref<640x128xf32, #tpu.memory_space<vmem_shared>>
      %dma_start3A_54 = arith.constant 0 : i32
      %dma_start3A_55 = tpu.memref_slice %arg5[%mul3A_4, %dma_start3A_54] : memref<10240x128xf32, #tpu.memory_space<hbm>> -> memref<640x128xf32, #tpu.memory_space<hbm>>
      tpu.enqueue_dma source(%dma_start3A_55 : memref<640x128xf32, #tpu.memory_space<hbm>>) target(%dma_start3A_53 : memref<640x128xf32, #tpu.memory_space<vmem_shared>>) target_semaphore(%run_scoped3A : memref<!tpu.dma_semaphore, #tpu.memory_space<semaphore_mem>>)
      %dma_wait3A_56 = arith.constant 0 : i32
      %dma_wait3A_57 = tpu.memref_slice %arg13[%mul3A_6, %dma_wait3A_56] : memref<10240x128xf32, #tpu.memory_space<vmem_shared>> -> memref<640x128xf32, #tpu.memory_space<vmem_shared>>
      %dma_wait3A_58 = arith.constant 0 : i32
      %dma_wait3A_59 = tpu.memref_slice %arg5[%mul3A_4, %dma_wait3A_58] : memref<10240x128xf32, #tpu.memory_space<hbm>> -> memref<640x128xf32, #tpu.memory_space<hbm>>
      tpu.wait_dma2 semaphore(%run_scoped3A : memref<!tpu.dma_semaphore, #tpu.memory_space<semaphore_mem>>) src(%dma_wait3A_59 : memref<640x128xf32, #tpu.memory_space<hbm>>) dst(%dma_wait3A_57 : memref<640x128xf32, #tpu.memory_space<vmem_shared>>)
      tpu.yield
    }) : () -> ()
    %barrier3A = arith.constant 0 : index
    tpu.barrier barrier_id(%barrier3A)
    %add3A_7 = arith.constant 0 : i32
    %add3A_8 = arith.addi %mul3A_2, %add3A_7 : i32
    %dma_start3A = tpu.memref_slice %arg3[%add3A_8] : memref<320080xi32, #tpu.memory_space<hbm>> -> memref<80xi32, #tpu.memory_space<hbm>>
    %dma_start3A_9 = tpu.memref_slice %arg3[%add3A_8] : memref<320080xi32, #tpu.memory_space<hbm>> -> memref<80xi32, #tpu.memory_space<hbm>>
    tpu.enqueue_dma source(%dma_start3A_9 : memref<80xi32, #tpu.memory_space<hbm>>) target(%arg7 : memref<80xi32, #tpu.memory_space<vmem>>) target_semaphore(%arg14 : memref<!tpu.dma_semaphore, #tpu.memory_space<semaphore_mem>>)
    %add3A_10 = arith.constant 0 : i32
    %add3A_11 = arith.addi %mul3A_2, %add3A_10 : i32
    %dma_start3A_12 = tpu.memref_slice %arg4[%add3A_11] : memref<320080xi32, #tpu.memory_space<hbm>> -> memref<80xi32, #tpu.memory_space<hbm>>
    %dma_start3A_13 = tpu.memref_slice %arg4[%add3A_11] : memref<320080xi32, #tpu.memory_space<hbm>> -> memref<80xi32, #tpu.memory_space<hbm>>
    tpu.enqueue_dma source(%dma_start3A_13 : memref<80xi32, #tpu.memory_space<hbm>>) target(%arg9 : memref<80xi32, #tpu.memory_space<vmem>>) target_semaphore(%arg16 : memref<!tpu.dma_semaphore, #tpu.memory_space<semaphore_mem>>)
    %add3A_14 = arith.constant 80 : i32
    %add3A_15 = arith.addi %mul3A_2, %add3A_14 : i32
    %dma_start3A_16 = tpu.memref_slice %arg3[%add3A_15] : memref<320080xi32, #tpu.memory_space<hbm>> -> memref<80xi32, #tpu.memory_space<hbm>>
    %dma_start3A_17 = tpu.memref_slice %arg3[%add3A_15] : memref<320080xi32, #tpu.memory_space<hbm>> -> memref<80xi32, #tpu.memory_space<hbm>>
    tpu.enqueue_dma source(%dma_start3A_17 : memref<80xi32, #tpu.memory_space<hbm>>) target(%arg8 : memref<80xi32, #tpu.memory_space<vmem>>) target_semaphore(%arg15 : memref<!tpu.dma_semaphore, #tpu.memory_space<semaphore_mem>>)
    %add3A_18 = arith.constant 80 : i32
    %add3A_19 = arith.addi %mul3A_2, %add3A_18 : i32
    %dma_start3A_20 = tpu.memref_slice %arg4[%add3A_19] : memref<320080xi32, #tpu.memory_space<hbm>> -> memref<80xi32, #tpu.memory_space<hbm>>
    %dma_start3A_21 = tpu.memref_slice %arg4[%add3A_19] : memref<320080xi32, #tpu.memory_space<hbm>> -> memref<80xi32, #tpu.memory_space<hbm>>
    tpu.enqueue_dma source(%dma_start3A_21 : memref<80xi32, #tpu.memory_space<hbm>>) target(%arg10 : memref<80xi32, #tpu.memory_space<vmem>>) target_semaphore(%arg17 : memref<!tpu.dma_semaphore, #tpu.memory_space<semaphore_mem>>)
    %add3A_22 = arith.constant 0 : i32
    %add3A_23 = arith.addi %mul3A_2, %add3A_22 : i32
    %dma_wait3A = tpu.memref_slice %arg3[%add3A_23] : memref<320080xi32, #tpu.memory_space<hbm>> -> memref<80xi32, #tpu.memory_space<hbm>>
    %dma_wait3A_24 = tpu.memref_slice %arg3[%add3A_23] : memref<320080xi32, #tpu.memory_space<hbm>> -> memref<80xi32, #tpu.memory_space<hbm>>
    tpu.wait_dma2 semaphore(%arg14 : memref<!tpu.dma_semaphore, #tpu.memory_space<semaphore_mem>>) src(%dma_wait3A_24 : memref<80xi32, #tpu.memory_space<hbm>>) dst(%arg7 : memref<80xi32, #tpu.memory_space<vmem>>)
    %dma_start3A_25 = arith.constant 0 : i32
    %dma_start3A_26 = arith.constant 0 : i32
    %dma_start3A_27 = tpu.memref_slice %arg2[%dma_start3A_25, %dma_start3A_26] : memref<10000x128xf32, #tpu.memory_space<hbm>> -> memref<10000x128xf32, #tpu.memory_space<hbm>>
    tpu.enqueue_indirect_dma source(%dma_start3A_27 : memref<10000x128xf32, #tpu.memory_space<hbm>>) target(%arg11 : memref<80x128xf32, #tpu.memory_space<vmem>>) offsets(%arg7 : memref<80xi32, #tpu.memory_space<vmem>>) semaphore(%arg18 : memref<!tpu.dma_semaphore, #tpu.memory_space<semaphore_mem>>)
    %scan3A = arith.constant 0 : i32
    %scan3A_28 = arith.constant 62 : i32
    %scan3A_29 = arith.addi %scan3A, %scan3A_28 : i32
    %scan3A_30 = arith.constant 1 : i32
    scf.for %scan3A_52 = %scan3A to %scan3A_29 step %scan3A_30  : i32 {
      %mul3A_53 = arith.constant 2 : i32
      %mul3A_54 = arith.muli %scan3A_52, %mul3A_53 : i32
      %add3A_55 = arith.constant 0 : i32
      %add3A_56 = arith.addi %add3A_55, %mul3A_54 : i32
      %add3A_57 = arith.constant 1 : i32
      %add3A_58 = arith.addi %add3A_56, %add3A_57 : i32
      %mul3A_59 = arith.constant 80 : i32
      %mul3A_60 = arith.muli %add3A_58, %mul3A_59 : i32
      %add3A_61 = arith.addi %mul3A_2, %mul3A_60 : i32
      %dma_wait3A_62 = tpu.memref_slice %arg3[%add3A_61] : memref<320080xi32, #tpu.memory_space<hbm>> -> memref<80xi32, #tpu.memory_space<hbm>>
      %dma_wait3A_63 = tpu.memref_slice %arg3[%add3A_61] : memref<320080xi32, #tpu.memory_space<hbm>> -> memref<80xi32, #tpu.memory_space<hbm>>
      tpu.wait_dma2 semaphore(%arg15 : memref<!tpu.dma_semaphore, #tpu.memory_space<semaphore_mem>>) src(%dma_wait3A_63 : memref<80xi32, #tpu.memory_space<hbm>>) dst(%arg8 : memref<80xi32, #tpu.memory_space<vmem>>)
      %dma_start3A_64 = arith.constant 0 : i32
      %dma_start3A_65 = arith.constant 0 : i32
      %dma_start3A_66 = tpu.memref_slice %arg2[%dma_start3A_64, %dma_start3A_65] : memref<10000x128xf32, #tpu.memory_space<hbm>> -> memref<10000x128xf32, #tpu.memory_space<hbm>>
      tpu.enqueue_indirect_dma source(%dma_start3A_66 : memref<10000x128xf32, #tpu.memory_space<hbm>>) target(%arg12 : memref<80x128xf32, #tpu.memory_space<vmem>>) offsets(%arg8 : memref<80xi32, #tpu.memory_space<vmem>>) semaphore(%arg19 : memref<!tpu.dma_semaphore, #tpu.memory_space<semaphore_mem>>)
      %dma_wait3A_67 = arith.constant 0 : i32
      %dma_wait3A_68 = arith.constant 0 : i32
      %dma_wait3A_69 = tpu.memref_slice %arg2[%dma_wait3A_67, %dma_wait3A_68] : memref<10000x128xf32, #tpu.memory_space<hbm>> -> memref<10000x128xf32, #tpu.memory_space<hbm>>
      tpu.wait_indirect_dma semaphore(%arg18 : memref<!tpu.dma_semaphore, #tpu.memory_space<semaphore_mem>>) src(%dma_wait3A_69 : memref<10000x128xf32, #tpu.memory_space<hbm>>) dst(%arg11 : memref<80x128xf32, #tpu.memory_space<vmem>>)
      %mul3A_70 = arith.constant 80 : i32
      %mul3A_71 = arith.muli %add3A_56, %mul3A_70 : i32
      %add3A_72 = arith.addi %mul3A_2, %mul3A_71 : i32
      %dma_wait3A_73 = tpu.memref_slice %arg4[%add3A_72] : memref<320080xi32, #tpu.memory_space<hbm>> -> memref<80xi32, #tpu.memory_space<hbm>>
      %dma_wait3A_74 = tpu.memref_slice %arg4[%add3A_72] : memref<320080xi32, #tpu.memory_space<hbm>> -> memref<80xi32, #tpu.memory_space<hbm>>
      tpu.wait_dma2 semaphore(%arg16 : memref<!tpu.dma_semaphore, #tpu.memory_space<semaphore_mem>>) src(%dma_wait3A_74 : memref<80xi32, #tpu.memory_space<hbm>>) dst(%arg9 : memref<80xi32, #tpu.memory_space<vmem>>)
      "tpu.region"() ({
        %run_scoped3A = tpu.sem_alloc : memref<!tpu.dma_semaphore, #tpu.memory_space<semaphore_mem>>
        %dma_start3A_123 = arith.constant 0 : i32
        %dma_start3A_124 = arith.constant 0 : i32
        %dma_start3A_125 = tpu.memref_slice %arg13[%dma_start3A_123, %dma_start3A_124] : memref<10240x128xf32, #tpu.memory_space<vmem_shared>> -> memref<10240x128xf32, #tpu.memory_space<vmem_shared>>
        tpu.enqueue_indirect_dma source(%arg11 : memref<80x128xf32, #tpu.memory_space<vmem>>) target(%dma_start3A_125 : memref<10240x128xf32, #tpu.memory_space<vmem_shared>>) offsets(%arg9 : memref<80xi32, #tpu.memory_space<vmem>>) semaphore(%run_scoped3A : memref<!tpu.dma_semaphore, #tpu.memory_space<semaphore_mem>>) {add = true}
        %dma_wait3A_126 = arith.constant 0 : i32
        %dma_wait3A_127 = arith.constant 0 : i32
        %dma_wait3A_128 = tpu.memref_slice %arg13[%dma_wait3A_126, %dma_wait3A_127] : memref<10240x128xf32, #tpu.memory_space<vmem_shared>> -> memref<10240x128xf32, #tpu.memory_space<vmem_shared>>
        tpu.wait_indirect_dma semaphore(%run_scoped3A : memref<!tpu.dma_semaphore, #tpu.memory_space<semaphore_mem>>) src(%arg11 : memref<80x128xf32, #tpu.memory_space<vmem>>) dst(%dma_wait3A_128 : memref<10240x128xf32, #tpu.memory_space<vmem_shared>>)
        tpu.yield
      }) : () -> ()
      %add3A_75 = arith.constant 2 : i32
      %add3A_76 = arith.addi %add3A_56, %add3A_75 : i32
      %mul3A_77 = arith.constant 80 : i32
      %mul3A_78 = arith.muli %add3A_76, %mul3A_77 : i32
      %add3A_79 = arith.addi %mul3A_2, %mul3A_78 : i32
      %dma_start3A_80 = tpu.memref_slice %arg3[%add3A_79] : memref<320080xi32, #tpu.memory_space<hbm>> -> memref<80xi32, #tpu.memory_space<hbm>>
      %dma_start3A_81 = tpu.memref_slice %arg3[%add3A_79] : memref<320080xi32, #tpu.memory_space<hbm>> -> memref<80xi32, #tpu.memory_space<hbm>>
      tpu.enqueue_dma source(%dma_start3A_81 : memref<80xi32, #tpu.memory_space<hbm>>) target(%arg7 : memref<80xi32, #tpu.memory_space<vmem>>) target_semaphore(%arg14 : memref<!tpu.dma_semaphore, #tpu.memory_space<semaphore_mem>>)
      %add3A_82 = arith.constant 2 : i32
      %add3A_83 = arith.addi %add3A_56, %add3A_82 : i32
      %mul3A_84 = arith.constant 80 : i32
      %mul3A_85 = arith.muli %add3A_83, %mul3A_84 : i32
      %add3A_86 = arith.addi %mul3A_2, %mul3A_85 : i32
      %dma_start3A_87 = tpu.memref_slice %arg4[%add3A_86] : memref<320080xi32, #tpu.memory_space<hbm>> -> memref<80xi32, #tpu.memory_space<hbm>>
      %dma_start3A_88 = tpu.memref_slice %arg4[%add3A_86] : memref<320080xi32, #tpu.memory_space<hbm>> -> memref<80xi32, #tpu.memory_space<hbm>>
      tpu.enqueue_dma source(%dma_start3A_88 : memref<80xi32, #tpu.memory_space<hbm>>) target(%arg9 : memref<80xi32, #tpu.memory_space<vmem>>) target_semaphore(%arg16 : memref<!tpu.dma_semaphore, #tpu.memory_space<semaphore_mem>>)
      %add3A_89 = arith.constant 2 : i32
      %add3A_90 = arith.addi %add3A_56, %add3A_89 : i32
      %mul3A_91 = arith.constant 80 : i32
      %mul3A_92 = arith.muli %add3A_90, %mul3A_91 : i32
      %add3A_93 = arith.addi %mul3A_2, %mul3A_92 : i32
      %dma_wait3A_94 = tpu.memref_slice %arg3[%add3A_93] : memref<320080xi32, #tpu.memory_space<hbm>> -> memref<80xi32, #tpu.memory_space<hbm>>
      %dma_wait3A_95 = tpu.memref_slice %arg3[%add3A_93] : memref<320080xi32, #tpu.memory_space<hbm>> -> memref<80xi32, #tpu.memory_space<hbm>>
      tpu.wait_dma2 semaphore(%arg14 : memref<!tpu.dma_semaphore, #tpu.memory_space<semaphore_mem>>) src(%dma_wait3A_95 : memref<80xi32, #tpu.memory_space<hbm>>) dst(%arg7 : memref<80xi32, #tpu.memory_space<vmem>>)
      %dma_start3A_96 = arith.constant 0 : i32
      %dma_start3A_97 = arith.constant 0 : i32
      %dma_start3A_98 = tpu.memref_slice %arg2[%dma_start3A_96, %dma_start3A_97] : memref<10000x128xf32, #tpu.memory_space<hbm>> -> memref<10000x128xf32, #tpu.memory_space<hbm>>
      tpu.enqueue_indirect_dma source(%dma_start3A_98 : memref<10000x128xf32, #tpu.memory_space<hbm>>) target(%arg11 : memref<80x128xf32, #tpu.memory_space<vmem>>) offsets(%arg7 : memref<80xi32, #tpu.memory_space<vmem>>) semaphore(%arg18 : memref<!tpu.dma_semaphore, #tpu.memory_space<semaphore_mem>>)
      %dma_wait3A_99 = arith.constant 0 : i32
      %dma_wait3A_100 = arith.constant 0 : i32
      %dma_wait3A_101 = tpu.memref_slice %arg2[%dma_wait3A_99, %dma_wait3A_100] : memref<10000x128xf32, #tpu.memory_space<hbm>> -> memref<10000x128xf32, #tpu.memory_space<hbm>>
      tpu.wait_indirect_dma semaphore(%arg19 : memref<!tpu.dma_semaphore, #tpu.memory_space<semaphore_mem>>) src(%dma_wait3A_101 : memref<10000x128xf32, #tpu.memory_space<hbm>>) dst(%arg12 : memref<80x128xf32, #tpu.memory_space<vmem>>)
      %add3A_102 = arith.constant 1 : i32
      %add3A_103 = arith.addi %add3A_56, %add3A_102 : i32
      %mul3A_104 = arith.constant 80 : i32
      %mul3A_105 = arith.muli %add3A_103, %mul3A_104 : i32
      %add3A_106 = arith.addi %mul3A_2, %mul3A_105 : i32
      %dma_wait3A_107 = tpu.memref_slice %arg4[%add3A_106] : memref<320080xi32, #tpu.memory_space<hbm>> -> memref<80xi32, #tpu.memory_space<hbm>>
      %dma_wait3A_108 = tpu.memref_slice %arg4[%add3A_106] : memref<320080xi32, #tpu.memory_space<hbm>> -> memref<80xi32, #tpu.memory_space<hbm>>
      tpu.wait_dma2 semaphore(%arg17 : memref<!tpu.dma_semaphore, #tpu.memory_space<semaphore_mem>>) src(%dma_wait3A_108 : memref<80xi32, #tpu.memory_space<hbm>>) dst(%arg10 : memref<80xi32, #tpu.memory_space<vmem>>)
      "tpu.region"() ({
        %run_scoped3A = tpu.sem_alloc : memref<!tpu.dma_semaphore, #tpu.memory_space<semaphore_mem>>
        %dma_start3A_123 = arith.constant 0 : i32
        %dma_start3A_124 = arith.constant 0 : i32
        %dma_start3A_125 = tpu.memref_slice %arg13[%dma_start3A_123, %dma_start3A_124] : memref<10240x128xf32, #tpu.memory_space<vmem_shared>> -> memref<10240x128xf32, #tpu.memory_space<vmem_shared>>
        tpu.enqueue_indirect_dma source(%arg12 : memref<80x128xf32, #tpu.memory_space<vmem>>) target(%dma_start3A_125 : memref<10240x128xf32, #tpu.memory_space<vmem_shared>>) offsets(%arg10 : memref<80xi32, #tpu.memory_space<vmem>>) semaphore(%run_scoped3A : memref<!tpu.dma_semaphore, #tpu.memory_space<semaphore_mem>>) {add = true}
        %dma_wait3A_126 = arith.constant 0 : i32
        %dma_wait3A_127 = arith.constant 0 : i32
        %dma_wait3A_128 = tpu.memref_slice %arg13[%dma_wait3A_126, %dma_wait3A_127] : memref<10240x128xf32, #tpu.memory_space<vmem_shared>> -> memref<10240x128xf32, #tpu.memory_space<vmem_shared>>
        tpu.wait_indirect_dma semaphore(%run_scoped3A : memref<!tpu.dma_semaphore, #tpu.memory_space<semaphore_mem>>) src(%arg12 : memref<80x128xf32, #tpu.memory_space<vmem>>) dst(%dma_wait3A_128 : memref<10240x128xf32, #tpu.memory_space<vmem_shared>>)
        tpu.yield
      }) : () -> ()
      %add3A_109 = arith.constant 3 : i32
      %add3A_110 = arith.addi %add3A_56, %add3A_109 : i32
      %mul3A_111 = arith.constant 80 : i32
      %mul3A_112 = arith.muli %add3A_110, %mul3A_111 : i32
      %add3A_113 = arith.addi %mul3A_2, %mul3A_112 : i32
      %dma_start3A_114 = tpu.memref_slice %arg3[%add3A_113] : memref<320080xi32, #tpu.memory_space<hbm>> -> memref<80xi32, #tpu.memory_space<hbm>>
      %dma_start3A_115 = tpu.memref_slice %arg3[%add3A_113] : memref<320080xi32, #tpu.memory_space<hbm>> -> memref<80xi32, #tpu.memory_space<hbm>>
      tpu.enqueue_dma source(%dma_start3A_115 : memref<80xi32, #tpu.memory_space<hbm>>) target(%arg8 : memref<80xi32, #tpu.memory_space<vmem>>) target_semaphore(%arg15 : memref<!tpu.dma_semaphore, #tpu.memory_space<semaphore_mem>>)
      %add3A_116 = arith.constant 3 : i32
      %add3A_117 = arith.addi %add3A_56, %add3A_116 : i32
      %mul3A_118 = arith.constant 80 : i32
      %mul3A_119 = arith.muli %add3A_117, %mul3A_118 : i32
      %add3A_120 = arith.addi %mul3A_2, %mul3A_119 : i32
      %dma_start3A_121 = tpu.memref_slice %arg4[%add3A_120] : memref<320080xi32, #tpu.memory_space<hbm>> -> memref<80xi32, #tpu.memory_space<hbm>>
      %dma_start3A_122 = tpu.memref_slice %arg4[%add3A_120] : memref<320080xi32, #tpu.memory_space<hbm>> -> memref<80xi32, #tpu.memory_space<hbm>>
      tpu.enqueue_dma source(%dma_start3A_122 : memref<80xi32, #tpu.memory_space<hbm>>) target(%arg10 : memref<80xi32, #tpu.memory_space<vmem>>) target_semaphore(%arg17 : memref<!tpu.dma_semaphore, #tpu.memory_space<semaphore_mem>>)
    }
    %scan3A_31 = arith.constant 62 : i32
    %dma_wait3A_32 = arith.constant 0 : i32
    %dma_wait3A_33 = arith.constant 0 : i32
    %dma_wait3A_34 = tpu.memref_slice %arg2[%dma_wait3A_32, %dma_wait3A_33] : memref<10000x128xf32, #tpu.memory_space<hbm>> -> memref<10000x128xf32, #tpu.memory_space<hbm>>
    tpu.wait_indirect_dma semaphore(%arg18 : memref<!tpu.dma_semaphore, #tpu.memory_space<semaphore_mem>>) src(%dma_wait3A_34 : memref<10000x128xf32, #tpu.memory_space<hbm>>) dst(%arg11 : memref<80x128xf32, #tpu.memory_space<vmem>>)
    %add3A_35 = arith.constant 9920 : i32
    %add3A_36 = arith.addi %mul3A_2, %add3A_35 : i32
    %dma_wait3A_37 = tpu.memref_slice %arg4[%add3A_36] : memref<320080xi32, #tpu.memory_space<hbm>> -> memref<80xi32, #tpu.memory_space<hbm>>
    %dma_wait3A_38 = tpu.memref_slice %arg4[%add3A_36] : memref<320080xi32, #tpu.memory_space<hbm>> -> memref<80xi32, #tpu.memory_space<hbm>>
    tpu.wait_dma2 semaphore(%arg16 : memref<!tpu.dma_semaphore, #tpu.memory_space<semaphore_mem>>) src(%dma_wait3A_38 : memref<80xi32, #tpu.memory_space<hbm>>) dst(%arg9 : memref<80xi32, #tpu.memory_space<vmem>>)
    "tpu.region"() ({
      %run_scoped3A = tpu.sem_alloc : memref<!tpu.dma_semaphore, #tpu.memory_space<semaphore_mem>>
      %dma_start3A_52 = arith.constant 0 : i32
      %dma_start3A_53 = arith.constant 0 : i32
      %dma_start3A_54 = tpu.memref_slice %arg13[%dma_start3A_52, %dma_start3A_53] : memref<10240x128xf32, #tpu.memory_space<vmem_shared>> -> memref<10240x128xf32, #tpu.memory_space<vmem_shared>>
      tpu.enqueue_indirect_dma source(%arg11 : memref<80x128xf32, #tpu.memory_space<vmem>>) target(%dma_start3A_54 : memref<10240x128xf32, #tpu.memory_space<vmem_shared>>) offsets(%arg9 : memref<80xi32, #tpu.memory_space<vmem>>) semaphore(%run_scoped3A : memref<!tpu.dma_semaphore, #tpu.memory_space<semaphore_mem>>) {add = true}
      %dma_wait3A_55 = arith.constant 0 : i32
      %dma_wait3A_56 = arith.constant 0 : i32
      %dma_wait3A_57 = tpu.memref_slice %arg13[%dma_wait3A_55, %dma_wait3A_56] : memref<10240x128xf32, #tpu.memory_space<vmem_shared>> -> memref<10240x128xf32, #tpu.memory_space<vmem_shared>>
      tpu.wait_indirect_dma semaphore(%run_scoped3A : memref<!tpu.dma_semaphore, #tpu.memory_space<semaphore_mem>>) src(%arg11 : memref<80x128xf32, #tpu.memory_space<vmem>>) dst(%dma_wait3A_57 : memref<10240x128xf32, #tpu.memory_space<vmem_shared>>)
      tpu.yield
    }) : () -> ()
    %add3A_39 = arith.constant 10000 : i32
    %add3A_40 = arith.addi %mul3A_2, %add3A_39 : i32
    %dma_wait3A_41 = tpu.memref_slice %arg3[%add3A_40] : memref<320080xi32, #tpu.memory_space<hbm>> -> memref<80xi32, #tpu.memory_space<hbm>>
    %dma_wait3A_42 = tpu.memref_slice %arg3[%add3A_40] : memref<320080xi32, #tpu.memory_space<hbm>> -> memref<80xi32, #tpu.memory_space<hbm>>
    tpu.wait_dma2 semaphore(%arg15 : memref<!tpu.dma_semaphore, #tpu.memory_space<semaphore_mem>>) src(%dma_wait3A_42 : memref<80xi32, #tpu.memory_space<hbm>>) dst(%arg8 : memref<80xi32, #tpu.memory_space<vmem>>)
    %add3A_43 = arith.constant 10000 : i32
    %add3A_44 = arith.addi %mul3A_2, %add3A_43 : i32
    %dma_wait3A_45 = tpu.memref_slice %arg4[%add3A_44] : memref<320080xi32, #tpu.memory_space<hbm>> -> memref<80xi32, #tpu.memory_space<hbm>>
    %dma_wait3A_46 = tpu.memref_slice %arg4[%add3A_44] : memref<320080xi32, #tpu.memory_space<hbm>> -> memref<80xi32, #tpu.memory_space<hbm>>
    tpu.wait_dma2 semaphore(%arg17 : memref<!tpu.dma_semaphore, #tpu.memory_space<semaphore_mem>>) src(%dma_wait3A_46 : memref<80xi32, #tpu.memory_space<hbm>>) dst(%arg10 : memref<80xi32, #tpu.memory_space<vmem>>)
    %barrier3A_47 = arith.constant 0 : index
    tpu.barrier barrier_id(%barrier3A_47)
    %mul3A_48 = arith.constant 640 : i32
    %mul3A_49 = arith.muli %arg1, %mul3A_48 : i32
    %mul3A_50 = arith.constant 640 : i32
    %mul3A_51 = arith.muli %arg1, %mul3A_50 : i32
    "tpu.region"() ({
      %run_scoped3A = tpu.sem_alloc : memref<!tpu.dma_semaphore, #tpu.memory_space<semaphore_mem>>
      %dma_start3A_52 = arith.constant 0 : i32
      %dma_start3A_53 = tpu.memref_slice %arg6[%arg0, %mul3A_51, %dma_start3A_52] : memref<2x10240x128xf32, #tpu.memory_space<hbm>> -> memref<1x640x128xf32, #tpu.memory_space<hbm>>
      %dma_start3A_54 = tpu.memref_squeeze %dma_start3A_53 : memref<1x640x128xf32, #tpu.memory_space<hbm>> -> memref<640x128xf32, #tpu.memory_space<hbm>>
      %dma_start3A_55 = arith.constant 0 : i32
      %dma_start3A_56 = tpu.memref_slice %arg13[%mul3A_49, %dma_start3A_55] : memref<10240x128xf32, #tpu.memory_space<vmem_shared>> -> memref<640x128xf32, #tpu.memory_space<vmem_shared>>
      tpu.enqueue_dma source(%dma_start3A_56 : memref<640x128xf32, #tpu.memory_space<vmem_shared>>) target(%dma_start3A_54 : memref<640x128xf32, #tpu.memory_space<hbm>>) target_semaphore(%run_scoped3A : memref<!tpu.dma_semaphore, #tpu.memory_space<semaphore_mem>>)
      %dma_wait3A_57 = arith.constant 0 : i32
      %dma_wait3A_58 = tpu.memref_slice %arg6[%arg0, %mul3A_51, %dma_wait3A_57] : memref<2x10240x128xf32, #tpu.memory_space<hbm>> -> memref<1x640x128xf32, #tpu.memory_space<hbm>>
      %dma_wait3A_59 = tpu.memref_squeeze %dma_wait3A_58 : memref<1x640x128xf32, #tpu.memory_space<hbm>> -> memref<640x128xf32, #tpu.memory_space<hbm>>
      %dma_wait3A_60 = arith.constant 0 : i32
      %dma_wait3A_61 = tpu.memref_slice %arg13[%mul3A_49, %dma_wait3A_60] : memref<10240x128xf32, #tpu.memory_space<vmem_shared>> -> memref<640x128xf32, #tpu.memory_space<vmem_shared>>
      tpu.wait_dma2 semaphore(%run_scoped3A : memref<!tpu.dma_semaphore, #tpu.memory_space<semaphore_mem>>) src(%dma_wait3A_61 : memref<640x128xf32, #tpu.memory_space<vmem_shared>>) dst(%dma_wait3A_59 : memref<640x128xf32, #tpu.memory_space<hbm>>)
      tpu.yield
    }) : () -> ()
    return
  }
}

#map = affine_map<(d0, d1) -> (0, 0)>
#map1 = affine_map<(d0, d1) -> (0)>
#map2 = affine_map<(d0, d1) -> (0, 0, 0)>
module attributes {stable_mosaic.version = 14 : i64} {
  func.func @msg_kernel(%arg0: i32, %arg1: i32, %arg2: memref<10000x128xf32, #tpu.memory_space<hbm>>, %arg3: memref<320080xi32, #tpu.memory_space<hbm>>, %arg4: memref<320080xi32, #tpu.memory_space<hbm>>, %arg5: memref<10240x128xf32, #tpu.memory_space<hbm>>, %arg6: memref<2x10240x128xf32, #tpu.memory_space<hbm>>, %arg7: memref<80xi32, #tpu.memory_space<vmem>>, %arg8: memref<80xi32, #tpu.memory_space<vmem>>, %arg9: memref<80xi32, #tpu.memory_space<vmem>>, %arg10: memref<80xi32, #tpu.memory_space<vmem>>, %arg11: memref<80x128xf32, #tpu.memory_space<vmem>>, %arg12: memref<80x128xf32, #tpu.memory_space<vmem>>, %arg13: memref<10240x128xf32, #tpu.memory_space<vmem_shared>>, %arg14: memref<!tpu.dma_semaphore, #tpu.memory_space<semaphore_mem>>, %arg15: memref<!tpu.dma_semaphore, #tpu.memory_space<semaphore_mem>>, %arg16: memref<!tpu.dma_semaphore, #tpu.memory_space<semaphore_mem>>, %arg17: memref<!tpu.dma_semaphore, #tpu.memory_space<semaphore_mem>>, %arg18: memref<!tpu.dma_semaphore, #tpu.memory_space<semaphore_mem>>, %arg19: memref<!tpu.dma_semaphore, #tpu.memory_space<semaphore_mem>>) attributes {dimension_semantics = [#tpu.dimension_semantics<core_parallel>, #tpu.dimension_semantics<subcore_parallel>], iteration_bounds = array<i64: 2, 16>, scalar_prefetch = 0 : i64, scratch_operands = 13 : i64, tpu.core_type = #tpu.core_type<sc_vector_subcore>, window_params = [{transform_indices = #map}, {transform_indices = #map1}, {transform_indices = #map1}, {transform_indices = #map}, {transform_indices = #map2}]} {
    %mul3A = arith.constant 16 : i32
    %mul3A_0 = arith.muli %arg0, %mul3A : i32
    %add3A = arith.addi %mul3A_0, %arg1 : i32
    %mul3A_1 = arith.constant 10000 : i32
    %mul3A_2 = arith.muli %add3A, %mul3A_1 : i32
    %mul3A_3 = arith.constant 640 : i32
    %mul3A_4 = arith.muli %arg1, %mul3A_3 : i32
    %mul3A_5 = arith.constant 640 : i32
    %mul3A_6 = arith.muli %arg1, %mul3A_5 : i32
    "tpu.region"() ({
      %run_scoped3A = tpu.sem_alloc : memref<!tpu.dma_semaphore, #tpu.memory_space<semaphore_mem>>
      %dma_start3A_52 = arith.constant 0 : i32
      %dma_start3A_53 = tpu.memref_slice %arg13[%mul3A_6, %dma_start3A_52] : memref<10240x128xf32, #tpu.memory_space<vmem_shared>> -> memref<640x128xf32, #tpu.memory_space<vmem_shared>>
      %dma_start3A_54 = arith.constant 0 : i32
      %dma_start3A_55 = tpu.memref_slice %arg5[%mul3A_4, %dma_start3A_54] : memref<10240x128xf32, #tpu.memory_space<hbm>> -> memref<640x128xf32, #tpu.memory_space<hbm>>
      tpu.enqueue_dma source(%dma_start3A_55 : memref<640x128xf32, #tpu.memory_space<hbm>>) target(%dma_start3A_53 : memref<640x128xf32, #tpu.memory_space<vmem_shared>>) target_semaphore(%run_scoped3A : memref<!tpu.dma_semaphore, #tpu.memory_space<semaphore_mem>>)
      %dma_wait3A_56 = arith.constant 0 : i32
      %dma_wait3A_57 = tpu.memref_slice %arg13[%mul3A_6, %dma_wait3A_56] : memref<10240x128xf32, #tpu.memory_space<vmem_shared>> -> memref<640x128xf32, #tpu.memory_space<vmem_shared>>
      %dma_wait3A_58 = arith.constant 0 : i32
      %dma_wait3A_59 = tpu.memref_slice %arg5[%mul3A_4, %dma_wait3A_58] : memref<10240x128xf32, #tpu.memory_space<hbm>> -> memref<640x128xf32, #tpu.memory_space<hbm>>
      tpu.wait_dma2 semaphore(%run_scoped3A : memref<!tpu.dma_semaphore, #tpu.memory_space<semaphore_mem>>) src(%dma_wait3A_59 : memref<640x128xf32, #tpu.memory_space<hbm>>) dst(%dma_wait3A_57 : memref<640x128xf32, #tpu.memory_space<vmem_shared>>)
      tpu.yield
    }) : () -> ()
    %barrier3A = arith.constant 0 : index
    tpu.barrier barrier_id(%barrier3A)
    %add3A_7 = arith.constant 0 : i32
    %add3A_8 = arith.addi %mul3A_2, %add3A_7 : i32
    %dma_start3A = tpu.memref_slice %arg3[%add3A_8] : memref<320080xi32, #tpu.memory_space<hbm>> -> memref<80xi32, #tpu.memory_space<hbm>>
    %dma_start3A_9 = tpu.memref_slice %arg3[%add3A_8] : memref<320080xi32, #tpu.memory_space<hbm>> -> memref<80xi32, #tpu.memory_space<hbm>>
    tpu.enqueue_dma source(%dma_start3A_9 : memref<80xi32, #tpu.memory_space<hbm>>) target(%arg7 : memref<80xi32, #tpu.memory_space<vmem>>) target_semaphore(%arg14 : memref<!tpu.dma_semaphore, #tpu.memory_space<semaphore_mem>>)
    %add3A_10 = arith.constant 0 : i32
    %add3A_11 = arith.addi %mul3A_2, %add3A_10 : i32
    %dma_start3A_12 = tpu.memref_slice %arg4[%add3A_11] : memref<320080xi32, #tpu.memory_space<hbm>> -> memref<80xi32, #tpu.memory_space<hbm>>
    %dma_start3A_13 = tpu.memref_slice %arg4[%add3A_11] : memref<320080xi32, #tpu.memory_space<hbm>> -> memref<80xi32, #tpu.memory_space<hbm>>
    tpu.enqueue_dma source(%dma_start3A_13 : memref<80xi32, #tpu.memory_space<hbm>>) target(%arg9 : memref<80xi32, #tpu.memory_space<vmem>>) target_semaphore(%arg16 : memref<!tpu.dma_semaphore, #tpu.memory_space<semaphore_mem>>)
    %add3A_14 = arith.constant 80 : i32
    %add3A_15 = arith.addi %mul3A_2, %add3A_14 : i32
    %dma_start3A_16 = tpu.memref_slice %arg3[%add3A_15] : memref<320080xi32, #tpu.memory_space<hbm>> -> memref<80xi32, #tpu.memory_space<hbm>>
    %dma_start3A_17 = tpu.memref_slice %arg3[%add3A_15] : memref<320080xi32, #tpu.memory_space<hbm>> -> memref<80xi32, #tpu.memory_space<hbm>>
    tpu.enqueue_dma source(%dma_start3A_17 : memref<80xi32, #tpu.memory_space<hbm>>) target(%arg8 : memref<80xi32, #tpu.memory_space<vmem>>) target_semaphore(%arg15 : memref<!tpu.dma_semaphore, #tpu.memory_space<semaphore_mem>>)
    %add3A_18 = arith.constant 80 : i32
    %add3A_19 = arith.addi %mul3A_2, %add3A_18 : i32
    %dma_start3A_20 = tpu.memref_slice %arg4[%add3A_19] : memref<320080xi32, #tpu.memory_space<hbm>> -> memref<80xi32, #tpu.memory_space<hbm>>
    %dma_start3A_21 = tpu.memref_slice %arg4[%add3A_19] : memref<320080xi32, #tpu.memory_space<hbm>> -> memref<80xi32, #tpu.memory_space<hbm>>
    tpu.enqueue_dma source(%dma_start3A_21 : memref<80xi32, #tpu.memory_space<hbm>>) target(%arg10 : memref<80xi32, #tpu.memory_space<vmem>>) target_semaphore(%arg17 : memref<!tpu.dma_semaphore, #tpu.memory_space<semaphore_mem>>)
    %add3A_22 = arith.constant 0 : i32
    %add3A_23 = arith.addi %mul3A_2, %add3A_22 : i32
    %dma_wait3A = tpu.memref_slice %arg3[%add3A_23] : memref<320080xi32, #tpu.memory_space<hbm>> -> memref<80xi32, #tpu.memory_space<hbm>>
    %dma_wait3A_24 = tpu.memref_slice %arg3[%add3A_23] : memref<320080xi32, #tpu.memory_space<hbm>> -> memref<80xi32, #tpu.memory_space<hbm>>
    tpu.wait_dma2 semaphore(%arg14 : memref<!tpu.dma_semaphore, #tpu.memory_space<semaphore_mem>>) src(%dma_wait3A_24 : memref<80xi32, #tpu.memory_space<hbm>>) dst(%arg7 : memref<80xi32, #tpu.memory_space<vmem>>)
    %dma_start3A_25 = arith.constant 0 : i32
    %dma_start3A_26 = arith.constant 0 : i32
    %dma_start3A_27 = tpu.memref_slice %arg2[%dma_start3A_25, %dma_start3A_26] : memref<10000x128xf32, #tpu.memory_space<hbm>> -> memref<10000x128xf32, #tpu.memory_space<hbm>>
    tpu.enqueue_indirect_dma source(%dma_start3A_27 : memref<10000x128xf32, #tpu.memory_space<hbm>>) target(%arg11 : memref<80x128xf32, #tpu.memory_space<vmem>>) offsets(%arg7 : memref<80xi32, #tpu.memory_space<vmem>>) semaphore(%arg18 : memref<!tpu.dma_semaphore, #tpu.memory_space<semaphore_mem>>)
    %scan3A = arith.constant 0 : i32
    %scan3A_28 = arith.constant 62 : i32
    %scan3A_29 = arith.addi %scan3A, %scan3A_28 : i32
    %scan3A_30 = arith.constant 1 : i32
    scf.for %scan3A_52 = %scan3A to %scan3A_29 step %scan3A_30  : i32 {
      %mul3A_53 = arith.constant 2 : i32
      %mul3A_54 = arith.muli %scan3A_52, %mul3A_53 : i32
      %add3A_55 = arith.constant 0 : i32
      %add3A_56 = arith.addi %add3A_55, %mul3A_54 : i32
      %add3A_57 = arith.constant 1 : i32
      %add3A_58 = arith.addi %add3A_56, %add3A_57 : i32
      %mul3A_59 = arith.constant 80 : i32
      %mul3A_60 = arith.muli %add3A_58, %mul3A_59 : i32
      %add3A_61 = arith.addi %mul3A_2, %mul3A_60 : i32
      %dma_wait3A_62 = tpu.memref_slice %arg3[%add3A_61] : memref<320080xi32, #tpu.memory_space<hbm>> -> memref<80xi32, #tpu.memory_space<hbm>>
      %dma_wait3A_63 = tpu.memref_slice %arg3[%add3A_61] : memref<320080xi32, #tpu.memory_space<hbm>> -> memref<80xi32, #tpu.memory_space<hbm>>
      tpu.wait_dma2 semaphore(%arg15 : memref<!tpu.dma_semaphore, #tpu.memory_space<semaphore_mem>>) src(%dma_wait3A_63 : memref<80xi32, #tpu.memory_space<hbm>>) dst(%arg8 : memref<80xi32, #tpu.memory_space<vmem>>)
      %dma_start3A_64 = arith.constant 0 : i32
      %dma_start3A_65 = arith.constant 0 : i32
      %dma_start3A_66 = tpu.memref_slice %arg2[%dma_start3A_64, %dma_start3A_65] : memref<10000x128xf32, #tpu.memory_space<hbm>> -> memref<10000x128xf32, #tpu.memory_space<hbm>>
      tpu.enqueue_indirect_dma source(%dma_start3A_66 : memref<10000x128xf32, #tpu.memory_space<hbm>>) target(%arg12 : memref<80x128xf32, #tpu.memory_space<vmem>>) offsets(%arg8 : memref<80xi32, #tpu.memory_space<vmem>>) semaphore(%arg19 : memref<!tpu.dma_semaphore, #tpu.memory_space<semaphore_mem>>)
      %dma_wait3A_67 = arith.constant 0 : i32
      %dma_wait3A_68 = arith.constant 0 : i32
      %dma_wait3A_69 = tpu.memref_slice %arg2[%dma_wait3A_67, %dma_wait3A_68] : memref<10000x128xf32, #tpu.memory_space<hbm>> -> memref<10000x128xf32, #tpu.memory_space<hbm>>
      tpu.wait_indirect_dma semaphore(%arg18 : memref<!tpu.dma_semaphore, #tpu.memory_space<semaphore_mem>>) src(%dma_wait3A_69 : memref<10000x128xf32, #tpu.memory_space<hbm>>) dst(%arg11 : memref<80x128xf32, #tpu.memory_space<vmem>>)
      %mul3A_70 = arith.constant 80 : i32
      %mul3A_71 = arith.muli %add3A_56, %mul3A_70 : i32
      %add3A_72 = arith.addi %mul3A_2, %mul3A_71 : i32
      %dma_wait3A_73 = tpu.memref_slice %arg4[%add3A_72] : memref<320080xi32, #tpu.memory_space<hbm>> -> memref<80xi32, #tpu.memory_space<hbm>>
      %dma_wait3A_74 = tpu.memref_slice %arg4[%add3A_72] : memref<320080xi32, #tpu.memory_space<hbm>> -> memref<80xi32, #tpu.memory_space<hbm>>
      tpu.wait_dma2 semaphore(%arg16 : memref<!tpu.dma_semaphore, #tpu.memory_space<semaphore_mem>>) src(%dma_wait3A_74 : memref<80xi32, #tpu.memory_space<hbm>>) dst(%arg9 : memref<80xi32, #tpu.memory_space<vmem>>)
      "tpu.region"() ({
        %run_scoped3A = tpu.sem_alloc : memref<!tpu.dma_semaphore, #tpu.memory_space<semaphore_mem>>
        %dma_start3A_123 = arith.constant 0 : i32
        %dma_start3A_124 = arith.constant 0 : i32
        %dma_start3A_125 = tpu.memref_slice %arg13[%dma_start3A_123, %dma_start3A_124] : memref<10240x128xf32, #tpu.memory_space<vmem_shared>> -> memref<10240x128xf32, #tpu.memory_space<vmem_shared>>
        tpu.enqueue_indirect_dma source(%arg11 : memref<80x128xf32, #tpu.memory_space<vmem>>) target(%dma_start3A_125 : memref<10240x128xf32, #tpu.memory_space<vmem_shared>>) offsets(%arg9 : memref<80xi32, #tpu.memory_space<vmem>>) semaphore(%run_scoped3A : memref<!tpu.dma_semaphore, #tpu.memory_space<semaphore_mem>>) {add = true}
        %dma_wait3A_126 = arith.constant 0 : i32
        %dma_wait3A_127 = arith.constant 0 : i32
        %dma_wait3A_128 = tpu.memref_slice %arg13[%dma_wait3A_126, %dma_wait3A_127] : memref<10240x128xf32, #tpu.memory_space<vmem_shared>> -> memref<10240x128xf32, #tpu.memory_space<vmem_shared>>
        tpu.wait_indirect_dma semaphore(%run_scoped3A : memref<!tpu.dma_semaphore, #tpu.memory_space<semaphore_mem>>) src(%arg11 : memref<80x128xf32, #tpu.memory_space<vmem>>) dst(%dma_wait3A_128 : memref<10240x128xf32, #tpu.memory_space<vmem_shared>>)
        tpu.yield
      }) : () -> ()
      %add3A_75 = arith.constant 2 : i32
      %add3A_76 = arith.addi %add3A_56, %add3A_75 : i32
      %mul3A_77 = arith.constant 80 : i32
      %mul3A_78 = arith.muli %add3A_76, %mul3A_77 : i32
      %add3A_79 = arith.addi %mul3A_2, %mul3A_78 : i32
      %dma_start3A_80 = tpu.memref_slice %arg3[%add3A_79] : memref<320080xi32, #tpu.memory_space<hbm>> -> memref<80xi32, #tpu.memory_space<hbm>>
      %dma_start3A_81 = tpu.memref_slice %arg3[%add3A_79] : memref<320080xi32, #tpu.memory_space<hbm>> -> memref<80xi32, #tpu.memory_space<hbm>>
      tpu.enqueue_dma source(%dma_start3A_81 : memref<80xi32, #tpu.memory_space<hbm>>) target(%arg7 : memref<80xi32, #tpu.memory_space<vmem>>) target_semaphore(%arg14 : memref<!tpu.dma_semaphore, #tpu.memory_space<semaphore_mem>>)
      %add3A_82 = arith.constant 2 : i32
      %add3A_83 = arith.addi %add3A_56, %add3A_82 : i32
      %mul3A_84 = arith.constant 80 : i32
      %mul3A_85 = arith.muli %add3A_83, %mul3A_84 : i32
      %add3A_86 = arith.addi %mul3A_2, %mul3A_85 : i32
      %dma_start3A_87 = tpu.memref_slice %arg4[%add3A_86] : memref<320080xi32, #tpu.memory_space<hbm>> -> memref<80xi32, #tpu.memory_space<hbm>>
      %dma_start3A_88 = tpu.memref_slice %arg4[%add3A_86] : memref<320080xi32, #tpu.memory_space<hbm>> -> memref<80xi32, #tpu.memory_space<hbm>>
      tpu.enqueue_dma source(%dma_start3A_88 : memref<80xi32, #tpu.memory_space<hbm>>) target(%arg9 : memref<80xi32, #tpu.memory_space<vmem>>) target_semaphore(%arg16 : memref<!tpu.dma_semaphore, #tpu.memory_space<semaphore_mem>>)
      %add3A_89 = arith.constant 2 : i32
      %add3A_90 = arith.addi %add3A_56, %add3A_89 : i32
      %mul3A_91 = arith.constant 80 : i32
      %mul3A_92 = arith.muli %add3A_90, %mul3A_91 : i32
      %add3A_93 = arith.addi %mul3A_2, %mul3A_92 : i32
      %dma_wait3A_94 = tpu.memref_slice %arg3[%add3A_93] : memref<320080xi32, #tpu.memory_space<hbm>> -> memref<80xi32, #tpu.memory_space<hbm>>
      %dma_wait3A_95 = tpu.memref_slice %arg3[%add3A_93] : memref<320080xi32, #tpu.memory_space<hbm>> -> memref<80xi32, #tpu.memory_space<hbm>>
      tpu.wait_dma2 semaphore(%arg14 : memref<!tpu.dma_semaphore, #tpu.memory_space<semaphore_mem>>) src(%dma_wait3A_95 : memref<80xi32, #tpu.memory_space<hbm>>) dst(%arg7 : memref<80xi32, #tpu.memory_space<vmem>>)
      %dma_start3A_96 = arith.constant 0 : i32
      %dma_start3A_97 = arith.constant 0 : i32
      %dma_start3A_98 = tpu.memref_slice %arg2[%dma_start3A_96, %dma_start3A_97] : memref<10000x128xf32, #tpu.memory_space<hbm>> -> memref<10000x128xf32, #tpu.memory_space<hbm>>
      tpu.enqueue_indirect_dma source(%dma_start3A_98 : memref<10000x128xf32, #tpu.memory_space<hbm>>) target(%arg11 : memref<80x128xf32, #tpu.memory_space<vmem>>) offsets(%arg7 : memref<80xi32, #tpu.memory_space<vmem>>) semaphore(%arg18 : memref<!tpu.dma_semaphore, #tpu.memory_space<semaphore_mem>>)
      %dma_wait3A_99 = arith.constant 0 : i32
      %dma_wait3A_100 = arith.constant 0 : i32
      %dma_wait3A_101 = tpu.memref_slice %arg2[%dma_wait3A_99, %dma_wait3A_100] : memref<10000x128xf32, #tpu.memory_space<hbm>> -> memref<10000x128xf32, #tpu.memory_space<hbm>>
      tpu.wait_indirect_dma semaphore(%arg19 : memref<!tpu.dma_semaphore, #tpu.memory_space<semaphore_mem>>) src(%dma_wait3A_101 : memref<10000x128xf32, #tpu.memory_space<hbm>>) dst(%arg12 : memref<80x128xf32, #tpu.memory_space<vmem>>)
      %add3A_102 = arith.constant 1 : i32
      %add3A_103 = arith.addi %add3A_56, %add3A_102 : i32
      %mul3A_104 = arith.constant 80 : i32
      %mul3A_105 = arith.muli %add3A_103, %mul3A_104 : i32
      %add3A_106 = arith.addi %mul3A_2, %mul3A_105 : i32
      %dma_wait3A_107 = tpu.memref_slice %arg4[%add3A_106] : memref<320080xi32, #tpu.memory_space<hbm>> -> memref<80xi32, #tpu.memory_space<hbm>>
      %dma_wait3A_108 = tpu.memref_slice %arg4[%add3A_106] : memref<320080xi32, #tpu.memory_space<hbm>> -> memref<80xi32, #tpu.memory_space<hbm>>
      tpu.wait_dma2 semaphore(%arg17 : memref<!tpu.dma_semaphore, #tpu.memory_space<semaphore_mem>>) src(%dma_wait3A_108 : memref<80xi32, #tpu.memory_space<hbm>>) dst(%arg10 : memref<80xi32, #tpu.memory_space<vmem>>)
      "tpu.region"() ({
        %run_scoped3A = tpu.sem_alloc : memref<!tpu.dma_semaphore, #tpu.memory_space<semaphore_mem>>
        %dma_start3A_123 = arith.constant 0 : i32
        %dma_start3A_124 = arith.constant 0 : i32
        %dma_start3A_125 = tpu.memref_slice %arg13[%dma_start3A_123, %dma_start3A_124] : memref<10240x128xf32, #tpu.memory_space<vmem_shared>> -> memref<10240x128xf32, #tpu.memory_space<vmem_shared>>
        tpu.enqueue_indirect_dma source(%arg12 : memref<80x128xf32, #tpu.memory_space<vmem>>) target(%dma_start3A_125 : memref<10240x128xf32, #tpu.memory_space<vmem_shared>>) offsets(%arg10 : memref<80xi32, #tpu.memory_space<vmem>>) semaphore(%run_scoped3A : memref<!tpu.dma_semaphore, #tpu.memory_space<semaphore_mem>>) {add = true}
        %dma_wait3A_126 = arith.constant 0 : i32
        %dma_wait3A_127 = arith.constant 0 : i32
        %dma_wait3A_128 = tpu.memref_slice %arg13[%dma_wait3A_126, %dma_wait3A_127] : memref<10240x128xf32, #tpu.memory_space<vmem_shared>> -> memref<10240x128xf32, #tpu.memory_space<vmem_shared>>
        tpu.wait_indirect_dma semaphore(%run_scoped3A : memref<!tpu.dma_semaphore, #tpu.memory_space<semaphore_mem>>) src(%arg12 : memref<80x128xf32, #tpu.memory_space<vmem>>) dst(%dma_wait3A_128 : memref<10240x128xf32, #tpu.memory_space<vmem_shared>>)
        tpu.yield
      }) : () -> ()
      %add3A_109 = arith.constant 3 : i32
      %add3A_110 = arith.addi %add3A_56, %add3A_109 : i32
      %mul3A_111 = arith.constant 80 : i32
      %mul3A_112 = arith.muli %add3A_110, %mul3A_111 : i32
      %add3A_113 = arith.addi %mul3A_2, %mul3A_112 : i32
      %dma_start3A_114 = tpu.memref_slice %arg3[%add3A_113] : memref<320080xi32, #tpu.memory_space<hbm>> -> memref<80xi32, #tpu.memory_space<hbm>>
      %dma_start3A_115 = tpu.memref_slice %arg3[%add3A_113] : memref<320080xi32, #tpu.memory_space<hbm>> -> memref<80xi32, #tpu.memory_space<hbm>>
      tpu.enqueue_dma source(%dma_start3A_115 : memref<80xi32, #tpu.memory_space<hbm>>) target(%arg8 : memref<80xi32, #tpu.memory_space<vmem>>) target_semaphore(%arg15 : memref<!tpu.dma_semaphore, #tpu.memory_space<semaphore_mem>>)
      %add3A_116 = arith.constant 3 : i32
      %add3A_117 = arith.addi %add3A_56, %add3A_116 : i32
      %mul3A_118 = arith.constant 80 : i32
      %mul3A_119 = arith.muli %add3A_117, %mul3A_118 : i32
      %add3A_120 = arith.addi %mul3A_2, %mul3A_119 : i32
      %dma_start3A_121 = tpu.memref_slice %arg4[%add3A_120] : memref<320080xi32, #tpu.memory_space<hbm>> -> memref<80xi32, #tpu.memory_space<hbm>>
      %dma_start3A_122 = tpu.memref_slice %arg4[%add3A_120] : memref<320080xi32, #tpu.memory_space<hbm>> -> memref<80xi32, #tpu.memory_space<hbm>>
      tpu.enqueue_dma source(%dma_start3A_122 : memref<80xi32, #tpu.memory_space<hbm>>) target(%arg10 : memref<80xi32, #tpu.memory_space<vmem>>) target_semaphore(%arg17 : memref<!tpu.dma_semaphore, #tpu.memory_space<semaphore_mem>>)
    }
    %scan3A_31 = arith.constant 62 : i32
    %dma_wait3A_32 = arith.constant 0 : i32
    %dma_wait3A_33 = arith.constant 0 : i32
    %dma_wait3A_34 = tpu.memref_slice %arg2[%dma_wait3A_32, %dma_wait3A_33] : memref<10000x128xf32, #tpu.memory_space<hbm>> -> memref<10000x128xf32, #tpu.memory_space<hbm>>
    tpu.wait_indirect_dma semaphore(%arg18 : memref<!tpu.dma_semaphore, #tpu.memory_space<semaphore_mem>>) src(%dma_wait3A_34 : memref<10000x128xf32, #tpu.memory_space<hbm>>) dst(%arg11 : memref<80x128xf32, #tpu.memory_space<vmem>>)
    %add3A_35 = arith.constant 9920 : i32
    %add3A_36 = arith.addi %mul3A_2, %add3A_35 : i32
    %dma_wait3A_37 = tpu.memref_slice %arg4[%add3A_36] : memref<320080xi32, #tpu.memory_space<hbm>> -> memref<80xi32, #tpu.memory_space<hbm>>
    %dma_wait3A_38 = tpu.memref_slice %arg4[%add3A_36] : memref<320080xi32, #tpu.memory_space<hbm>> -> memref<80xi32, #tpu.memory_space<hbm>>
    tpu.wait_dma2 semaphore(%arg16 : memref<!tpu.dma_semaphore, #tpu.memory_space<semaphore_mem>>) src(%dma_wait3A_38 : memref<80xi32, #tpu.memory_space<hbm>>) dst(%arg9 : memref<80xi32, #tpu.memory_space<vmem>>)
    "tpu.region"() ({
      %run_scoped3A = tpu.sem_alloc : memref<!tpu.dma_semaphore, #tpu.memory_space<semaphore_mem>>
      %dma_start3A_52 = arith.constant 0 : i32
      %dma_start3A_53 = arith.constant 0 : i32
      %dma_start3A_54 = tpu.memref_slice %arg13[%dma_start3A_52, %dma_start3A_53] : memref<10240x128xf32, #tpu.memory_space<vmem_shared>> -> memref<10240x128xf32, #tpu.memory_space<vmem_shared>>
      tpu.enqueue_indirect_dma source(%arg11 : memref<80x128xf32, #tpu.memory_space<vmem>>) target(%dma_start3A_54 : memref<10240x128xf32, #tpu.memory_space<vmem_shared>>) offsets(%arg9 : memref<80xi32, #tpu.memory_space<vmem>>) semaphore(%run_scoped3A : memref<!tpu.dma_semaphore, #tpu.memory_space<semaphore_mem>>) {add = true}
      %dma_wait3A_55 = arith.constant 0 : i32
      %dma_wait3A_56 = arith.constant 0 : i32
      %dma_wait3A_57 = tpu.memref_slice %arg13[%dma_wait3A_55, %dma_wait3A_56] : memref<10240x128xf32, #tpu.memory_space<vmem_shared>> -> memref<10240x128xf32, #tpu.memory_space<vmem_shared>>
      tpu.wait_indirect_dma semaphore(%run_scoped3A : memref<!tpu.dma_semaphore, #tpu.memory_space<semaphore_mem>>) src(%arg11 : memref<80x128xf32, #tpu.memory_space<vmem>>) dst(%dma_wait3A_57 : memref<10240x128xf32, #tpu.memory_space<vmem_shared>>)
      tpu.yield
    }) : () -> ()
    %add3A_39 = arith.constant 10000 : i32
    %add3A_40 = arith.addi %mul3A_2, %add3A_39 : i32
    %dma_wait3A_41 = tpu.memref_slice %arg3[%add3A_40] : memref<320080xi32, #tpu.memory_space<hbm>> -> memref<80xi32, #tpu.memory_space<hbm>>
    %dma_wait3A_42 = tpu.memref_slice %arg3[%add3A_40] : memref<320080xi32, #tpu.memory_space<hbm>> -> memref<80xi32, #tpu.memory_space<hbm>>
    tpu.wait_dma2 semaphore(%arg15 : memref<!tpu.dma_semaphore, #tpu.memory_space<semaphore_mem>>) src(%dma_wait3A_42 : memref<80xi32, #tpu.memory_space<hbm>>) dst(%arg8 : memref<80xi32, #tpu.memory_space<vmem>>)
    %add3A_43 = arith.constant 10000 : i32
    %add3A_44 = arith.addi %mul3A_2, %add3A_43 : i32
    %dma_wait3A_45 = tpu.memref_slice %arg4[%add3A_44] : memref<320080xi32, #tpu.memory_space<hbm>> -> memref<80xi32, #tpu.memory_space<hbm>>
    %dma_wait3A_46 = tpu.memref_slice %arg4[%add3A_44] : memref<320080xi32, #tpu.memory_space<hbm>> -> memref<80xi32, #tpu.memory_space<hbm>>
    tpu.wait_dma2 semaphore(%arg17 : memref<!tpu.dma_semaphore, #tpu.memory_space<semaphore_mem>>) src(%dma_wait3A_46 : memref<80xi32, #tpu.memory_space<hbm>>) dst(%arg10 : memref<80xi32, #tpu.memory_space<vmem>>)
    %barrier3A_47 = arith.constant 0 : index
    tpu.barrier barrier_id(%barrier3A_47)
    %mul3A_48 = arith.constant 640 : i32
    %mul3A_49 = arith.muli %arg1, %mul3A_48 : i32
    %mul3A_50 = arith.constant 640 : i32
    %mul3A_51 = arith.muli %arg1, %mul3A_50 : i32
    "tpu.region"() ({
      %run_scoped3A = tpu.sem_alloc : memref<!tpu.dma_semaphore, #tpu.memory_space<semaphore_mem>>
      %dma_start3A_52 = arith.constant 0 : i32
      %dma_start3A_53 = tpu.memref_slice %arg6[%arg0, %mul3A_51, %dma_start3A_52] : memref<2x10240x128xf32, #tpu.memory_space<hbm>> -> memref<1x640x128xf32, #tpu.memory_space<hbm>>
      %dma_start3A_54 = tpu.memref_squeeze %dma_start3A_53 : memref<1x640x128xf32, #tpu.memory_space<hbm>> -> memref<640x128xf32, #tpu.memory_space<hbm>>
      %dma_start3A_55 = arith.constant 0 : i32
      %dma_start3A_56 = tpu.memref_slice %arg13[%mul3A_49, %dma_start3A_55] : memref<10240x128xf32, #tpu.memory_space<vmem_shared>> -> memref<640x128xf32, #tpu.memory_space<vmem_shared>>
      tpu.enqueue_dma source(%dma_start3A_56 : memref<640x128xf32, #tpu.memory_space<vmem_shared>>) target(%dma_start3A_54 : memref<640x128xf32, #tpu.memory_space<hbm>>) target_semaphore(%run_scoped3A : memref<!tpu.dma_semaphore, #tpu.memory_space<semaphore_mem>>)
      %dma_wait3A_57 = arith.constant 0 : i32
      %dma_wait3A_58 = tpu.memref_slice %arg6[%arg0, %mul3A_51, %dma_wait3A_57] : memref<2x10240x128xf32, #tpu.memory_space<hbm>> -> memref<1x640x128xf32, #tpu.memory_space<hbm>>
      %dma_wait3A_59 = tpu.memref_squeeze %dma_wait3A_58 : memref<1x640x128xf32, #tpu.memory_space<hbm>> -> memref<640x128xf32, #tpu.memory_space<hbm>>
      %dma_wait3A_60 = arith.constant 0 : i32
      %dma_wait3A_61 = tpu.memref_slice %arg13[%mul3A_49, %dma_wait3A_60] : memref<10240x128xf32, #tpu.memory_space<vmem_shared>> -> memref<640x128xf32, #tpu.memory_space<vmem_shared>>
      tpu.wait_dma2 semaphore(%run_scoped3A : memref<!tpu.dma_semaphore, #tpu.memory_space<semaphore_mem>>) src(%dma_wait3A_61 : memref<640x128xf32, #tpu.memory_space<vmem_shared>>) dst(%dma_wait3A_59 : memref<640x128xf32, #tpu.memory_space<hbm>>)
      tpu.yield
    }) : () -> ()
    return
  }
}

#map = affine_map<(d0, d1) -> (0, 0)>
#map1 = affine_map<(d0, d1) -> (0)>
#map2 = affine_map<(d0, d1) -> (0, 0, 0)>
module attributes {stable_mosaic.version = 14 : i64} {
  func.func @msg_kernel(%arg0: i32, %arg1: i32, %arg2: memref<10000x128xf32, #tpu.memory_space<hbm>>, %arg3: memref<320080xi32, #tpu.memory_space<hbm>>, %arg4: memref<320080xi32, #tpu.memory_space<hbm>>, %arg5: memref<10240x128xf32, #tpu.memory_space<hbm>>, %arg6: memref<2x10240x128xf32, #tpu.memory_space<hbm>>, %arg7: memref<80xi32, #tpu.memory_space<vmem>>, %arg8: memref<80xi32, #tpu.memory_space<vmem>>, %arg9: memref<80xi32, #tpu.memory_space<vmem>>, %arg10: memref<80xi32, #tpu.memory_space<vmem>>, %arg11: memref<80x128xf32, #tpu.memory_space<vmem>>, %arg12: memref<80x128xf32, #tpu.memory_space<vmem>>, %arg13: memref<10240x128xf32, #tpu.memory_space<vmem_shared>>, %arg14: memref<!tpu.dma_semaphore, #tpu.memory_space<semaphore_mem>>, %arg15: memref<!tpu.dma_semaphore, #tpu.memory_space<semaphore_mem>>, %arg16: memref<!tpu.dma_semaphore, #tpu.memory_space<semaphore_mem>>, %arg17: memref<!tpu.dma_semaphore, #tpu.memory_space<semaphore_mem>>, %arg18: memref<!tpu.dma_semaphore, #tpu.memory_space<semaphore_mem>>, %arg19: memref<!tpu.dma_semaphore, #tpu.memory_space<semaphore_mem>>) attributes {dimension_semantics = [#tpu.dimension_semantics<core_parallel>, #tpu.dimension_semantics<subcore_parallel>], iteration_bounds = array<i64: 2, 16>, scalar_prefetch = 0 : i64, scratch_operands = 13 : i64, tpu.core_type = #tpu.core_type<sc_vector_subcore>, window_params = [{transform_indices = #map}, {transform_indices = #map1}, {transform_indices = #map1}, {transform_indices = #map}, {transform_indices = #map2}]} {
    %mul3A = arith.constant 16 : i32
    %mul3A_0 = arith.muli %arg0, %mul3A : i32
    %add3A = arith.addi %mul3A_0, %arg1 : i32
    %mul3A_1 = arith.constant 10000 : i32
    %mul3A_2 = arith.muli %add3A, %mul3A_1 : i32
    %mul3A_3 = arith.constant 640 : i32
    %mul3A_4 = arith.muli %arg1, %mul3A_3 : i32
    %mul3A_5 = arith.constant 640 : i32
    %mul3A_6 = arith.muli %arg1, %mul3A_5 : i32
    "tpu.region"() ({
      %run_scoped3A = tpu.sem_alloc : memref<!tpu.dma_semaphore, #tpu.memory_space<semaphore_mem>>
      %dma_start3A_52 = arith.constant 0 : i32
      %dma_start3A_53 = tpu.memref_slice %arg13[%mul3A_6, %dma_start3A_52] : memref<10240x128xf32, #tpu.memory_space<vmem_shared>> -> memref<640x128xf32, #tpu.memory_space<vmem_shared>>
      %dma_start3A_54 = arith.constant 0 : i32
      %dma_start3A_55 = tpu.memref_slice %arg5[%mul3A_4, %dma_start3A_54] : memref<10240x128xf32, #tpu.memory_space<hbm>> -> memref<640x128xf32, #tpu.memory_space<hbm>>
      tpu.enqueue_dma source(%dma_start3A_55 : memref<640x128xf32, #tpu.memory_space<hbm>>) target(%dma_start3A_53 : memref<640x128xf32, #tpu.memory_space<vmem_shared>>) target_semaphore(%run_scoped3A : memref<!tpu.dma_semaphore, #tpu.memory_space<semaphore_mem>>)
      %dma_wait3A_56 = arith.constant 0 : i32
      %dma_wait3A_57 = tpu.memref_slice %arg13[%mul3A_6, %dma_wait3A_56] : memref<10240x128xf32, #tpu.memory_space<vmem_shared>> -> memref<640x128xf32, #tpu.memory_space<vmem_shared>>
      %dma_wait3A_58 = arith.constant 0 : i32
      %dma_wait3A_59 = tpu.memref_slice %arg5[%mul3A_4, %dma_wait3A_58] : memref<10240x128xf32, #tpu.memory_space<hbm>> -> memref<640x128xf32, #tpu.memory_space<hbm>>
      tpu.wait_dma2 semaphore(%run_scoped3A : memref<!tpu.dma_semaphore, #tpu.memory_space<semaphore_mem>>) src(%dma_wait3A_59 : memref<640x128xf32, #tpu.memory_space<hbm>>) dst(%dma_wait3A_57 : memref<640x128xf32, #tpu.memory_space<vmem_shared>>)
      tpu.yield
    }) : () -> ()
    %barrier3A = arith.constant 0 : index
    tpu.barrier barrier_id(%barrier3A)
    %add3A_7 = arith.constant 0 : i32
    %add3A_8 = arith.addi %mul3A_2, %add3A_7 : i32
    %dma_start3A = tpu.memref_slice %arg3[%add3A_8] : memref<320080xi32, #tpu.memory_space<hbm>> -> memref<80xi32, #tpu.memory_space<hbm>>
    %dma_start3A_9 = tpu.memref_slice %arg3[%add3A_8] : memref<320080xi32, #tpu.memory_space<hbm>> -> memref<80xi32, #tpu.memory_space<hbm>>
    tpu.enqueue_dma source(%dma_start3A_9 : memref<80xi32, #tpu.memory_space<hbm>>) target(%arg7 : memref<80xi32, #tpu.memory_space<vmem>>) target_semaphore(%arg14 : memref<!tpu.dma_semaphore, #tpu.memory_space<semaphore_mem>>)
    %add3A_10 = arith.constant 0 : i32
    %add3A_11 = arith.addi %mul3A_2, %add3A_10 : i32
    %dma_start3A_12 = tpu.memref_slice %arg4[%add3A_11] : memref<320080xi32, #tpu.memory_space<hbm>> -> memref<80xi32, #tpu.memory_space<hbm>>
    %dma_start3A_13 = tpu.memref_slice %arg4[%add3A_11] : memref<320080xi32, #tpu.memory_space<hbm>> -> memref<80xi32, #tpu.memory_space<hbm>>
    tpu.enqueue_dma source(%dma_start3A_13 : memref<80xi32, #tpu.memory_space<hbm>>) target(%arg9 : memref<80xi32, #tpu.memory_space<vmem>>) target_semaphore(%arg16 : memref<!tpu.dma_semaphore, #tpu.memory_space<semaphore_mem>>)
    %add3A_14 = arith.constant 80 : i32
    %add3A_15 = arith.addi %mul3A_2, %add3A_14 : i32
    %dma_start3A_16 = tpu.memref_slice %arg3[%add3A_15] : memref<320080xi32, #tpu.memory_space<hbm>> -> memref<80xi32, #tpu.memory_space<hbm>>
    %dma_start3A_17 = tpu.memref_slice %arg3[%add3A_15] : memref<320080xi32, #tpu.memory_space<hbm>> -> memref<80xi32, #tpu.memory_space<hbm>>
    tpu.enqueue_dma source(%dma_start3A_17 : memref<80xi32, #tpu.memory_space<hbm>>) target(%arg8 : memref<80xi32, #tpu.memory_space<vmem>>) target_semaphore(%arg15 : memref<!tpu.dma_semaphore, #tpu.memory_space<semaphore_mem>>)
    %add3A_18 = arith.constant 80 : i32
    %add3A_19 = arith.addi %mul3A_2, %add3A_18 : i32
    %dma_start3A_20 = tpu.memref_slice %arg4[%add3A_19] : memref<320080xi32, #tpu.memory_space<hbm>> -> memref<80xi32, #tpu.memory_space<hbm>>
    %dma_start3A_21 = tpu.memref_slice %arg4[%add3A_19] : memref<320080xi32, #tpu.memory_space<hbm>> -> memref<80xi32, #tpu.memory_space<hbm>>
    tpu.enqueue_dma source(%dma_start3A_21 : memref<80xi32, #tpu.memory_space<hbm>>) target(%arg10 : memref<80xi32, #tpu.memory_space<vmem>>) target_semaphore(%arg17 : memref<!tpu.dma_semaphore, #tpu.memory_space<semaphore_mem>>)
    %add3A_22 = arith.constant 0 : i32
    %add3A_23 = arith.addi %mul3A_2, %add3A_22 : i32
    %dma_wait3A = tpu.memref_slice %arg3[%add3A_23] : memref<320080xi32, #tpu.memory_space<hbm>> -> memref<80xi32, #tpu.memory_space<hbm>>
    %dma_wait3A_24 = tpu.memref_slice %arg3[%add3A_23] : memref<320080xi32, #tpu.memory_space<hbm>> -> memref<80xi32, #tpu.memory_space<hbm>>
    tpu.wait_dma2 semaphore(%arg14 : memref<!tpu.dma_semaphore, #tpu.memory_space<semaphore_mem>>) src(%dma_wait3A_24 : memref<80xi32, #tpu.memory_space<hbm>>) dst(%arg7 : memref<80xi32, #tpu.memory_space<vmem>>)
    %dma_start3A_25 = arith.constant 0 : i32
    %dma_start3A_26 = arith.constant 0 : i32
    %dma_start3A_27 = tpu.memref_slice %arg2[%dma_start3A_25, %dma_start3A_26] : memref<10000x128xf32, #tpu.memory_space<hbm>> -> memref<10000x128xf32, #tpu.memory_space<hbm>>
    tpu.enqueue_indirect_dma source(%dma_start3A_27 : memref<10000x128xf32, #tpu.memory_space<hbm>>) target(%arg11 : memref<80x128xf32, #tpu.memory_space<vmem>>) offsets(%arg7 : memref<80xi32, #tpu.memory_space<vmem>>) semaphore(%arg18 : memref<!tpu.dma_semaphore, #tpu.memory_space<semaphore_mem>>)
    %scan3A = arith.constant 0 : i32
    %scan3A_28 = arith.constant 62 : i32
    %scan3A_29 = arith.addi %scan3A, %scan3A_28 : i32
    %scan3A_30 = arith.constant 1 : i32
    scf.for %scan3A_52 = %scan3A to %scan3A_29 step %scan3A_30  : i32 {
      %mul3A_53 = arith.constant 2 : i32
      %mul3A_54 = arith.muli %scan3A_52, %mul3A_53 : i32
      %add3A_55 = arith.constant 0 : i32
      %add3A_56 = arith.addi %add3A_55, %mul3A_54 : i32
      %add3A_57 = arith.constant 1 : i32
      %add3A_58 = arith.addi %add3A_56, %add3A_57 : i32
      %mul3A_59 = arith.constant 80 : i32
      %mul3A_60 = arith.muli %add3A_58, %mul3A_59 : i32
      %add3A_61 = arith.addi %mul3A_2, %mul3A_60 : i32
      %dma_wait3A_62 = tpu.memref_slice %arg3[%add3A_61] : memref<320080xi32, #tpu.memory_space<hbm>> -> memref<80xi32, #tpu.memory_space<hbm>>
      %dma_wait3A_63 = tpu.memref_slice %arg3[%add3A_61] : memref<320080xi32, #tpu.memory_space<hbm>> -> memref<80xi32, #tpu.memory_space<hbm>>
      tpu.wait_dma2 semaphore(%arg15 : memref<!tpu.dma_semaphore, #tpu.memory_space<semaphore_mem>>) src(%dma_wait3A_63 : memref<80xi32, #tpu.memory_space<hbm>>) dst(%arg8 : memref<80xi32, #tpu.memory_space<vmem>>)
      %dma_start3A_64 = arith.constant 0 : i32
      %dma_start3A_65 = arith.constant 0 : i32
      %dma_start3A_66 = tpu.memref_slice %arg2[%dma_start3A_64, %dma_start3A_65] : memref<10000x128xf32, #tpu.memory_space<hbm>> -> memref<10000x128xf32, #tpu.memory_space<hbm>>
      tpu.enqueue_indirect_dma source(%dma_start3A_66 : memref<10000x128xf32, #tpu.memory_space<hbm>>) target(%arg12 : memref<80x128xf32, #tpu.memory_space<vmem>>) offsets(%arg8 : memref<80xi32, #tpu.memory_space<vmem>>) semaphore(%arg19 : memref<!tpu.dma_semaphore, #tpu.memory_space<semaphore_mem>>)
      %dma_wait3A_67 = arith.constant 0 : i32
      %dma_wait3A_68 = arith.constant 0 : i32
      %dma_wait3A_69 = tpu.memref_slice %arg2[%dma_wait3A_67, %dma_wait3A_68] : memref<10000x128xf32, #tpu.memory_space<hbm>> -> memref<10000x128xf32, #tpu.memory_space<hbm>>
      tpu.wait_indirect_dma semaphore(%arg18 : memref<!tpu.dma_semaphore, #tpu.memory_space<semaphore_mem>>) src(%dma_wait3A_69 : memref<10000x128xf32, #tpu.memory_space<hbm>>) dst(%arg11 : memref<80x128xf32, #tpu.memory_space<vmem>>)
      %mul3A_70 = arith.constant 80 : i32
      %mul3A_71 = arith.muli %add3A_56, %mul3A_70 : i32
      %add3A_72 = arith.addi %mul3A_2, %mul3A_71 : i32
      %dma_wait3A_73 = tpu.memref_slice %arg4[%add3A_72] : memref<320080xi32, #tpu.memory_space<hbm>> -> memref<80xi32, #tpu.memory_space<hbm>>
      %dma_wait3A_74 = tpu.memref_slice %arg4[%add3A_72] : memref<320080xi32, #tpu.memory_space<hbm>> -> memref<80xi32, #tpu.memory_space<hbm>>
      tpu.wait_dma2 semaphore(%arg16 : memref<!tpu.dma_semaphore, #tpu.memory_space<semaphore_mem>>) src(%dma_wait3A_74 : memref<80xi32, #tpu.memory_space<hbm>>) dst(%arg9 : memref<80xi32, #tpu.memory_space<vmem>>)
      "tpu.region"() ({
        %run_scoped3A = tpu.sem_alloc : memref<!tpu.dma_semaphore, #tpu.memory_space<semaphore_mem>>
        %dma_start3A_123 = arith.constant 0 : i32
        %dma_start3A_124 = arith.constant 0 : i32
        %dma_start3A_125 = tpu.memref_slice %arg13[%dma_start3A_123, %dma_start3A_124] : memref<10240x128xf32, #tpu.memory_space<vmem_shared>> -> memref<10240x128xf32, #tpu.memory_space<vmem_shared>>
        tpu.enqueue_indirect_dma source(%arg11 : memref<80x128xf32, #tpu.memory_space<vmem>>) target(%dma_start3A_125 : memref<10240x128xf32, #tpu.memory_space<vmem_shared>>) offsets(%arg9 : memref<80xi32, #tpu.memory_space<vmem>>) semaphore(%run_scoped3A : memref<!tpu.dma_semaphore, #tpu.memory_space<semaphore_mem>>) {add = true}
        %dma_wait3A_126 = arith.constant 0 : i32
        %dma_wait3A_127 = arith.constant 0 : i32
        %dma_wait3A_128 = tpu.memref_slice %arg13[%dma_wait3A_126, %dma_wait3A_127] : memref<10240x128xf32, #tpu.memory_space<vmem_shared>> -> memref<10240x128xf32, #tpu.memory_space<vmem_shared>>
        tpu.wait_indirect_dma semaphore(%run_scoped3A : memref<!tpu.dma_semaphore, #tpu.memory_space<semaphore_mem>>) src(%arg11 : memref<80x128xf32, #tpu.memory_space<vmem>>) dst(%dma_wait3A_128 : memref<10240x128xf32, #tpu.memory_space<vmem_shared>>)
        tpu.yield
      }) : () -> ()
      %add3A_75 = arith.constant 2 : i32
      %add3A_76 = arith.addi %add3A_56, %add3A_75 : i32
      %mul3A_77 = arith.constant 80 : i32
      %mul3A_78 = arith.muli %add3A_76, %mul3A_77 : i32
      %add3A_79 = arith.addi %mul3A_2, %mul3A_78 : i32
      %dma_start3A_80 = tpu.memref_slice %arg3[%add3A_79] : memref<320080xi32, #tpu.memory_space<hbm>> -> memref<80xi32, #tpu.memory_space<hbm>>
      %dma_start3A_81 = tpu.memref_slice %arg3[%add3A_79] : memref<320080xi32, #tpu.memory_space<hbm>> -> memref<80xi32, #tpu.memory_space<hbm>>
      tpu.enqueue_dma source(%dma_start3A_81 : memref<80xi32, #tpu.memory_space<hbm>>) target(%arg7 : memref<80xi32, #tpu.memory_space<vmem>>) target_semaphore(%arg14 : memref<!tpu.dma_semaphore, #tpu.memory_space<semaphore_mem>>)
      %add3A_82 = arith.constant 2 : i32
      %add3A_83 = arith.addi %add3A_56, %add3A_82 : i32
      %mul3A_84 = arith.constant 80 : i32
      %mul3A_85 = arith.muli %add3A_83, %mul3A_84 : i32
      %add3A_86 = arith.addi %mul3A_2, %mul3A_85 : i32
      %dma_start3A_87 = tpu.memref_slice %arg4[%add3A_86] : memref<320080xi32, #tpu.memory_space<hbm>> -> memref<80xi32, #tpu.memory_space<hbm>>
      %dma_start3A_88 = tpu.memref_slice %arg4[%add3A_86] : memref<320080xi32, #tpu.memory_space<hbm>> -> memref<80xi32, #tpu.memory_space<hbm>>
      tpu.enqueue_dma source(%dma_start3A_88 : memref<80xi32, #tpu.memory_space<hbm>>) target(%arg9 : memref<80xi32, #tpu.memory_space<vmem>>) target_semaphore(%arg16 : memref<!tpu.dma_semaphore, #tpu.memory_space<semaphore_mem>>)
      %add3A_89 = arith.constant 2 : i32
      %add3A_90 = arith.addi %add3A_56, %add3A_89 : i32
      %mul3A_91 = arith.constant 80 : i32
      %mul3A_92 = arith.muli %add3A_90, %mul3A_91 : i32
      %add3A_93 = arith.addi %mul3A_2, %mul3A_92 : i32
      %dma_wait3A_94 = tpu.memref_slice %arg3[%add3A_93] : memref<320080xi32, #tpu.memory_space<hbm>> -> memref<80xi32, #tpu.memory_space<hbm>>
      %dma_wait3A_95 = tpu.memref_slice %arg3[%add3A_93] : memref<320080xi32, #tpu.memory_space<hbm>> -> memref<80xi32, #tpu.memory_space<hbm>>
      tpu.wait_dma2 semaphore(%arg14 : memref<!tpu.dma_semaphore, #tpu.memory_space<semaphore_mem>>) src(%dma_wait3A_95 : memref<80xi32, #tpu.memory_space<hbm>>) dst(%arg7 : memref<80xi32, #tpu.memory_space<vmem>>)
      %dma_start3A_96 = arith.constant 0 : i32
      %dma_start3A_97 = arith.constant 0 : i32
      %dma_start3A_98 = tpu.memref_slice %arg2[%dma_start3A_96, %dma_start3A_97] : memref<10000x128xf32, #tpu.memory_space<hbm>> -> memref<10000x128xf32, #tpu.memory_space<hbm>>
      tpu.enqueue_indirect_dma source(%dma_start3A_98 : memref<10000x128xf32, #tpu.memory_space<hbm>>) target(%arg11 : memref<80x128xf32, #tpu.memory_space<vmem>>) offsets(%arg7 : memref<80xi32, #tpu.memory_space<vmem>>) semaphore(%arg18 : memref<!tpu.dma_semaphore, #tpu.memory_space<semaphore_mem>>)
      %dma_wait3A_99 = arith.constant 0 : i32
      %dma_wait3A_100 = arith.constant 0 : i32
      %dma_wait3A_101 = tpu.memref_slice %arg2[%dma_wait3A_99, %dma_wait3A_100] : memref<10000x128xf32, #tpu.memory_space<hbm>> -> memref<10000x128xf32, #tpu.memory_space<hbm>>
      tpu.wait_indirect_dma semaphore(%arg19 : memref<!tpu.dma_semaphore, #tpu.memory_space<semaphore_mem>>) src(%dma_wait3A_101 : memref<10000x128xf32, #tpu.memory_space<hbm>>) dst(%arg12 : memref<80x128xf32, #tpu.memory_space<vmem>>)
      %add3A_102 = arith.constant 1 : i32
      %add3A_103 = arith.addi %add3A_56, %add3A_102 : i32
      %mul3A_104 = arith.constant 80 : i32
      %mul3A_105 = arith.muli %add3A_103, %mul3A_104 : i32
      %add3A_106 = arith.addi %mul3A_2, %mul3A_105 : i32
      %dma_wait3A_107 = tpu.memref_slice %arg4[%add3A_106] : memref<320080xi32, #tpu.memory_space<hbm>> -> memref<80xi32, #tpu.memory_space<hbm>>
      %dma_wait3A_108 = tpu.memref_slice %arg4[%add3A_106] : memref<320080xi32, #tpu.memory_space<hbm>> -> memref<80xi32, #tpu.memory_space<hbm>>
      tpu.wait_dma2 semaphore(%arg17 : memref<!tpu.dma_semaphore, #tpu.memory_space<semaphore_mem>>) src(%dma_wait3A_108 : memref<80xi32, #tpu.memory_space<hbm>>) dst(%arg10 : memref<80xi32, #tpu.memory_space<vmem>>)
      "tpu.region"() ({
        %run_scoped3A = tpu.sem_alloc : memref<!tpu.dma_semaphore, #tpu.memory_space<semaphore_mem>>
        %dma_start3A_123 = arith.constant 0 : i32
        %dma_start3A_124 = arith.constant 0 : i32
        %dma_start3A_125 = tpu.memref_slice %arg13[%dma_start3A_123, %dma_start3A_124] : memref<10240x128xf32, #tpu.memory_space<vmem_shared>> -> memref<10240x128xf32, #tpu.memory_space<vmem_shared>>
        tpu.enqueue_indirect_dma source(%arg12 : memref<80x128xf32, #tpu.memory_space<vmem>>) target(%dma_start3A_125 : memref<10240x128xf32, #tpu.memory_space<vmem_shared>>) offsets(%arg10 : memref<80xi32, #tpu.memory_space<vmem>>) semaphore(%run_scoped3A : memref<!tpu.dma_semaphore, #tpu.memory_space<semaphore_mem>>) {add = true}
        %dma_wait3A_126 = arith.constant 0 : i32
        %dma_wait3A_127 = arith.constant 0 : i32
        %dma_wait3A_128 = tpu.memref_slice %arg13[%dma_wait3A_126, %dma_wait3A_127] : memref<10240x128xf32, #tpu.memory_space<vmem_shared>> -> memref<10240x128xf32, #tpu.memory_space<vmem_shared>>
        tpu.wait_indirect_dma semaphore(%run_scoped3A : memref<!tpu.dma_semaphore, #tpu.memory_space<semaphore_mem>>) src(%arg12 : memref<80x128xf32, #tpu.memory_space<vmem>>) dst(%dma_wait3A_128 : memref<10240x128xf32, #tpu.memory_space<vmem_shared>>)
        tpu.yield
      }) : () -> ()
      %add3A_109 = arith.constant 3 : i32
      %add3A_110 = arith.addi %add3A_56, %add3A_109 : i32
      %mul3A_111 = arith.constant 80 : i32
      %mul3A_112 = arith.muli %add3A_110, %mul3A_111 : i32
      %add3A_113 = arith.addi %mul3A_2, %mul3A_112 : i32
      %dma_start3A_114 = tpu.memref_slice %arg3[%add3A_113] : memref<320080xi32, #tpu.memory_space<hbm>> -> memref<80xi32, #tpu.memory_space<hbm>>
      %dma_start3A_115 = tpu.memref_slice %arg3[%add3A_113] : memref<320080xi32, #tpu.memory_space<hbm>> -> memref<80xi32, #tpu.memory_space<hbm>>
      tpu.enqueue_dma source(%dma_start3A_115 : memref<80xi32, #tpu.memory_space<hbm>>) target(%arg8 : memref<80xi32, #tpu.memory_space<vmem>>) target_semaphore(%arg15 : memref<!tpu.dma_semaphore, #tpu.memory_space<semaphore_mem>>)
      %add3A_116 = arith.constant 3 : i32
      %add3A_117 = arith.addi %add3A_56, %add3A_116 : i32
      %mul3A_118 = arith.constant 80 : i32
      %mul3A_119 = arith.muli %add3A_117, %mul3A_118 : i32
      %add3A_120 = arith.addi %mul3A_2, %mul3A_119 : i32
      %dma_start3A_121 = tpu.memref_slice %arg4[%add3A_120] : memref<320080xi32, #tpu.memory_space<hbm>> -> memref<80xi32, #tpu.memory_space<hbm>>
      %dma_start3A_122 = tpu.memref_slice %arg4[%add3A_120] : memref<320080xi32, #tpu.memory_space<hbm>> -> memref<80xi32, #tpu.memory_space<hbm>>
      tpu.enqueue_dma source(%dma_start3A_122 : memref<80xi32, #tpu.memory_space<hbm>>) target(%arg10 : memref<80xi32, #tpu.memory_space<vmem>>) target_semaphore(%arg17 : memref<!tpu.dma_semaphore, #tpu.memory_space<semaphore_mem>>)
    }
    %scan3A_31 = arith.constant 62 : i32
    %dma_wait3A_32 = arith.constant 0 : i32
    %dma_wait3A_33 = arith.constant 0 : i32
    %dma_wait3A_34 = tpu.memref_slice %arg2[%dma_wait3A_32, %dma_wait3A_33] : memref<10000x128xf32, #tpu.memory_space<hbm>> -> memref<10000x128xf32, #tpu.memory_space<hbm>>
    tpu.wait_indirect_dma semaphore(%arg18 : memref<!tpu.dma_semaphore, #tpu.memory_space<semaphore_mem>>) src(%dma_wait3A_34 : memref<10000x128xf32, #tpu.memory_space<hbm>>) dst(%arg11 : memref<80x128xf32, #tpu.memory_space<vmem>>)
    %add3A_35 = arith.constant 9920 : i32
    %add3A_36 = arith.addi %mul3A_2, %add3A_35 : i32
    %dma_wait3A_37 = tpu.memref_slice %arg4[%add3A_36] : memref<320080xi32, #tpu.memory_space<hbm>> -> memref<80xi32, #tpu.memory_space<hbm>>
    %dma_wait3A_38 = tpu.memref_slice %arg4[%add3A_36] : memref<320080xi32, #tpu.memory_space<hbm>> -> memref<80xi32, #tpu.memory_space<hbm>>
    tpu.wait_dma2 semaphore(%arg16 : memref<!tpu.dma_semaphore, #tpu.memory_space<semaphore_mem>>) src(%dma_wait3A_38 : memref<80xi32, #tpu.memory_space<hbm>>) dst(%arg9 : memref<80xi32, #tpu.memory_space<vmem>>)
    "tpu.region"() ({
      %run_scoped3A = tpu.sem_alloc : memref<!tpu.dma_semaphore, #tpu.memory_space<semaphore_mem>>
      %dma_start3A_52 = arith.constant 0 : i32
      %dma_start3A_53 = arith.constant 0 : i32
      %dma_start3A_54 = tpu.memref_slice %arg13[%dma_start3A_52, %dma_start3A_53] : memref<10240x128xf32, #tpu.memory_space<vmem_shared>> -> memref<10240x128xf32, #tpu.memory_space<vmem_shared>>
      tpu.enqueue_indirect_dma source(%arg11 : memref<80x128xf32, #tpu.memory_space<vmem>>) target(%dma_start3A_54 : memref<10240x128xf32, #tpu.memory_space<vmem_shared>>) offsets(%arg9 : memref<80xi32, #tpu.memory_space<vmem>>) semaphore(%run_scoped3A : memref<!tpu.dma_semaphore, #tpu.memory_space<semaphore_mem>>) {add = true}
      %dma_wait3A_55 = arith.constant 0 : i32
      %dma_wait3A_56 = arith.constant 0 : i32
      %dma_wait3A_57 = tpu.memref_slice %arg13[%dma_wait3A_55, %dma_wait3A_56] : memref<10240x128xf32, #tpu.memory_space<vmem_shared>> -> memref<10240x128xf32, #tpu.memory_space<vmem_shared>>
      tpu.wait_indirect_dma semaphore(%run_scoped3A : memref<!tpu.dma_semaphore, #tpu.memory_space<semaphore_mem>>) src(%arg11 : memref<80x128xf32, #tpu.memory_space<vmem>>) dst(%dma_wait3A_57 : memref<10240x128xf32, #tpu.memory_space<vmem_shared>>)
      tpu.yield
    }) : () -> ()
    %add3A_39 = arith.constant 10000 : i32
    %add3A_40 = arith.addi %mul3A_2, %add3A_39 : i32
    %dma_wait3A_41 = tpu.memref_slice %arg3[%add3A_40] : memref<320080xi32, #tpu.memory_space<hbm>> -> memref<80xi32, #tpu.memory_space<hbm>>
    %dma_wait3A_42 = tpu.memref_slice %arg3[%add3A_40] : memref<320080xi32, #tpu.memory_space<hbm>> -> memref<80xi32, #tpu.memory_space<hbm>>
    tpu.wait_dma2 semaphore(%arg15 : memref<!tpu.dma_semaphore, #tpu.memory_space<semaphore_mem>>) src(%dma_wait3A_42 : memref<80xi32, #tpu.memory_space<hbm>>) dst(%arg8 : memref<80xi32, #tpu.memory_space<vmem>>)
    %add3A_43 = arith.constant 10000 : i32
    %add3A_44 = arith.addi %mul3A_2, %add3A_43 : i32
    %dma_wait3A_45 = tpu.memref_slice %arg4[%add3A_44] : memref<320080xi32, #tpu.memory_space<hbm>> -> memref<80xi32, #tpu.memory_space<hbm>>
    %dma_wait3A_46 = tpu.memref_slice %arg4[%add3A_44] : memref<320080xi32, #tpu.memory_space<hbm>> -> memref<80xi32, #tpu.memory_space<hbm>>
    tpu.wait_dma2 semaphore(%arg17 : memref<!tpu.dma_semaphore, #tpu.memory_space<semaphore_mem>>) src(%dma_wait3A_46 : memref<80xi32, #tpu.memory_space<hbm>>) dst(%arg10 : memref<80xi32, #tpu.memory_space<vmem>>)
    %barrier3A_47 = arith.constant 0 : index
    tpu.barrier barrier_id(%barrier3A_47)
    %mul3A_48 = arith.constant 640 : i32
    %mul3A_49 = arith.muli %arg1, %mul3A_48 : i32
    %mul3A_50 = arith.constant 640 : i32
    %mul3A_51 = arith.muli %arg1, %mul3A_50 : i32
    "tpu.region"() ({
      %run_scoped3A = tpu.sem_alloc : memref<!tpu.dma_semaphore, #tpu.memory_space<semaphore_mem>>
      %dma_start3A_52 = arith.constant 0 : i32
      %dma_start3A_53 = tpu.memref_slice %arg6[%arg0, %mul3A_51, %dma_start3A_52] : memref<2x10240x128xf32, #tpu.memory_space<hbm>> -> memref<1x640x128xf32, #tpu.memory_space<hbm>>
      %dma_start3A_54 = tpu.memref_squeeze %dma_start3A_53 : memref<1x640x128xf32, #tpu.memory_space<hbm>> -> memref<640x128xf32, #tpu.memory_space<hbm>>
      %dma_start3A_55 = arith.constant 0 : i32
      %dma_start3A_56 = tpu.memref_slice %arg13[%mul3A_49, %dma_start3A_55] : memref<10240x128xf32, #tpu.memory_space<vmem_shared>> -> memref<640x128xf32, #tpu.memory_space<vmem_shared>>
      tpu.enqueue_dma source(%dma_start3A_56 : memref<640x128xf32, #tpu.memory_space<vmem_shared>>) target(%dma_start3A_54 : memref<640x128xf32, #tpu.memory_space<hbm>>) target_semaphore(%run_scoped3A : memref<!tpu.dma_semaphore, #tpu.memory_space<semaphore_mem>>)
      %dma_wait3A_57 = arith.constant 0 : i32
      %dma_wait3A_58 = tpu.memref_slice %arg6[%arg0, %mul3A_51, %dma_wait3A_57] : memref<2x10240x128xf32, #tpu.memory_space<hbm>> -> memref<1x640x128xf32, #tpu.memory_space<hbm>>
      %dma_wait3A_59 = tpu.memref_squeeze %dma_wait3A_58 : memref<1x640x128xf32, #tpu.memory_space<hbm>> -> memref<640x128xf32, #tpu.memory_space<hbm>>
      %dma_wait3A_60 = arith.constant 0 : i32
      %dma_wait3A_61 = tpu.memref_slice %arg13[%mul3A_49, %dma_wait3A_60] : memref<10240x128xf32, #tpu.memory_space<vmem_shared>> -> memref<640x128xf32, #tpu.memory_space<vmem_shared>>
      tpu.wait_dma2 semaphore(%run_scoped3A : memref<!tpu.dma_semaphore, #tpu.memory_space<semaphore_mem>>) src(%dma_wait3A_61 : memref<640x128xf32, #tpu.memory_space<vmem_shared>>) dst(%dma_wait3A_59 : memref<640x128xf32, #tpu.memory_space<hbm>>)
      tpu.yield
    }) : () -> ()
    return
  }
}

module attributes {stable_mosaic.version = 14 : i64} {
  func.func @_tc0_body(%arg0: memref<2x10240x128xf32, #tpu.memory_space<vmem>>, %arg1: memref<10000x128xf32, #tpu.memory_space<vmem>>, %arg2: memref<128x128xf32, #tpu.memory_space<vmem>>, %arg3: memref<10000x1xf32, #tpu.memory_space<vmem>>, %arg4: memref<10000x128xf32, #tpu.memory_space<vmem>>) attributes {dimension_semantics = [], scalar_prefetch = 0 : i64, scratch_operands = 0 : i64, tpu.core_type = #tpu.core_type<tc>} {
    %get3A = arith.constant 0 : index
    %get3A_0 = arith.constant 0 : index
    %get3A_1 = arith.constant 0 : index
    %get3A_2 = vector.load %arg0[%get3A, %get3A_0, %get3A_1] : memref<2x10240x128xf32, #tpu.memory_space<vmem>>, vector<1x10000x1xf32>
    %get3A_3 = vector.shape_cast %get3A_2 : vector<1x10000x1xf32> to vector<10000x1xf32>
    %get3A_4 = arith.constant 1 : index
    %get3A_5 = arith.constant 0 : index
    %get3A_6 = arith.constant 0 : index
    %get3A_7 = vector.load %arg0[%get3A_4, %get3A_5, %get3A_6] : memref<2x10240x128xf32, #tpu.memory_space<vmem>>, vector<1x10000x1xf32>
    %get3A_8 = vector.shape_cast %get3A_7 : vector<1x10000x1xf32> to vector<10000x1xf32>
    %add3A = arith.addf %get3A_3, %get3A_8 : vector<10000x1xf32>
    %add3A_9 = arith.constant 1.000000e+00 : f32
    %add3A_10 = vector.broadcast %add3A_9 : f32 to vector<10000x1xf32>
    %add3A_11 = arith.addf %add3A, %add3A_10 : vector<10000x1xf32>
    %rsqrt3A = math.rsqrt %add3A_11 : vector<10000x1xf32>
    %swap3A = arith.constant 0 : index
    %swap3A_12 = arith.constant 0 : index
    %swap3A_13 = vector.load %arg3[%swap3A, %swap3A_12] : memref<10000x1xf32, #tpu.memory_space<vmem>>, vector<10000x1xf32>
    tpu.vector_store %arg3[%swap3A, %swap3A_12], %rsqrt3A {strides = array<i32>} : memref<10000x1xf32, #tpu.memory_space<vmem>>, vector<10000x1xf32>,
    %get3A_14 = arith.constant 0 : index
    %get3A_15 = arith.constant 0 : index
    %get3A_16 = vector.load %arg1[%get3A_14, %get3A_15] : memref<10000x128xf32, #tpu.memory_space<vmem>>, vector<10000x128xf32>
    %get3A_17 = arith.constant 0 : index
    %get3A_18 = arith.constant 0 : index
    %get3A_19 = vector.load %arg2[%get3A_17, %get3A_18] : memref<128x128xf32, #tpu.memory_space<vmem>>, vector<128x128xf32>
    %dot_general3A = arith.constant dense<0.000000e+00> : vector<10000x128xf32>
    %dot_general3A_20 = tpu.matmul %get3A_16, %get3A_19, %dot_general3A {dimension_numbers = #tpu.dot_dimension_numbers<[1], [0], [0], [1], [0, 0, 1, 1], [], []>, transpose_lhs_hint = false} : vector<10000x128xf32>, vector<128x128xf32>, vector<10000x128xf32> -> vector<10000x128xf32>
    %mul3A = vector.broadcast %rsqrt3A : vector<10000x1xf32> to vector<10000x128xf32>
    %mul3A_21 = arith.mulf %dot_general3A_20, %mul3A : vector<10000x128xf32>
    %swap3A_22 = arith.constant 0 : index
    %swap3A_23 = arith.constant 0 : index
    %swap3A_24 = vector.load %arg4[%swap3A_22, %swap3A_23] : memref<10000x128xf32, #tpu.memory_space<vmem>>, vector<10000x128xf32>
    tpu.vector_store %arg4[%swap3A_22, %swap3A_23], %mul3A_21 {strides = array<i32>} : memref<10000x128xf32, #tpu.memory_space<vmem>>, vector<10000x128xf32>,
    return
  }
}

module attributes {stable_mosaic.version = 14 : i64} {
  func.func @_tc_boundary_body(%arg0: memref<2x10240x128xf32, #tpu.memory_space<vmem>>, %arg1: memref<10000x128xf32, #tpu.memory_space<vmem>>, %arg2: memref<10000x1xf32, #tpu.memory_space<vmem>>, %arg3: memref<1x128xf32, #tpu.memory_space<vmem>>, %arg4: memref<128x128xf32, #tpu.memory_space<vmem>>, %arg5: memref<10000x128xf32, #tpu.memory_space<vmem>>) attributes {dimension_semantics = [], scalar_prefetch = 0 : i64, scratch_operands = 0 : i64, tpu.core_type = #tpu.core_type<tc>} {
    %get3A = arith.constant 0 : index
    %get3A_0 = arith.constant 0 : index
    %get3A_1 = vector.load %arg2[%get3A, %get3A_0] : memref<10000x1xf32, #tpu.memory_space<vmem>>, vector<10000x1xf32>
    %get3A_2 = arith.constant 0 : index
    %get3A_3 = arith.constant 0 : index
    %get3A_4 = arith.constant 0 : index
    %get3A_5 = vector.load %arg0[%get3A_2, %get3A_3, %get3A_4] : memref<2x10240x128xf32, #tpu.memory_space<vmem>>, vector<1x10000x128xf32>
    %get3A_6 = vector.shape_cast %get3A_5 : vector<1x10000x128xf32> to vector<10000x128xf32>
    %get3A_7 = arith.constant 1 : index
    %get3A_8 = arith.constant 0 : index
    %get3A_9 = arith.constant 0 : index
    %get3A_10 = vector.load %arg0[%get3A_7, %get3A_8, %get3A_9] : memref<2x10240x128xf32, #tpu.memory_space<vmem>>, vector<1x10000x128xf32>
    %get3A_11 = vector.shape_cast %get3A_10 : vector<1x10000x128xf32> to vector<10000x128xf32>
    %add3A = arith.addf %get3A_6, %get3A_11 : vector<10000x128xf32>
    %get3A_12 = arith.constant 0 : index
    %get3A_13 = arith.constant 0 : index
    %get3A_14 = vector.load %arg1[%get3A_12, %get3A_13] : memref<10000x128xf32, #tpu.memory_space<vmem>>, vector<10000x128xf32>
    %add3A_15 = arith.addf %add3A, %get3A_14 : vector<10000x128xf32>
    %mul3A = vector.broadcast %get3A_1 : vector<10000x1xf32> to vector<10000x128xf32>
    %mul3A_16 = arith.mulf %add3A_15, %mul3A : vector<10000x128xf32>
    %get3A_17 = arith.constant 0 : index
    %get3A_18 = arith.constant 0 : index
    %get3A_19 = vector.load %arg3[%get3A_17, %get3A_18] : memref<1x128xf32, #tpu.memory_space<vmem>>, vector<1x128xf32>
    %add3A_20 = vector.broadcast %get3A_19 : vector<1x128xf32> to vector<10000x128xf32>
    %add3A_21 = arith.addf %mul3A_16, %add3A_20 : vector<10000x128xf32>
    %max3A = arith.constant 0.000000e+00 : f32
    %max3A_22 = vector.broadcast %max3A : f32 to vector<10000x128xf32>
    %max3A_23 = arith.maximumf %add3A_21, %max3A_22 : vector<10000x128xf32>
    %get3A_24 = arith.constant 0 : index
    %get3A_25 = arith.constant 0 : index
    %get3A_26 = vector.load %arg4[%get3A_24, %get3A_25] : memref<128x128xf32, #tpu.memory_space<vmem>>, vector<128x128xf32>
    %dot_general3A = arith.constant dense<0.000000e+00> : vector<10000x128xf32>
    %dot_general3A_27 = tpu.matmul %max3A_23, %get3A_26, %dot_general3A {dimension_numbers = #tpu.dot_dimension_numbers<[1], [0], [0], [1], [0, 0, 1, 1], [], []>, transpose_lhs_hint = false} : vector<10000x128xf32>, vector<128x128xf32>, vector<10000x128xf32> -> vector<10000x128xf32>
    %mul3A_28 = vector.broadcast %get3A_1 : vector<10000x1xf32> to vector<10000x128xf32>
    %mul3A_29 = arith.mulf %dot_general3A_27, %mul3A_28 : vector<10000x128xf32>
    %swap3A = arith.constant 0 : index
    %swap3A_30 = arith.constant 0 : index
    %swap3A_31 = vector.load %arg5[%swap3A, %swap3A_30] : memref<10000x128xf32, #tpu.memory_space<vmem>>, vector<10000x128xf32>
    tpu.vector_store %arg5[%swap3A, %swap3A_30], %mul3A_29 {strides = array<i32>} : memref<10000x128xf32, #tpu.memory_space<vmem>>, vector<10000x128xf32>,
    return
  }
}

module attributes {stable_mosaic.version = 14 : i64} {
  func.func @_tc_final_body(%arg0: memref<2x10240x128xf32, #tpu.memory_space<vmem>>, %arg1: memref<10000x128xf32, #tpu.memory_space<vmem>>, %arg2: memref<10000x1xf32, #tpu.memory_space<vmem>>, %arg3: memref<1x128xf32, #tpu.memory_space<vmem>>, %arg4: memref<10000x128xf32, #tpu.memory_space<vmem>>) attributes {dimension_semantics = [], scalar_prefetch = 0 : i64, scratch_operands = 0 : i64, tpu.core_type = #tpu.core_type<tc>} {
    %get3A = arith.constant 0 : index
    %get3A_0 = arith.constant 0 : index
    %get3A_1 = arith.constant 0 : index
    %get3A_2 = vector.load %arg0[%get3A, %get3A_0, %get3A_1] : memref<2x10240x128xf32, #tpu.memory_space<vmem>>, vector<1x10000x128xf32>
    %get3A_3 = vector.shape_cast %get3A_2 : vector<1x10000x128xf32> to vector<10000x128xf32>
    %get3A_4 = arith.constant 1 : index
    %get3A_5 = arith.constant 0 : index
    %get3A_6 = arith.constant 0 : index
    %get3A_7 = vector.load %arg0[%get3A_4, %get3A_5, %get3A_6] : memref<2x10240x128xf32, #tpu.memory_space<vmem>>, vector<1x10000x128xf32>
    %get3A_8 = vector.shape_cast %get3A_7 : vector<1x10000x128xf32> to vector<10000x128xf32>
    %add3A = arith.addf %get3A_3, %get3A_8 : vector<10000x128xf32>
    %get3A_9 = arith.constant 0 : index
    %get3A_10 = arith.constant 0 : index
    %get3A_11 = vector.load %arg1[%get3A_9, %get3A_10] : memref<10000x128xf32, #tpu.memory_space<vmem>>, vector<10000x128xf32>
    %add3A_12 = arith.addf %add3A, %get3A_11 : vector<10000x128xf32>
    %get3A_13 = arith.constant 0 : index
    %get3A_14 = arith.constant 0 : index
    %get3A_15 = vector.load %arg2[%get3A_13, %get3A_14] : memref<10000x1xf32, #tpu.memory_space<vmem>>, vector<10000x1xf32>
    %mul3A = vector.broadcast %get3A_15 : vector<10000x1xf32> to vector<10000x128xf32>
    %mul3A_16 = arith.mulf %add3A_12, %mul3A : vector<10000x128xf32>
    %get3A_17 = arith.constant 0 : index
    %get3A_18 = arith.constant 0 : index
    %get3A_19 = vector.load %arg3[%get3A_17, %get3A_18] : memref<1x128xf32, #tpu.memory_space<vmem>>, vector<1x128xf32>
    %add3A_20 = vector.broadcast %get3A_19 : vector<1x128xf32> to vector<10000x128xf32>
    %add3A_21 = arith.addf %mul3A_16, %add3A_20 : vector<10000x128xf32>
    %swap3A = arith.constant 0 : index
    %swap3A_22 = arith.constant 0 : index
    %swap3A_23 = vector.load %arg4[%swap3A, %swap3A_22] : memref<10000x128xf32, #tpu.memory_space<vmem>>, vector<10000x128xf32>
    tpu.vector_store %arg4[%swap3A, %swap3A_22], %add3A_21 {strides = array<i32>} : memref<10000x128xf32, #tpu.memory_space<vmem>>, vector<10000x128xf32>,
    return
  }
}

</mosaic_0001>

<sc_bundles>
// kernel: kernel.12.cloned.1.call-start
scs
__scs_entry_jumppad:
0x0: {  	(pc) =	sbr.rel $0x88, $3  }
0x1: {  	(tag) =	ssettag $0x0;
	lr =	simm.s32 $0x1  }
0x2: {  	[smem:$0x3F97] =	sst lr;
	_ =	strace $0xD0000000  }
0x3: {  	_ = 	snop  }
0x4: {  	_ = 	snop  }
0x5: {  	_ = 	snop  }
0x6: {  	_ = 	snop  }
0x7: {  	_ = 	snop  }
__scs_overlays_trampoline_lowered:
0x8: {  	[smem:$0x3FA6] =	sst s0  }
0x9: {  	[smem:$0x3FA7] =	sst s1  }
0xa: {  	[smem:$0x3FA8] =	sst s2  }
0xb: {  	[smem:$0x3FA9] =	sst s3  }
0xc: {  	[smem:$0x3FAA] =	sst s4  }
0xd: {  	[smem:$0x3FAB] =	sst s5  }
0xe: {  	[smem:$0x3FAC] =	sst s6  }
0xf: {  	[smem:$0x3FAD] =	sst s7  }
0x10: {  	[smem:$0x3FAE] =	sst s8  }
0x11: {  	[smem:$0x3FAF] =	sst s9;
	s0 =	simm.s32 @!p0 $0x0  }
0x12: {  	s1 =	sld [smem:$0x3F95];
	s0 =	simm.s32 @p0 $0x1  }
0x13: {  	[smem:$0x3FB0] =	sst s0;
	s0 =	simm.s32 @!p1 $0x0  }
0x14: {  	s2 =	sld [smem:$0x3F94];
	s0 =	simm.s32 @p1 $0x1  }
0x15: {  	[smem:$0x3FB1] =	sst s0;
	s0 =	simm.s32 @!p2 $0x0  }
0x16: {  	s3 =	sld [smem:$0x3FDB];
	s0 =	simm.s32 @p2 $0x1  }
0x17: {  	s4 =	simm.s32 $0x1BF5;
	[smem:$0x3FB3] =	sst s0  }
0x18: {  	s0 =	sld [smem:$0x3F96];
	_ =	swait.ge [sflag:s4], $0x0  }
0x19: {  	s7 =	sld [smem:$0x3F97]  }
0x1a: {  	s8 =	sadd.s32 $0xFFFFE003, lr  }
0x1b: {  	s9 =	sadd.s32 $0xFFFFFEF7, lr;
	s5 =	simm.s32 $0xFFFFFFFF;
	p2 =	slt.u32 s8, $0xFFFFF086  }
0x1c: {  	p1 =	slt.u32 s9, $0xF7A;
	s5 =	simm.s32 @!p2 $0x0  }
0x1d: {  	s5 =	simm.s32 @p1 $0x1;
	p0 =	seq.s32 s7, s2  }
0x1e: {  	s7 =	smul.u32 @!p0 $0xF7A, s2;
	p2 =	seq.s32 @!p0 s5, $0x0  }
0x1f: {  	s9 =	smul.u32 $0xF7A, s1;
	s8 =	simm.s32 @!p0 $0x1BF5;
	p2 =	por !p2, p0  }
0x20: {  	[sflag:s8] =	ssyncset.s32 @!p0 $0xFFFFF086;
	s6 =	sadd.s32 @!p0 s3, s7;
	s7 =	simm.s32 @!p0 $0x108  }
0x21: {  	s3 =	sadd.s32 s3, s9;
	s6 =	sadd.s32 @!p0 $0x88, s6;
	s7 =	simm.s32 @p2 $0x1082  }
0x22: {  	[simem:s7], [sflag:s8] =	dma.local @!p0 [hbm:s6], $0xF7A  }
0x23: {  	s9 =	sor.u32 $0xD0000000, s2;
	s6 =	simm.s32 $0x108;
	_ =	swait.ge @!p0 [sflag:s8], $0x0  }
0x24: {  	s3 =	sadd.s32 $0x88, s3;
	s6 =	simm.s32 @!p1 $0x1082;
	[sflag:s4] =	ssyncset.s32 $0xFFFFF086  }
0x25: {  	[simem:s6], [sflag:s4] =	dma.local [hbm:s3], $0xF7A  }
0x26: {  	[smem:$0x3F97] =	sst s1;
	(tag) =	ssettag s2;
	_ =	strace s9  }
0x27: {  	s1 =	sld [smem:$0x3FA7]  }
0x28: {  	s2 =	sld [smem:$0x3FA8]  }
0x29: {  	s4 =	sld [smem:$0x3FAA]  }
0x2a: {  	p0 =	seq.s32 s5, $0x0;
	s5 =	sld [smem:$0x3FAB]  }
0x2b: {  	s6 =	sld [smem:$0x3FAC]  }
0x2c: {  	s7 =	sld [smem:$0x3FAD]  }
0x2d: {  	s3 =	simm.s32 $0x108;
	s8 =	sld [smem:$0x3FAE]  }
0x2e: {  	s3 =	simm.s32 @!p0 $0x1082;
	s9 =	sld [smem:$0x3FAF]  }
0x2f: {  	lr =	sadd.s32 s0, s3;
	s0 =	sld [smem:$0x3FA6]  }
0x30: {  	s3 =	sld [smem:$0x3FA9]  }
0x31: {  	[smem:$0x3FB2] =	sst s10  }
0x32: {  	s10 =	sld [smem:$0x3FB0];
	_ =	sdelay $0x3  }
0x33: {  	p0 =	seq.s32 s10, $0x1;
	s10 =	sld [smem:$0x3FB2];
	_ =	sdelay $0x3  }
0x34: {  	[smem:$0x3FB2] =	sst s10  }
0x35: {  	s10 =	sld [smem:$0x3FB1];
	_ =	sdelay $0x3  }
0x36: {  	p1 =	seq.s32 s10, $0x1;
	s10 =	sld [smem:$0x3FB2];
	_ =	sdelay $0x3  }
0x37: {  	[smem:$0x3FB2] =	sst s10  }
0x38: {  	s10 =	sld [smem:$0x3FB3]  }
0x39: {  	_ = 	snop;
	(pc) =	sbr.ind lr, $3  }
0x3a: {  	_ = 	snop  }
0x3b: {  	_ = 	snop  }
0x3c: {  	p2 =	seq.s32 s10, $0x1;
	s10 =	sld [smem:$0x3FB2]  }
0x3d: {  	_ =	shalt  }
0x3e: {  	_ =	shalt  }
0x3f: {  	_ =	shalt  }
0x40: {  	_ =	shalt  }
0x41: {  	_ =	shalt  }
0x42: {  	_ =	shalt  }
0x43: {  	_ =	shalt  }
0x44: {  	_ =	shalt  }
0x45: {  	_ =	shalt  }
0x46: {  	_ =	shalt  }
0x47: {  	_ =	shalt  }
0x48: {  	_ =	shalt  }
0x49: {  	_ =	shalt  }
0x4a: {  	_ =	shalt  }
0x4b: {  	_ =	shalt  }
0x4c: {  	_ =	shalt  }
0x4d: {  	_ =	shalt  }
0x4e: {  	_ =	shalt  }
0x4f: {  	_ =	shalt  }
0x50: {  	_ =	shalt  }
0x51: {  	_ =	shalt  }
0x52: {  	_ =	shalt  }
0x53: {  	_ =	shalt  }
0x54: {  	_ =	shalt  }
0x55: {  	_ =	shalt  }
0x56: {  	_ =	shalt  }
0x57: {  	_ =	shalt  }
0x58: {  	_ =	shalt  }
0x59: {  	_ =	shalt  }
0x5a: {  	_ =	shalt  }
0x5b: {  	_ =	shalt  }
0x5c: {  	_ =	shalt  }
0x5d: {  	_ =	shalt  }
0x5e: {  	_ =	shalt  }
0x5f: {  	_ =	shalt  }
0x60: {  	_ =	shalt  }
0x61: {  	_ =	shalt  }
0x62: {  	_ =	shalt  }
0x63: {  	_ =	shalt  }
0x64: {  	_ =	shalt  }
0x65: {  	_ =	shalt  }
0x66: {  	_ =	shalt  }
0x67: {  	_ =	shalt  }
0x68: {  	_ =	shalt  }
0x69: {  	_ =	shalt  }
0x6a: {  	_ =	shalt  }
0x6b: {  	_ =	shalt  }
0x6c: {  	_ =	shalt  }
0x6d: {  	_ =	shalt  }
0x6e: {  	_ =	shalt  }
0x6f: {  	_ =	shalt  }
0x70: {  	_ =	shalt  }
0x71: {  	_ =	shalt  }
0x72: {  	_ =	shalt  }
0x73: {  	_ =	shalt  }
0x74: {  	_ =	shalt  }
0x75: {  	_ =	shalt  }
0x76: {  	_ =	shalt  }
0x77: {  	_ =	shalt  }
0x78: {  	_ =	shalt  }
0x79: {  	_ =	shalt  }
0x7a: {  	_ =	shalt  }
0x7b: {  	_ =	shalt  }
0x7c: {  	_ =	shalt  }
0x7d: {  	_ =	shalt  }
0x7e: {  	_ =	shalt  }
0x7f: {  	_ =	shalt  }
0x80: {  	_ =	shalt  }
0x81: {  	_ =	shalt  }
0x82: {  	_ =	shalt  }
0x83: {  	_ =	shalt  }
0x84: {  	_ =	shalt  }
0x85: {  	_ =	shalt  }
0x86: {  	_ =	shalt  }
0x87: {  	_ =	shalt  }
.Lfunc_end0:
.L_simem_size_0:
called_computation_lowered:
.L_overlay_start_0:
0x88: {  	s2 =	sld [smem:$0x3FD9]  }
0x89: {  	s3 =	sld [smem:$0x3FFE];
	_ =	sdelay $0x1  }
0x8a: {  	s1 =	srdreg.scid  }
0x8b: {  	s0 =	sand.u32 $0x1, s1  }
0x8c: {  	s17 =	sshll.u32 s0, $0xA;
	s2 =	sadd.s32 s3, s2  }
0x8d: {  	s2 =	sadd.s32 s2, s17  }
0x8e: {  	[smem:$0x3FBE] =	sst s2  }
0x8f: {  	_ = 	snop  }
0x90: {  	s2 =	sld [smem:$0x3FD0];
	(tm) =	ssettm $0x1  }
0x91: {  	s18 =	sld [smem:$0x3FFB];
	_ =	sdelay $0x3  }
0x92: {  	_ =	strace s18  }
0x93: {  	s3 =	sld [smem:$0x3FFC];
	_ =	sdelay $0x3  }
0x94: {  	_ =	strace s3  }
0x95: {  	s3 =	sld [smem:$0x3FFD];
	_ =	sdelay $0x3  }
0x96: {  	_ =	strace s3  }
0x97: {  	_ =	strace $0x8FFFFFFF  }
0x98: {  	s19 =	sld [smem:$0x3FDB];
	_ =	sdelay $0x1  }
0x99: {  	s4 =	simm.s32 $_scs_section_size  }
0x9a: {  	s5 =	simm.s32 $_size__tile_overlayer_lowered;
	s6 =	simm.s32 $_tile_overlayer_lowered  }
0x9b: {  	s22 =	simm.s32 $0x1BFF;
	s21 =	sshll.u32 s6, $0x1;
	s3 =	sadd.s32 s4, s19  }
0x9c: {  	s7 =	simm.s32 $0x0;
	s20 =	sshll.u32 s5, $0x1;
	s5 =	sadd.s32 s21, s3  }
0x9d: {  	[timem:s7], [sflag:s22] =	dma.local [hbm:s5], s20  }
0x9e: {  	_ =	swait.ge [sflag:s22], s20  }
0x9f: {  	s4 =	ssub.s32 $0x0, s20;
	[sflag:s22] =	ssyncset.done $0x0  }
0xa0: {  	[sflag:s22] =	ssyncadd.s32 s4;
	_ =	sdelay $0x1  }
0xa1: {  	s23 =	simm.s32 $0x1B8B  }
0xa2: {  	_ =	swait.ge [sflag:s23], $0x1  }
0xa3: {  	[sflag:s23] =	ssyncset.done $0x0  }
0xa4: {  	s25 =	simm.s32 $0x1B8E;
	s24 =	sld [smem:$0x3FFE];
	[sflag:s23] =	ssyncadd.s32 $0xFFFFFFFF  }
0xa5: {  	s26 =	simm.s32 $execute0_lowered;
	[smem:$0x3FD2] =	sst s25  }
0xa6: {  	s5 =	sshll.u32 s26, $0x1;
	_ =	strace $0x80000046;
	[dreg:$0x1] =	wrdreg $0xFFFFFFFF  }
0xa7: {  	s28 =	simm.s32 $_size_execute0_lowered;
	s3 =	sadd.s32 s3, s5;
	[dreg:$0x0] =	wrdreg $0x0  }
0xa8: {  	s5 =	sshll.u32 s28, $0x1;
	[dreg:$0x2] =	wrdreg s3  }
0xa9: {  	[dreg:$0x3] =	wrdreg s5  }
0xaa: {  	[dreg:$0x4] =	wrdreg $0xC0  }
0xab: {  	_ =	task [dreg:s7], $0x5FFFF  }
0xac: {  	[dreg:$0x1] =	wrdreg $0xFFFFFFFF  }
0xad: {  	[dreg:$0x0] =	wrdreg $0x60  }
0xae: {  	[dreg:$0x2] =	wrdreg s2  }
0xaf: {  	[dreg:$0x3] =	wrdreg s24  }
0xb0: {  	[dreg:$0x4] =	wrdreg $0x52000  }
0xb1: {  	[dreg:$0x5] =	wrdreg $0x9  }
0xb2: {  	_ =	task.clear_ibuf [dreg:s7], $0x6FFFF;
	_ =	strace $0x90000046  }
0xb3: {  	s29 =	simm.s32 $0x9;
	_ =	strace $0x80000048  }
0xb4: {  	_ =	swait.ge [sflag:s29], $0x1  }
0xb5: {  	[sflag:s29] =	ssyncadd.s32 $0xFFFFFFFF  }
0xb6: {  	_ =	strace $0x90000048  }
0xb7: {  	_ =	sfence  }
0xb8: {  	s30 =	sld [smem:$0x0];
	_ =	sdelay $0x2  }
0xb9: {  	s31 =	sshll.u32 s1, $0xD;
	s1 =	sshrl.u32 s1, $0x2  }
0xba: {  	s3 =	sand.u32 $0x4000, s31;
	s1 =	sadd.s32 s1, s30  }
0xbb: {  	s0 =	sor.u32 s3, s0;
	s1 =	sshll.u32 s1, $0x11  }
0xbc: {  	s0 =	sor.u32 s1, s0  }
0xbd: {  	s0 =	sadd.s32 $0x8F2B, s0  }
0xbe: {  	[sflag:s0] =	ssyncadd.remote.s32 $0x1  }
0xbf: {  	_ =	sfence.sel $0xFFFF  }
0xc0: {  	[dreg:$0x0] =	wrdreg $0xFFFFFFFF;
	(pc) =	sbr.abs _section_cstart, $3  }
0xc1: {  	[dreg:$0x1] =	wrdreg $0xFFFFFFFF  }
0xc2: {  	_ =	task.clear_ibuf [dreg:s7], $0x2FFFF;
	_ =	strace $0x9FFFFFFF  }
0xc3: {  	(tm) =	ssettm $0x7FFFFFFF  }
tec
execute0_lowered:
.L_overlay_start_1:
0x0: {  	(tag) =	ssettag $0x1  }
0x1: {  	s2 =	rddreg [dreg:$0x0]  }
0x2: {  	s0 =	rddreg [dreg:$0x1]  }
0x3: {  	s3 =	rddreg [dreg:$0x2]  }
0x4: {  	s13 =	stileid.u32;
	s1 =	srdreg.scid;
	s4 =	simm.s32 $0x0  }
0x5: {  	s28 =	simm.s32 $0x2A00;
	s29 =	simm.s32 $0x5;
	s30 =	simm.s32 $0x3  }
0x6: {  	s31 =	simm.s32 $0x6;
	s7 =	smul.u32 $0x14000, s13;
	s1 =	sand.u32 $0x1, s1  }
0x7: {  	[smem:$0x7FF] =	sst s4;
	s5 =	sadd.s32 $0xD600, s0;
	s10 =	smul.u32 $0x50000, s13  }
0x8: {  	s6 =	sadd.s32 $0x3800, s0;
	s19 =	sshll.u32 s13, $0x6;
	s8 =	smul.u32 $0x140000, s1  }
0x9: {  	_ =	strace $0x80000047;
	s17 =	sshll.u32 s1, $0x4;
	s18 =	ssub.s32 $0x2, s1  }
0xa: {  	s1 =	smul.u32 $0x27100, s1;
	s9 =	sshrl.u32 s7, $0x3;
	s11 =	sshrl.u32 s18, $0x1  }
0xb: {  	s10 =	sshrl.u32 s10, $0x2;
	s9 =	sadd.s32 s9, s0;
	s7 =	sadd.s32 s7, s8  }
0xc: {  	s8 =	sor.u32 s13, s17;
	s10 =	sadd.s32 s10, s3;
	s13 =	smul.u32 $0x2710, s13  }
0xd: {  	s7 =	sshrl.u32 s7, $0x3;
	s8 =	smul.u32 $0x2710, s8;
	s20 =	sadd.s32 $0x17400, s9  }
0xe: {  	s0 =	sadd.s32 s7, s0;
	s7 =	ssub.s32 s18, s11;
	[dreg:$0x4] =	wrdreg s20  }
0xf: {  	s1 =	sadd.s32 s13, s1;
	s18 =	sshrl.u32 s10, $0x3;
	s20 =	simm.s32 $0x100  }
0x10: {  	s12 =	sshrl.u32 s8, $0x3;
	s8 =	sor.u32 $0x1C07, s19;
	s25 =	sadd.s32 $0xF0, s1  }
0x11: {  	s13 =	sadd.s32 $0x3F400, s0;
	s14 =	smax.u32 s7, $0x1;
	s17 =	sadd.s32 $0xA0, s1  }
0x12: {  	s19 =	simm.s32 $0x7;
	s0 =	simm.s32 $0x4;
	s1 =	simm.s32 $0x0  }
0x13: {  	s21 =	sadd.s32 s5, s12;
	s22 =	sadd.s32 s6, s12;
	s23 =	sadd.s32 $0xA, s12  }
0x14: {  	s26 =	sshrl.u32 s25, $0x3;
	s25 =	simm.s32 $0x200;
	[dreg:$0x5] =	wrdreg s21  }
0x15: {  	[dreg:$0x6] =	wrdreg s22;
	s24 =	sadd.s32 s5, s23;
	s9 =	sadd.s32 s6, s23  }
0x16: {  	s15 =	sadd.s32 s26, s6;
	s16 =	sadd.s32 s26, s5;
	s21 =	simm.s32 $0x80  }
0x17: {  	s22 =	simm.s32 $0x180;
	s23 =	simm.s32 $0x1;
	[dreg:$0x7] =	wrdreg s24  }
0x18: {  	s26 =	simm.s32 $0x2;
	[dreg:$0x8] =	wrdreg s9;
	s24 =	simm.s32 $0x50  }
.LBB2_1:
0x19: {  	s7 =	rddreg [dreg:$0x4]  }
0x1a: {  	[spmem:s18], [sflag:s8] =	dma.local [hbm:s7], $0x2800  }
0x1b: {  	_ =	swait.ge [sflag:s19], $0x2800  }
0x1c: {  	[sflag:s19] =	ssyncset.done $0x0  }
0x1d: {  	[sflag:s19] =	ssyncadd.s32 $0xFFFFD800  }
0x1e: {  	[bflag:$0x0] =	sbarrier.arrive $0xFFFF  }
0x1f: {  	s11 =	rddreg [dreg:$0x5]  }
0x20: {  	[tilespmem:s4], [sflag:$0x1] =	stream.linear.gather [hbm4b:s11+s4], $0x50, $0x38;
	[tilespmem:$0x19200] =	vst v63  }
0x21: {  	s12 =	rddreg [dreg:$0x6]  }
0x22: {  	[tilespmem:s20], [sflag:$0x3] =	stream.linear.gather [hbm4b:s12+s4], $0x50, $0x38;
	[tilespmem:$0x19200] =	vst v63  }
0x23: {  	s9 =	rddreg [dreg:$0x7]  }
0x24: {  	[tilespmem:s21], [sflag:$0x2] =	stream.linear.gather [hbm4b:s9+s4], $0x50, $0x38;
	[tilespmem:$0x19200] =	vst v63  }
0x25: {  	s10 =	rddreg [dreg:$0x8]  }
0x26: {  	[tilespmem:s22], [sflag:$0x4] =	stream.linear.gather [hbm4b:s10+s4], $0x50, $0x38;
	[tilespmem:$0x19200] =	vst v63  }
0x27: {  	_ =	swait.ge [sflag:s23], $0x50  }
0x28: {  	[sflag:s23] =	ssyncset.done $0x0  }
0x29: {  	[sflag:s23] =	ssyncadd.s32 $0xFFFFFFB0  }
0x2a: {  	[tilespmem:s25], [sflag:$0x5] =	stream.indirect.gather [hbm4b:s2+s24], $0x80, s4, s24, $0xb8;
	[tilespmem:$0x19200] =	vst v63  }
0x2b: {  	_ =	swait.ge [sflag:s26], $0x50  }
0x2c: {  	[sflag:s26] =	ssyncset.done $0x0  }
0x2d: {  	[sflag:s26] =	ssyncadd.s32 $0xFFFFFFB0  }
0x2e: {  	[tilespmem:s28], [sflag:$0x6] =	stream.indirect.gather [hbm4b:s2+s24], $0x80, s21, s24, $0xb8;
	[tilespmem:$0x19200] =	vst v63  }
0x2f: {  	_ =	swait.ge [sflag:s29], $0x2800  }
0x30: {  	[sflag:s29] =	ssyncset.done $0x0  }
0x31: {  	[sflag:s29] =	ssyncadd.s32 $0xFFFFD800  }
0x32: {  	_ =	swait.ge [sflag:s30], $0x50  }
0x33: {  	[sflag:s30] =	ssyncset.done $0x0  }
0x34: {  	[sflag:s30] =	ssyncadd.s32 $0xFFFFFFB0  }
0x35: {  	[spmem:s3] =	stream.indirect.scatter.add.f32 [tilespmem:s25], [sflag:$0x7], $0x80, s20, s24, $0xb8;
	[tilespmem:$0x19200] =	vst v63  }
0x36: {  	_ =	swait.ge [sflag:s19], $0x2800  }
0x37: {  	s11 =	sshrl.u32 s17, $0x3;
	[sflag:s19] =	ssyncset.done $0x0  }
0x38: {  	s9 =	sadd.s32 s5, s11;
	[sflag:s19] =	ssyncadd.s32 $0xFFFFD800  }
0x39: {  	[tilespmem:s4], [sflag:$0x1] =	stream.linear.gather [hbm4b:s9+s4], $0x50, $0x38;
	[tilespmem:$0x19200] =	vst v63  }
0x3a: {  	s7 =	sadd.s32 s6, s11  }
0x3b: {  	[tilespmem:s20], [sflag:$0x3] =	stream.linear.gather [hbm4b:s7+s4], $0x50, $0x38;
	[tilespmem:$0x19200] =	vst v63  }
0x3c: {  	_ =	swait.ge [sflag:s23], $0x50  }
0x3d: {  	[sflag:s23] =	ssyncset.done $0x0  }
0x3e: {  	[sflag:s23] =	ssyncadd.s32 $0xFFFFFFB0  }
0x3f: {  	[tilespmem:s25], [sflag:$0x5] =	stream.indirect.gather [hbm4b:s2+s24], $0x80, s4, s24, $0xb8;
	[tilespmem:$0x19200] =	vst v63  }
0x40: {  	_ =	swait.ge [sflag:s31], $0x2800  }
0x41: {  	[sflag:s31] =	ssyncset.done $0x0  }
0x42: {  	[sflag:s31] =	ssyncadd.s32 $0xFFFFD800  }
0x43: {  	_ =	swait.ge [sflag:s0], $0x50  }
0x44: {  	[sflag:s0] =	ssyncset.done $0x0  }
0x45: {  	[sflag:s0] =	ssyncadd.s32 $0xFFFFFFB0  }
0x46: {  	[spmem:s3] =	stream.indirect.scatter.add.f32 [tilespmem:s28], [sflag:$0x7], $0x80, s22, s24, $0xb8;
	[tilespmem:$0x19200] =	vst v63  }
0x47: {  	_ =	swait.ge [sflag:s19], $0x2800  }
0x48: {  	s12 =	sadd.s32 $0x0, s16;
	s10 =	sadd.s32 $0x0, s15;
	[sflag:s19] =	ssyncset.done $0x0  }
0x49: {  	s9 =	sadd.s32 $0xA0, s17;
	s7 =	simm.s32 $0x14;
	[sflag:s19] =	ssyncadd.s32 $0xFFFFD800  }
0x4a: {  	[tilespmem:s21], [sflag:$0x2] =	stream.linear.gather [hbm4b:s12+s4], $0x50, $0x38;
	[tilespmem:$0x19200] =	vst v63  }
.LBB2_2:
0x4b: {  	[tilespmem:s22], [sflag:$0x4] =	stream.linear.gather [hbm4b:s10+s4], $0x50, $0x38;
	[tilespmem:$0x19200] =	vst v63  }
0x4c: {  	s10 =	smov.u32 s7  }
0x4d: {  	p0 =	sne.s32 s7, $0x4C4;
	s7 =	sadd.s32 $0x14, s7;
	_ =	swait.ge [sflag:s26], $0x50  }
0x4e: {  	[sflag:s26] =	ssyncset.done $0x0  }
0x4f: {  	[sflag:s26] =	ssyncadd.s32 $0xFFFFFFB0  }
0x50: {  	[tilespmem:s28], [sflag:$0x6] =	stream.indirect.gather [hbm4b:s2+s24], $0x80, s21, s24, $0xb8;
	[tilespmem:$0x19200] =	vst v63  }
0x51: {  	_ =	swait.ge [sflag:s29], $0x2800  }
0x52: {  	[sflag:s29] =	ssyncset.done $0x0  }
0x53: {  	[sflag:s29] =	ssyncadd.s32 $0xFFFFD800  }
0x54: {  	_ =	swait.ge [sflag:s30], $0x50  }
0x55: {  	[sflag:s30] =	ssyncset.done $0x0  }
0x56: {  	[sflag:s30] =	ssyncadd.s32 $0xFFFFFFB0  }
0x57: {  	[spmem:s3] =	stream.indirect.scatter.add.f32 [tilespmem:s25], [sflag:$0x7], $0x80, s20, s24, $0xb8;
	[tilespmem:$0x19200] =	vst v63  }
0x58: {  	_ =	swait.ge [sflag:s19], $0x2800  }
0x59: {  	s11 =	sshrl.u32 s9, $0x3;
	[sflag:s19] =	ssyncset.done $0x0  }
0x5a: {  	s12 =	sadd.s32 s5, s11;
	[sflag:s19] =	ssyncadd.s32 $0xFFFFD800  }
0x5b: {  	[tilespmem:s4], [sflag:$0x1] =	stream.linear.gather [hbm4b:s12+s4], $0x50, $0x38;
	[tilespmem:$0x19200] =	vst v63  }
0x5c: {  	s11 =	sadd.s32 s6, s11  }
0x5d: {  	[tilespmem:s20], [sflag:$0x3] =	stream.linear.gather [hbm4b:s11+s4], $0x50, $0x38;
	[tilespmem:$0x19200] =	vst v63  }
0x5e: {  	_ =	swait.ge [sflag:s23], $0x50  }
0x5f: {  	[sflag:s23] =	ssyncset.done $0x0  }
0x60: {  	[sflag:s23] =	ssyncadd.s32 $0xFFFFFFB0  }
0x61: {  	[tilespmem:s25], [sflag:$0x5] =	stream.indirect.gather [hbm4b:s2+s24], $0x80, s4, s24, $0xb8;
	[tilespmem:$0x19200] =	vst v63  }
0x62: {  	_ =	swait.ge [sflag:s31], $0x2800  }
0x63: {  	[sflag:s31] =	ssyncset.done $0x0  }
0x64: {  	[sflag:s31] =	ssyncadd.s32 $0xFFFFD800  }
0x65: {  	_ =	swait.ge [sflag:s0], $0x50  }
0x66: {  	[sflag:s0] =	ssyncset.done $0x0  }
0x67: {  	[sflag:s0] =	ssyncadd.s32 $0xFFFFFFB0  }
0x68: {  	[spmem:s3] =	stream.indirect.scatter.add.f32 [tilespmem:s28], [sflag:$0x7], $0x80, s22, s24, $0xb8;
	[tilespmem:$0x19200] =	vst v63  }
.Ltmp0:
0x69: {  	_ =	swait.ge [sflag:s19], $0x2800;
	(pc) =	sbr.rel @p0 .LBB2_2-.Ltmp0, $4  }
0x6a: {  	[sflag:s19] =	ssyncset.done $0x0  }
0x6b: {  	s11 =	sadd.s32 s10, s16;
	[sflag:s19] =	ssyncadd.s32 $0xFFFFD800  }
0x6c: {  	[tilespmem:s21], [sflag:$0x2] =	stream.linear.gather [hbm4b:s11+s4], $0x50, $0x38;
	[tilespmem:$0x19200] =	vst v63  }
0x6d: {  	s9 =	sadd.s32 $0xA0, s9;
	s10 =	sadd.s32 s10, s15  }
0x6e: {  	[tilespmem:s22], [sflag:$0x4] =	stream.linear.gather [hbm4b:s10+s4], $0x50, $0x38;
	[tilespmem:$0x19200] =	vst v63  }
0x6f: {  	_ =	swait.ge [sflag:s29], $0x2800  }
0x70: {  	[sflag:s29] =	ssyncset.done $0x0  }
0x71: {  	[sflag:s29] =	ssyncadd.s32 $0xFFFFD800  }
0x72: {  	_ =	swait.ge [sflag:s30], $0x50  }
0x73: {  	[sflag:s30] =	ssyncset.done $0x0  }
0x74: {  	[sflag:s30] =	ssyncadd.s32 $0xFFFFFFB0  }
0x75: {  	[spmem:s3] =	stream.indirect.scatter.add.f32 [tilespmem:s25], [sflag:$0x7], $0x80, s20, s24, $0xb8;
	[tilespmem:$0x19200] =	vst v63  }
0x76: {  	_ =	swait.ge [sflag:s19], $0x2800  }
0x77: {  	[sflag:s19] =	ssyncset.done $0x0  }
0x78: {  	[sflag:s19] =	ssyncadd.s32 $0xFFFFD800  }
0x79: {  	_ =	swait.ge [sflag:s26], $0x50  }
0x7a: {  	[sflag:s26] =	ssyncset.done $0x0  }
0x7b: {  	[sflag:s26] =	ssyncadd.s32 $0xFFFFFFB0  }
0x7c: {  	_ =	swait.ge [sflag:s0], $0x50  }
0x7d: {  	s1 =	sadd.s32 $0x1, s1;
	[sflag:s0] =	ssyncset.done $0x0  }
0x7e: {  	p0 =	sne.s32 s1, s14;
	[sflag:s0] =	ssyncadd.s32 $0xFFFFFFB0  }
.Ltmp1:
0x7f: {  	[bflag:$0x0] =	sbarrier.arrive $0xFFFF;
	(pc) =	sbr.rel @p0 .LBB2_1-.Ltmp1, $4  }
0x80: {  	[hbm:s13], [sflag:s8] =	dma.local [spmem:s18], $0x2800  }
0x81: {  	_ =	swait.ge [sflag:s19], $0x2800  }
0x82: {  	[sflag:s19] =	ssyncset.done $0x0  }
0x83: {  	[sflag:s19] =	ssyncadd.s32 $0xFFFFD800  }
0x84: {  	_ =	sfence.sel $0x180000  }
0x85: {  	[bflag:$0x0] =	sbarrier.arrive $0xFFFF  }
0x86: {  	_ =	strace $0x90000047  }
0x87: {  	s0 =	stileid.u32;
	[bflag:$0x2] =	sbarrier.arrive $0xFFFF  }
0x88: {  	p0 =	sne.s32 s0, $0x0;
	s0 =	rddreg [dreg:$0x3]  }
0x89: {  	s0 =	sadd.s32 @!p0 $0x100000, s0  }
0x8a: {  	[sflag:s0] =	ssyncadd.tile.s32 @!p0 $0x1;
	_ =	shalt  }
.Lfunc_end2:
_tile_overlayer_lowered:
.L_overlay_start_2:
0x8b: {  	(tag) =	ssettag $0x2  }
0x8c: {  	s0 =	rddreg [dreg:$0x0];
	s2 =	stileid.u32  }
0x8d: {  	s1 =	rddreg [dreg:$0x1];
	p0 =	sne.s32 s2, $0x0  }
0x8e: {  	s3 =	rddreg [dreg:$0x2];
	[bflag:$0x3] =	sbarrier.arrive $0xFFFF;
	s2 =	simm.s32 @!p0 $0x1C07  }
0x8f: {  	[timem:s3], [sflag:s2] =	dma.local @!p0 [hbm:s0], s1  }
0x90: {  	s0 =	simm.s32 @!p0 $0x7  }
0x91: {  	_ =	swait.ge @!p0 [sflag:s0], s1  }
0x92: {  	s1 =	ssub.s32 @!p0 $0x0, s1;
	[sflag:s0] =	ssyncset.done @!p0 $0x0  }
0x93: {  	[sflag:s0] =	ssyncadd.s32 @!p0 s1  }
0x94: {  	[bflag:$0x3] =	sbarrier.arrive $0xFFFF  }
0x95: {  	_ =	shalt  }

// kernel: kernel.15.cloned.1.call-start
scs
__scs_entry_jumppad:
0x0: {  	(pc) =	sbr.rel $0x88, $3  }
0x1: {  	(tag) =	ssettag $0x0;
	lr =	simm.s32 $0x1  }
0x2: {  	[smem:$0x3F97] =	sst lr;
	_ =	strace $0xD0000000  }
0x3: {  	_ = 	snop  }
0x4: {  	_ = 	snop  }
0x5: {  	_ = 	snop  }
0x6: {  	_ = 	snop  }
0x7: {  	_ = 	snop  }
__scs_overlays_trampoline_lowered:
0x8: {  	[smem:$0x3FA6] =	sst s0  }
0x9: {  	[smem:$0x3FA7] =	sst s1  }
0xa: {  	[smem:$0x3FA8] =	sst s2  }
0xb: {  	[smem:$0x3FA9] =	sst s3  }
0xc: {  	[smem:$0x3FAA] =	sst s4  }
0xd: {  	[smem:$0x3FAB] =	sst s5  }
0xe: {  	[smem:$0x3FAC] =	sst s6  }
0xf: {  	[smem:$0x3FAD] =	sst s7  }
0x10: {  	[smem:$0x3FAE] =	sst s8  }
0x11: {  	[smem:$0x3FAF] =	sst s9;
	s0 =	simm.s32 @!p0 $0x0  }
0x12: {  	s1 =	sld [smem:$0x3F95];
	s0 =	simm.s32 @p0 $0x1  }
0x13: {  	[smem:$0x3FB0] =	sst s0;
	s0 =	simm.s32 @!p1 $0x0  }
0x14: {  	s2 =	sld [smem:$0x3F94];
	s0 =	simm.s32 @p1 $0x1  }
0x15: {  	[smem:$0x3FB1] =	sst s0;
	s0 =	simm.s32 @!p2 $0x0  }
0x16: {  	s3 =	sld [smem:$0x3FDB];
	s0 =	simm.s32 @p2 $0x1  }
0x17: {  	s4 =	simm.s32 $0x1BF5;
	[smem:$0x3FB3] =	sst s0  }
0x18: {  	s0 =	sld [smem:$0x3F96];
	_ =	swait.ge [sflag:s4], $0x0  }
0x19: {  	s7 =	sld [smem:$0x3F97]  }
0x1a: {  	s8 =	sadd.s32 $0xFFFFE003, lr  }
0x1b: {  	s9 =	sadd.s32 $0xFFFFFEF7, lr;
	s5 =	simm.s32 $0xFFFFFFFF;
	p2 =	slt.u32 s8, $0xFFFFF086  }
0x1c: {  	p1 =	slt.u32 s9, $0xF7A;
	s5 =	simm.s32 @!p2 $0x0  }
0x1d: {  	s5 =	simm.s32 @p1 $0x1;
	p0 =	seq.s32 s7, s2  }
0x1e: {  	s7 =	smul.u32 @!p0 $0xF7A, s2;
	p2 =	seq.s32 @!p0 s5, $0x0  }
0x1f: {  	s9 =	smul.u32 $0xF7A, s1;
	s8 =	simm.s32 @!p0 $0x1BF5;
	p2 =	por !p2, p0  }
0x20: {  	[sflag:s8] =	ssyncset.s32 @!p0 $0xFFFFF086;
	s6 =	sadd.s32 @!p0 s3, s7;
	s7 =	simm.s32 @!p0 $0x108  }
0x21: {  	s3 =	sadd.s32 s3, s9;
	s6 =	sadd.s32 @!p0 $0x88, s6;
	s7 =	simm.s32 @p2 $0x1082  }
0x22: {  	[simem:s7], [sflag:s8] =	dma.local @!p0 [hbm:s6], $0xF7A  }
0x23: {  	s9 =	sor.u32 $0xD0000000, s2;
	s6 =	simm.s32 $0x108;
	_ =	swait.ge @!p0 [sflag:s8], $0x0  }
0x24: {  	s3 =	sadd.s32 $0x88, s3;
	s6 =	simm.s32 @!p1 $0x1082;
	[sflag:s4] =	ssyncset.s32 $0xFFFFF086  }
0x25: {  	[simem:s6], [sflag:s4] =	dma.local [hbm:s3], $0xF7A  }
0x26: {  	[smem:$0x3F97] =	sst s1;
	(tag) =	ssettag s2;
	_ =	strace s9  }
0x27: {  	s1 =	sld [smem:$0x3FA7]  }
0x28: {  	s2 =	sld [smem:$0x3FA8]  }
0x29: {  	s4 =	sld [smem:$0x3FAA]  }
0x2a: {  	p0 =	seq.s32 s5, $0x0;
	s5 =	sld [smem:$0x3FAB]  }
0x2b: {  	s6 =	sld [smem:$0x3FAC]  }
0x2c: {  	s7 =	sld [smem:$0x3FAD]  }
0x2d: {  	s3 =	simm.s32 $0x108;
	s8 =	sld [smem:$0x3FAE]  }
0x2e: {  	s3 =	simm.s32 @!p0 $0x1082;
	s9 =	sld [smem:$0x3FAF]  }
0x2f: {  	lr =	sadd.s32 s0, s3;
	s0 =	sld [smem:$0x3FA6]  }
0x30: {  	s3 =	sld [smem:$0x3FA9]  }
0x31: {  	[smem:$0x3FB2] =	sst s10  }
0x32: {  	s10 =	sld [smem:$0x3FB0];
	_ =	sdelay $0x3  }
0x33: {  	p0 =	seq.s32 s10, $0x1;
	s10 =	sld [smem:$0x3FB2];
	_ =	sdelay $0x3  }
0x34: {  	[smem:$0x3FB2] =	sst s10  }
0x35: {  	s10 =	sld [smem:$0x3FB1];
	_ =	sdelay $0x3  }
0x36: {  	p1 =	seq.s32 s10, $0x1;
	s10 =	sld [smem:$0x3FB2];
	_ =	sdelay $0x3  }
0x37: {  	[smem:$0x3FB2] =	sst s10  }
0x38: {  	s10 =	sld [smem:$0x3FB3]  }
0x39: {  	_ = 	snop;
	(pc) =	sbr.ind lr, $3  }
0x3a: {  	_ = 	snop  }
0x3b: {  	_ = 	snop  }
0x3c: {  	p2 =	seq.s32 s10, $0x1;
	s10 =	sld [smem:$0x3FB2]  }
0x3d: {  	_ =	shalt  }
0x3e: {  	_ =	shalt  }
0x3f: {  	_ =	shalt  }
0x40: {  	_ =	shalt  }
0x41: {  	_ =	shalt  }
0x42: {  	_ =	shalt  }
0x43: {  	_ =	shalt  }
0x44: {  	_ =	shalt  }
0x45: {  	_ =	shalt  }
0x46: {  	_ =	shalt  }
0x47: {  	_ =	shalt  }
0x48: {  	_ =	shalt  }
0x49: {  	_ =	shalt  }
0x4a: {  	_ =	shalt  }
0x4b: {  	_ =	shalt  }
0x4c: {  	_ =	shalt  }
0x4d: {  	_ =	shalt  }
0x4e: {  	_ =	shalt  }
0x4f: {  	_ =	shalt  }
0x50: {  	_ =	shalt  }
0x51: {  	_ =	shalt  }
0x52: {  	_ =	shalt  }
0x53: {  	_ =	shalt  }
0x54: {  	_ =	shalt  }
0x55: {  	_ =	shalt  }
0x56: {  	_ =	shalt  }
0x57: {  	_ =	shalt  }
0x58: {  	_ =	shalt  }
0x59: {  	_ =	shalt  }
0x5a: {  	_ =	shalt  }
0x5b: {  	_ =	shalt  }
0x5c: {  	_ =	shalt  }
0x5d: {  	_ =	shalt  }
0x5e: {  	_ =	shalt  }
0x5f: {  	_ =	shalt  }
0x60: {  	_ =	shalt  }
0x61: {  	_ =	shalt  }
0x62: {  	_ =	shalt  }
0x63: {  	_ =	shalt  }
0x64: {  	_ =	shalt  }
0x65: {  	_ =	shalt  }
0x66: {  	_ =	shalt  }
0x67: {  	_ =	shalt  }
0x68: {  	_ =	shalt  }
0x69: {  	_ =	shalt  }
0x6a: {  	_ =	shalt  }
0x6b: {  	_ =	shalt  }
0x6c: {  	_ =	shalt  }
0x6d: {  	_ =	shalt  }
0x6e: {  	_ =	shalt  }
0x6f: {  	_ =	shalt  }
0x70: {  	_ =	shalt  }
0x71: {  	_ =	shalt  }
0x72: {  	_ =	shalt  }
0x73: {  	_ =	shalt  }
0x74: {  	_ =	shalt  }
0x75: {  	_ =	shalt  }
0x76: {  	_ =	shalt  }
0x77: {  	_ =	shalt  }
0x78: {  	_ =	shalt  }
0x79: {  	_ =	shalt  }
0x7a: {  	_ =	shalt  }
0x7b: {  	_ =	shalt  }
0x7c: {  	_ =	shalt  }
0x7d: {  	_ =	shalt  }
0x7e: {  	_ =	shalt  }
0x7f: {  	_ =	shalt  }
0x80: {  	_ =	shalt  }
0x81: {  	_ =	shalt  }
0x82: {  	_ =	shalt  }
0x83: {  	_ =	shalt  }
0x84: {  	_ =	shalt  }
0x85: {  	_ =	shalt  }
0x86: {  	_ =	shalt  }
0x87: {  	_ =	shalt  }
.Lfunc_end0:
.L_simem_size_0:
called_computation.1_lowered:
.L_overlay_start_0:
0x88: {  	s2 =	sld [smem:$0x3FD9]  }
0x89: {  	s3 =	sld [smem:$0x3FFE];
	_ =	sdelay $0x1  }
0x8a: {  	s1 =	srdreg.scid  }
0x8b: {  	s0 =	sand.u32 $0x1, s1  }
0x8c: {  	s17 =	sshll.u32 s0, $0xA;
	s2 =	sadd.s32 s3, s2  }
0x8d: {  	s2 =	sadd.s32 s2, s17  }
0x8e: {  	[smem:$0x3FBE] =	sst s2  }
0x8f: {  	_ = 	snop  }
0x90: {  	s2 =	sld [smem:$0x3FD0];
	(tm) =	ssettm $0x1  }
0x91: {  	s18 =	sld [smem:$0x3FFB];
	_ =	sdelay $0x3  }
0x92: {  	_ =	strace s18  }
0x93: {  	s3 =	sld [smem:$0x3FFC];
	_ =	sdelay $0x3  }
0x94: {  	_ =	strace s3  }
0x95: {  	s3 =	sld [smem:$0x3FFD];
	_ =	sdelay $0x3  }
0x96: {  	_ =	strace s3  }
0x97: {  	_ =	strace $0x8FFFFFFF  }
0x98: {  	s19 =	sld [smem:$0x3FDB];
	_ =	sdelay $0x1  }
0x99: {  	s4 =	simm.s32 $_scs_section_size  }
0x9a: {  	s5 =	simm.s32 $_size__tile_overlayer_lowered;
	s6 =	simm.s32 $_tile_overlayer_lowered  }
0x9b: {  	s22 =	simm.s32 $0x1BFF;
	s21 =	sshll.u32 s6, $0x1;
	s3 =	sadd.s32 s4, s19  }
0x9c: {  	s7 =	simm.s32 $0x0;
	s20 =	sshll.u32 s5, $0x1;
	s5 =	sadd.s32 s21, s3  }
0x9d: {  	[timem:s7], [sflag:s22] =	dma.local [hbm:s5], s20  }
0x9e: {  	_ =	swait.ge [sflag:s22], s20  }
0x9f: {  	s4 =	ssub.s32 $0x0, s20;
	[sflag:s22] =	ssyncset.done $0x0  }
0xa0: {  	[sflag:s22] =	ssyncadd.s32 s4;
	_ =	sdelay $0x1  }
0xa1: {  	s23 =	simm.s32 $0x1B8B  }
0xa2: {  	_ =	swait.ge [sflag:s23], $0x1  }
0xa3: {  	[sflag:s23] =	ssyncset.done $0x0  }
0xa4: {  	s25 =	simm.s32 $0x1B8E;
	s24 =	sld [smem:$0x3FFE];
	[sflag:s23] =	ssyncadd.s32 $0xFFFFFFFF  }
0xa5: {  	s26 =	simm.s32 $execute0_lowered;
	[smem:$0x3FD2] =	sst s25  }
0xa6: {  	s5 =	sshll.u32 s26, $0x1;
	_ =	strace $0x80000049;
	[dreg:$0x1] =	wrdreg $0xFFFFFFFF  }
0xa7: {  	s28 =	simm.s32 $_size_execute0_lowered;
	s3 =	sadd.s32 s3, s5;
	[dreg:$0x0] =	wrdreg $0x0  }
0xa8: {  	s5 =	sshll.u32 s28, $0x1;
	[dreg:$0x2] =	wrdreg s3  }
0xa9: {  	[dreg:$0x3] =	wrdreg s5  }
0xaa: {  	[dreg:$0x4] =	wrdreg $0xC0  }
0xab: {  	_ =	task [dreg:s7], $0x5FFFF  }
0xac: {  	[dreg:$0x1] =	wrdreg $0xFFFFFFFF  }
0xad: {  	[dreg:$0x0] =	wrdreg $0x60  }
0xae: {  	[dreg:$0x2] =	wrdreg s2  }
0xaf: {  	[dreg:$0x3] =	wrdreg s24  }
0xb0: {  	[dreg:$0x4] =	wrdreg $0x52000  }
0xb1: {  	[dreg:$0x5] =	wrdreg $0x9  }
0xb2: {  	_ =	task.clear_ibuf [dreg:s7], $0x6FFFF;
	_ =	strace $0x90000049  }
0xb3: {  	s29 =	simm.s32 $0x9;
	_ =	strace $0x8000004B  }
0xb4: {  	_ =	swait.ge [sflag:s29], $0x1  }
0xb5: {  	[sflag:s29] =	ssyncadd.s32 $0xFFFFFFFF  }
0xb6: {  	_ =	strace $0x9000004B  }
0xb7: {  	_ =	sfence  }
0xb8: {  	s30 =	sld [smem:$0x0];
	_ =	sdelay $0x2  }
0xb9: {  	s31 =	sshll.u32 s1, $0xD;
	s1 =	sshrl.u32 s1, $0x2  }
0xba: {  	s3 =	sand.u32 $0x4000, s31;
	s1 =	sadd.s32 s1, s30  }
0xbb: {  	s0 =	sor.u32 s3, s0;
	s1 =	sshll.u32 s1, $0x11  }
0xbc: {  	s0 =	sor.u32 s1, s0  }
0xbd: {  	s0 =	sadd.s32 $0x8F2B, s0  }
0xbe: {  	[sflag:s0] =	ssyncadd.remote.s32 $0x1  }
0xbf: {  	_ =	sfence.sel $0xFFFF  }
0xc0: {  	[dreg:$0x0] =	wrdreg $0xFFFFFFFF;
	(pc) =	sbr.abs _section_cstart, $3  }
0xc1: {  	[dreg:$0x1] =	wrdreg $0xFFFFFFFF  }
0xc2: {  	_ =	task.clear_ibuf [dreg:s7], $0x2FFFF;
	_ =	strace $0x9FFFFFFF  }
0xc3: {  	(tm) =	ssettm $0x7FFFFFFF  }
tec
execute0_lowered:
.L_overlay_start_1:
0x0: {  	(tag) =	ssettag $0x1  }
0x1: {  	s2 =	rddreg [dreg:$0x0]  }
0x2: {  	s0 =	rddreg [dreg:$0x1]  }
0x3: {  	s3 =	rddreg [dreg:$0x2]  }
0x4: {  	s13 =	stileid.u32;
	s1 =	srdreg.scid;
	s4 =	simm.s32 $0x0  }
0x5: {  	s28 =	simm.s32 $0x2A00;
	s29 =	simm.s32 $0x5;
	s30 =	simm.s32 $0x3  }
0x6: {  	s31 =	simm.s32 $0x6;
	s7 =	smul.u32 $0x14000, s13;
	s1 =	sand.u32 $0x1, s1  }
0x7: {  	[smem:$0x7FF] =	sst s4;
	s5 =	sadd.s32 $0xD600, s0;
	s10 =	smul.u32 $0x50000, s13  }
0x8: {  	s6 =	sadd.s32 $0x3800, s0;
	s19 =	sshll.u32 s13, $0x6;
	s8 =	smul.u32 $0x140000, s1  }
0x9: {  	_ =	strace $0x8000004A;
	s17 =	sshll.u32 s1, $0x4;
	s18 =	ssub.s32 $0x2, s1  }
0xa: {  	s1 =	smul.u32 $0x27100, s1;
	s9 =	sshrl.u32 s7, $0x3;
	s11 =	sshrl.u32 s18, $0x1  }
0xb: {  	s10 =	sshrl.u32 s10, $0x2;
	s9 =	sadd.s32 s9, s0;
	s7 =	sadd.s32 s7, s8  }
0xc: {  	s8 =	sor.u32 s13, s17;
	s10 =	sadd.s32 s10, s3;
	s13 =	smul.u32 $0x2710, s13  }
0xd: {  	s7 =	sshrl.u32 s7, $0x3;
	s8 =	smul.u32 $0x2710, s8;
	s20 =	sadd.s32 $0x17400, s9  }
0xe: {  	s0 =	sadd.s32 s7, s0;
	s7 =	ssub.s32 s18, s11;
	[dreg:$0x4] =	wrdreg s20  }
0xf: {  	s1 =	sadd.s32 s13, s1;
	s18 =	sshrl.u32 s10, $0x3;
	s20 =	simm.s32 $0x100  }
0x10: {  	s12 =	sshrl.u32 s8, $0x3;
	s8 =	sor.u32 $0x1C07, s19;
	s25 =	sadd.s32 $0xF0, s1  }
0x11: {  	s13 =	sadd.s32 $0x3F400, s0;
	s14 =	smax.u32 s7, $0x1;
	s17 =	sadd.s32 $0xA0, s1  }
0x12: {  	s19 =	simm.s32 $0x7;
	s0 =	simm.s32 $0x4;
	s1 =	simm.s32 $0x0  }
0x13: {  	s21 =	sadd.s32 s5, s12;
	s22 =	sadd.s32 s6, s12;
	s23 =	sadd.s32 $0xA, s12  }
0x14: {  	s26 =	sshrl.u32 s25, $0x3;
	s25 =	simm.s32 $0x200;
	[dreg:$0x5] =	wrdreg s21  }
0x15: {  	[dreg:$0x6] =	wrdreg s22;
	s24 =	sadd.s32 s5, s23;
	s9 =	sadd.s32 s6, s23  }
0x16: {  	s15 =	sadd.s32 s26, s6;
	s16 =	sadd.s32 s26, s5;
	s21 =	simm.s32 $0x80  }
0x17: {  	s22 =	simm.s32 $0x180;
	s23 =	simm.s32 $0x1;
	[dreg:$0x7] =	wrdreg s24  }
0x18: {  	s26 =	simm.s32 $0x2;
	[dreg:$0x8] =	wrdreg s9;
	s24 =	simm.s32 $0x50  }
.LBB2_1:
0x19: {  	s7 =	rddreg [dreg:$0x4]  }
0x1a: {  	[spmem:s18], [sflag:s8] =	dma.local [hbm:s7], $0x2800  }
0x1b: {  	_ =	swait.ge [sflag:s19], $0x2800  }
0x1c: {  	[sflag:s19] =	ssyncset.done $0x0  }
0x1d: {  	[sflag:s19] =	ssyncadd.s32 $0xFFFFD800  }
0x1e: {  	[bflag:$0x0] =	sbarrier.arrive $0xFFFF  }
0x1f: {  	s11 =	rddreg [dreg:$0x5]  }
0x20: {  	[tilespmem:s4], [sflag:$0x1] =	stream.linear.gather [hbm4b:s11+s4], $0x50, $0x38;
	[tilespmem:$0x19200] =	vst v63  }
0x21: {  	s12 =	rddreg [dreg:$0x6]  }
0x22: {  	[tilespmem:s20], [sflag:$0x3] =	stream.linear.gather [hbm4b:s12+s4], $0x50, $0x38;
	[tilespmem:$0x19200] =	vst v63  }
0x23: {  	s9 =	rddreg [dreg:$0x7]  }
0x24: {  	[tilespmem:s21], [sflag:$0x2] =	stream.linear.gather [hbm4b:s9+s4], $0x50, $0x38;
	[tilespmem:$0x19200] =	vst v63  }
0x25: {  	s10 =	rddreg [dreg:$0x8]  }
0x26: {  	[tilespmem:s22], [sflag:$0x4] =	stream.linear.gather [hbm4b:s10+s4], $0x50, $0x38;
	[tilespmem:$0x19200] =	vst v63  }
0x27: {  	_ =	swait.ge [sflag:s23], $0x50  }
0x28: {  	[sflag:s23] =	ssyncset.done $0x0  }
0x29: {  	[sflag:s23] =	ssyncadd.s32 $0xFFFFFFB0  }
0x2a: {  	[tilespmem:s25], [sflag:$0x5] =	stream.indirect.gather [hbm4b:s2+s24], $0x80, s4, s24, $0xb8;
	[tilespmem:$0x19200] =	vst v63  }
0x2b: {  	_ =	swait.ge [sflag:s26], $0x50  }
0x2c: {  	[sflag:s26] =	ssyncset.done $0x0  }
0x2d: {  	[sflag:s26] =	ssyncadd.s32 $0xFFFFFFB0  }
0x2e: {  	[tilespmem:s28], [sflag:$0x6] =	stream.indirect.gather [hbm4b:s2+s24], $0x80, s21, s24, $0xb8;
	[tilespmem:$0x19200] =	vst v63  }
0x2f: {  	_ =	swait.ge [sflag:s29], $0x2800  }
0x30: {  	[sflag:s29] =	ssyncset.done $0x0  }
0x31: {  	[sflag:s29] =	ssyncadd.s32 $0xFFFFD800  }
0x32: {  	_ =	swait.ge [sflag:s30], $0x50  }
0x33: {  	[sflag:s30] =	ssyncset.done $0x0  }
0x34: {  	[sflag:s30] =	ssyncadd.s32 $0xFFFFFFB0  }
0x35: {  	[spmem:s3] =	stream.indirect.scatter.add.f32 [tilespmem:s25], [sflag:$0x7], $0x80, s20, s24, $0xb8;
	[tilespmem:$0x19200] =	vst v63  }
0x36: {  	_ =	swait.ge [sflag:s19], $0x2800  }
0x37: {  	s11 =	sshrl.u32 s17, $0x3;
	[sflag:s19] =	ssyncset.done $0x0  }
0x38: {  	s9 =	sadd.s32 s5, s11;
	[sflag:s19] =	ssyncadd.s32 $0xFFFFD800  }
0x39: {  	[tilespmem:s4], [sflag:$0x1] =	stream.linear.gather [hbm4b:s9+s4], $0x50, $0x38;
	[tilespmem:$0x19200] =	vst v63  }
0x3a: {  	s7 =	sadd.s32 s6, s11  }
0x3b: {  	[tilespmem:s20], [sflag:$0x3] =	stream.linear.gather [hbm4b:s7+s4], $0x50, $0x38;
	[tilespmem:$0x19200] =	vst v63  }
0x3c: {  	_ =	swait.ge [sflag:s23], $0x50  }
0x3d: {  	[sflag:s23] =	ssyncset.done $0x0  }
0x3e: {  	[sflag:s23] =	ssyncadd.s32 $0xFFFFFFB0  }
0x3f: {  	[tilespmem:s25], [sflag:$0x5] =	stream.indirect.gather [hbm4b:s2+s24], $0x80, s4, s24, $0xb8;
	[tilespmem:$0x19200] =	vst v63  }
0x40: {  	_ =	swait.ge [sflag:s31], $0x2800  }
0x41: {  	[sflag:s31] =	ssyncset.done $0x0  }
0x42: {  	[sflag:s31] =	ssyncadd.s32 $0xFFFFD800  }
0x43: {  	_ =	swait.ge [sflag:s0], $0x50  }
0x44: {  	[sflag:s0] =	ssyncset.done $0x0  }
0x45: {  	[sflag:s0] =	ssyncadd.s32 $0xFFFFFFB0  }
0x46: {  	[spmem:s3] =	stream.indirect.scatter.add.f32 [tilespmem:s28], [sflag:$0x7], $0x80, s22, s24, $0xb8;
	[tilespmem:$0x19200] =	vst v63  }
0x47: {  	_ =	swait.ge [sflag:s19], $0x2800  }
0x48: {  	s12 =	sadd.s32 $0x0, s16;
	s10 =	sadd.s32 $0x0, s15;
	[sflag:s19] =	ssyncset.done $0x0  }
0x49: {  	s9 =	sadd.s32 $0xA0, s17;
	s7 =	simm.s32 $0x14;
	[sflag:s19] =	ssyncadd.s32 $0xFFFFD800  }
0x4a: {  	[tilespmem:s21], [sflag:$0x2] =	stream.linear.gather [hbm4b:s12+s4], $0x50, $0x38;
	[tilespmem:$0x19200] =	vst v63  }
.LBB2_2:
0x4b: {  	[tilespmem:s22], [sflag:$0x4] =	stream.linear.gather [hbm4b:s10+s4], $0x50, $0x38;
	[tilespmem:$0x19200] =	vst v63  }
0x4c: {  	s10 =	smov.u32 s7  }
0x4d: {  	p0 =	sne.s32 s7, $0x4C4;
	s7 =	sadd.s32 $0x14, s7;
	_ =	swait.ge [sflag:s26], $0x50  }
0x4e: {  	[sflag:s26] =	ssyncset.done $0x0  }
0x4f: {  	[sflag:s26] =	ssyncadd.s32 $0xFFFFFFB0  }
0x50: {  	[tilespmem:s28], [sflag:$0x6] =	stream.indirect.gather [hbm4b:s2+s24], $0x80, s21, s24, $0xb8;
	[tilespmem:$0x19200] =	vst v63  }
0x51: {  	_ =	swait.ge [sflag:s29], $0x2800  }
0x52: {  	[sflag:s29] =	ssyncset.done $0x0  }
0x53: {  	[sflag:s29] =	ssyncadd.s32 $0xFFFFD800  }
0x54: {  	_ =	swait.ge [sflag:s30], $0x50  }
0x55: {  	[sflag:s30] =	ssyncset.done $0x0  }
0x56: {  	[sflag:s30] =	ssyncadd.s32 $0xFFFFFFB0  }
0x57: {  	[spmem:s3] =	stream.indirect.scatter.add.f32 [tilespmem:s25], [sflag:$0x7], $0x80, s20, s24, $0xb8;
	[tilespmem:$0x19200] =	vst v63  }
0x58: {  	_ =	swait.ge [sflag:s19], $0x2800  }
0x59: {  	s11 =	sshrl.u32 s9, $0x3;
	[sflag:s19] =	ssyncset.done $0x0  }
0x5a: {  	s12 =	sadd.s32 s5, s11;
	[sflag:s19] =	ssyncadd.s32 $0xFFFFD800  }
0x5b: {  	[tilespmem:s4], [sflag:$0x1] =	stream.linear.gather [hbm4b:s12+s4], $0x50, $0x38;
	[tilespmem:$0x19200] =	vst v63  }
0x5c: {  	s11 =	sadd.s32 s6, s11  }
0x5d: {  	[tilespmem:s20], [sflag:$0x3] =	stream.linear.gather [hbm4b:s11+s4], $0x50, $0x38;
	[tilespmem:$0x19200] =	vst v63  }
0x5e: {  	_ =	swait.ge [sflag:s23], $0x50  }
0x5f: {  	[sflag:s23] =	ssyncset.done $0x0  }
0x60: {  	[sflag:s23] =	ssyncadd.s32 $0xFFFFFFB0  }
0x61: {  	[tilespmem:s25], [sflag:$0x5] =	stream.indirect.gather [hbm4b:s2+s24], $0x80, s4, s24, $0xb8;
	[tilespmem:$0x19200] =	vst v63  }
0x62: {  	_ =	swait.ge [sflag:s31], $0x2800  }
0x63: {  	[sflag:s31] =	ssyncset.done $0x0  }
0x64: {  	[sflag:s31] =	ssyncadd.s32 $0xFFFFD800  }
0x65: {  	_ =	swait.ge [sflag:s0], $0x50  }
0x66: {  	[sflag:s0] =	ssyncset.done $0x0  }
0x67: {  	[sflag:s0] =	ssyncadd.s32 $0xFFFFFFB0  }
0x68: {  	[spmem:s3] =	stream.indirect.scatter.add.f32 [tilespmem:s28], [sflag:$0x7], $0x80, s22, s24, $0xb8;
	[tilespmem:$0x19200] =	vst v63  }
.Ltmp0:
0x69: {  	_ =	swait.ge [sflag:s19], $0x2800;
	(pc) =	sbr.rel @p0 .LBB2_2-.Ltmp0, $4  }
0x6a: {  	[sflag:s19] =	ssyncset.done $0x0  }
0x6b: {  	s11 =	sadd.s32 s10, s16;
	[sflag:s19] =	ssyncadd.s32 $0xFFFFD800  }
0x6c: {  	[tilespmem:s21], [sflag:$0x2] =	stream.linear.gather [hbm4b:s11+s4], $0x50, $0x38;
	[tilespmem:$0x19200] =	vst v63  }
0x6d: {  	s9 =	sadd.s32 $0xA0, s9;
	s10 =	sadd.s32 s10, s15  }
0x6e: {  	[tilespmem:s22], [sflag:$0x4] =	stream.linear.gather [hbm4b:s10+s4], $0x50, $0x38;
	[tilespmem:$0x19200] =	vst v63  }
0x6f: {  	_ =	swait.ge [sflag:s29], $0x2800  }
0x70: {  	[sflag:s29] =	ssyncset.done $0x0  }
0x71: {  	[sflag:s29] =	ssyncadd.s32 $0xFFFFD800  }
0x72: {  	_ =	swait.ge [sflag:s30], $0x50  }
0x73: {  	[sflag:s30] =	ssyncset.done $0x0  }
0x74: {  	[sflag:s30] =	ssyncadd.s32 $0xFFFFFFB0  }
0x75: {  	[spmem:s3] =	stream.indirect.scatter.add.f32 [tilespmem:s25], [sflag:$0x7], $0x80, s20, s24, $0xb8;
	[tilespmem:$0x19200] =	vst v63  }
0x76: {  	_ =	swait.ge [sflag:s19], $0x2800  }
0x77: {  	[sflag:s19] =	ssyncset.done $0x0  }
0x78: {  	[sflag:s19] =	ssyncadd.s32 $0xFFFFD800  }
0x79: {  	_ =	swait.ge [sflag:s26], $0x50  }
0x7a: {  	[sflag:s26] =	ssyncset.done $0x0  }
0x7b: {  	[sflag:s26] =	ssyncadd.s32 $0xFFFFFFB0  }
0x7c: {  	_ =	swait.ge [sflag:s0], $0x50  }
0x7d: {  	s1 =	sadd.s32 $0x1, s1;
	[sflag:s0] =	ssyncset.done $0x0  }
0x7e: {  	p0 =	sne.s32 s1, s14;
	[sflag:s0] =	ssyncadd.s32 $0xFFFFFFB0  }
.Ltmp1:
0x7f: {  	[bflag:$0x0] =	sbarrier.arrive $0xFFFF;
	(pc) =	sbr.rel @p0 .LBB2_1-.Ltmp1, $4  }
0x80: {  	[hbm:s13], [sflag:s8] =	dma.local [spmem:s18], $0x2800  }
0x81: {  	_ =	swait.ge [sflag:s19], $0x2800  }
0x82: {  	[sflag:s19] =	ssyncset.done $0x0  }
0x83: {  	[sflag:s19] =	ssyncadd.s32 $0xFFFFD800  }
0x84: {  	_ =	sfence.sel $0x180000  }
0x85: {  	[bflag:$0x0] =	sbarrier.arrive $0xFFFF  }
0x86: {  	_ =	strace $0x9000004A  }
0x87: {  	s0 =	stileid.u32;
	[bflag:$0x2] =	sbarrier.arrive $0xFFFF  }
0x88: {  	p0 =	sne.s32 s0, $0x0;
	s0 =	rddreg [dreg:$0x3]  }
0x89: {  	s0 =	sadd.s32 @!p0 $0x100000, s0  }
0x8a: {  	[sflag:s0] =	ssyncadd.tile.s32 @!p0 $0x1;
	_ =	shalt  }
.Lfunc_end2:
_tile_overlayer_lowered:
.L_overlay_start_2:
0x8b: {  	(tag) =	ssettag $0x2  }
0x8c: {  	s0 =	rddreg [dreg:$0x0];
	s2 =	stileid.u32  }
0x8d: {  	s1 =	rddreg [dreg:$0x1];
	p0 =	sne.s32 s2, $0x0  }
0x8e: {  	s3 =	rddreg [dreg:$0x2];
	[bflag:$0x3] =	sbarrier.arrive $0xFFFF;
	s2 =	simm.s32 @!p0 $0x1C07  }
0x8f: {  	[timem:s3], [sflag:s2] =	dma.local @!p0 [hbm:s0], s1  }
0x90: {  	s0 =	simm.s32 @!p0 $0x7  }
0x91: {  	_ =	swait.ge @!p0 [sflag:s0], s1  }
0x92: {  	s1 =	ssub.s32 @!p0 $0x0, s1;
	[sflag:s0] =	ssyncset.done @!p0 $0x0  }
0x93: {  	[sflag:s0] =	ssyncadd.s32 @!p0 s1  }
0x94: {  	[bflag:$0x3] =	sbarrier.arrive $0xFFFF  }
0x95: {  	_ =	shalt  }

// kernel: kernel.18.cloned.1.call-start
scs
__scs_entry_jumppad:
0x0: {  	(pc) =	sbr.rel $0x88, $3  }
0x1: {  	(tag) =	ssettag $0x0;
	lr =	simm.s32 $0x1  }
0x2: {  	[smem:$0x3F97] =	sst lr;
	_ =	strace $0xD0000000  }
0x3: {  	_ = 	snop  }
0x4: {  	_ = 	snop  }
0x5: {  	_ = 	snop  }
0x6: {  	_ = 	snop  }
0x7: {  	_ = 	snop  }
__scs_overlays_trampoline_lowered:
0x8: {  	[smem:$0x3FA6] =	sst s0  }
0x9: {  	[smem:$0x3FA7] =	sst s1  }
0xa: {  	[smem:$0x3FA8] =	sst s2  }
0xb: {  	[smem:$0x3FA9] =	sst s3  }
0xc: {  	[smem:$0x3FAA] =	sst s4  }
0xd: {  	[smem:$0x3FAB] =	sst s5  }
0xe: {  	[smem:$0x3FAC] =	sst s6  }
0xf: {  	[smem:$0x3FAD] =	sst s7  }
0x10: {  	[smem:$0x3FAE] =	sst s8  }
0x11: {  	[smem:$0x3FAF] =	sst s9;
	s0 =	simm.s32 @!p0 $0x0  }
0x12: {  	s1 =	sld [smem:$0x3F95];
	s0 =	simm.s32 @p0 $0x1  }
0x13: {  	[smem:$0x3FB0] =	sst s0;
	s0 =	simm.s32 @!p1 $0x0  }
0x14: {  	s2 =	sld [smem:$0x3F94];
	s0 =	simm.s32 @p1 $0x1  }
0x15: {  	[smem:$0x3FB1] =	sst s0;
	s0 =	simm.s32 @!p2 $0x0  }
0x16: {  	s3 =	sld [smem:$0x3FDB];
	s0 =	simm.s32 @p2 $0x1  }
0x17: {  	s4 =	simm.s32 $0x1BF5;
	[smem:$0x3FB3] =	sst s0  }
0x18: {  	s0 =	sld [smem:$0x3F96];
	_ =	swait.ge [sflag:s4], $0x0  }
0x19: {  	s7 =	sld [smem:$0x3F97]  }
0x1a: {  	s8 =	sadd.s32 $0xFFFFE003, lr  }
0x1b: {  	s9 =	sadd.s32 $0xFFFFFEF7, lr;
	s5 =	simm.s32 $0xFFFFFFFF;
	p2 =	slt.u32 s8, $0xFFFFF086  }
0x1c: {  	p1 =	slt.u32 s9, $0xF7A;
	s5 =	simm.s32 @!p2 $0x0  }
0x1d: {  	s5 =	simm.s32 @p1 $0x1;
	p0 =	seq.s32 s7, s2  }
0x1e: {  	s7 =	smul.u32 @!p0 $0xF7A, s2;
	p2 =	seq.s32 @!p0 s5, $0x0  }
0x1f: {  	s9 =	smul.u32 $0xF7A, s1;
	s8 =	simm.s32 @!p0 $0x1BF5;
	p2 =	por !p2, p0  }
0x20: {  	[sflag:s8] =	ssyncset.s32 @!p0 $0xFFFFF086;
	s6 =	sadd.s32 @!p0 s3, s7;
	s7 =	simm.s32 @!p0 $0x108  }
0x21: {  	s3 =	sadd.s32 s3, s9;
	s6 =	sadd.s32 @!p0 $0x88, s6;
	s7 =	simm.s32 @p2 $0x1082  }
0x22: {  	[simem:s7], [sflag:s8] =	dma.local @!p0 [hbm:s6], $0xF7A  }
0x23: {  	s9 =	sor.u32 $0xD0000000, s2;
	s6 =	simm.s32 $0x108;
	_ =	swait.ge @!p0 [sflag:s8], $0x0  }
0x24: {  	s3 =	sadd.s32 $0x88, s3;
	s6 =	simm.s32 @!p1 $0x1082;
	[sflag:s4] =	ssyncset.s32 $0xFFFFF086  }
0x25: {  	[simem:s6], [sflag:s4] =	dma.local [hbm:s3], $0xF7A  }
0x26: {  	[smem:$0x3F97] =	sst s1;
	(tag) =	ssettag s2;
	_ =	strace s9  }
0x27: {  	s1 =	sld [smem:$0x3FA7]  }
0x28: {  	s2 =	sld [smem:$0x3FA8]  }
0x29: {  	s4 =	sld [smem:$0x3FAA]  }
0x2a: {  	p0 =	seq.s32 s5, $0x0;
	s5 =	sld [smem:$0x3FAB]  }
0x2b: {  	s6 =	sld [smem:$0x3FAC]  }
0x2c: {  	s7 =	sld [smem:$0x3FAD]  }
0x2d: {  	s3 =	simm.s32 $0x108;
	s8 =	sld [smem:$0x3FAE]  }
0x2e: {  	s3 =	simm.s32 @!p0 $0x1082;
	s9 =	sld [smem:$0x3FAF]  }
0x2f: {  	lr =	sadd.s32 s0, s3;
	s0 =	sld [smem:$0x3FA6]  }
0x30: {  	s3 =	sld [smem:$0x3FA9]  }
0x31: {  	[smem:$0x3FB2] =	sst s10  }
0x32: {  	s10 =	sld [smem:$0x3FB0];
	_ =	sdelay $0x3  }
0x33: {  	p0 =	seq.s32 s10, $0x1;
	s10 =	sld [smem:$0x3FB2];
	_ =	sdelay $0x3  }
0x34: {  	[smem:$0x3FB2] =	sst s10  }
0x35: {  	s10 =	sld [smem:$0x3FB1];
	_ =	sdelay $0x3  }
0x36: {  	p1 =	seq.s32 s10, $0x1;
	s10 =	sld [smem:$0x3FB2];
	_ =	sdelay $0x3  }
0x37: {  	[smem:$0x3FB2] =	sst s10  }
0x38: {  	s10 =	sld [smem:$0x3FB3]  }
0x39: {  	_ = 	snop;
	(pc) =	sbr.ind lr, $3  }
0x3a: {  	_ = 	snop  }
0x3b: {  	_ = 	snop  }
0x3c: {  	p2 =	seq.s32 s10, $0x1;
	s10 =	sld [smem:$0x3FB2]  }
0x3d: {  	_ =	shalt  }
0x3e: {  	_ =	shalt  }
0x3f: {  	_ =	shalt  }
0x40: {  	_ =	shalt  }
0x41: {  	_ =	shalt  }
0x42: {  	_ =	shalt  }
0x43: {  	_ =	shalt  }
0x44: {  	_ =	shalt  }
0x45: {  	_ =	shalt  }
0x46: {  	_ =	shalt  }
0x47: {  	_ =	shalt  }
0x48: {  	_ =	shalt  }
0x49: {  	_ =	shalt  }
0x4a: {  	_ =	shalt  }
0x4b: {  	_ =	shalt  }
0x4c: {  	_ =	shalt  }
0x4d: {  	_ =	shalt  }
0x4e: {  	_ =	shalt  }
0x4f: {  	_ =	shalt  }
0x50: {  	_ =	shalt  }
0x51: {  	_ =	shalt  }
0x52: {  	_ =	shalt  }
0x53: {  	_ =	shalt  }
0x54: {  	_ =	shalt  }
0x55: {  	_ =	shalt  }
0x56: {  	_ =	shalt  }
0x57: {  	_ =	shalt  }
0x58: {  	_ =	shalt  }
0x59: {  	_ =	shalt  }
0x5a: {  	_ =	shalt  }
0x5b: {  	_ =	shalt  }
0x5c: {  	_ =	shalt  }
0x5d: {  	_ =	shalt  }
0x5e: {  	_ =	shalt  }
0x5f: {  	_ =	shalt  }
0x60: {  	_ =	shalt  }
0x61: {  	_ =	shalt  }
0x62: {  	_ =	shalt  }
0x63: {  	_ =	shalt  }
0x64: {  	_ =	shalt  }
0x65: {  	_ =	shalt  }
0x66: {  	_ =	shalt  }
0x67: {  	_ =	shalt  }
0x68: {  	_ =	shalt  }
0x69: {  	_ =	shalt  }
0x6a: {  	_ =	shalt  }
0x6b: {  	_ =	shalt  }
0x6c: {  	_ =	shalt  }
0x6d: {  	_ =	shalt  }
0x6e: {  	_ =	shalt  }
0x6f: {  	_ =	shalt  }
0x70: {  	_ =	shalt  }
0x71: {  	_ =	shalt  }
0x72: {  	_ =	shalt  }
0x73: {  	_ =	shalt  }
0x74: {  	_ =	shalt  }
0x75: {  	_ =	shalt  }
0x76: {  	_ =	shalt  }
0x77: {  	_ =	shalt  }
0x78: {  	_ =	shalt  }
0x79: {  	_ =	shalt  }
0x7a: {  	_ =	shalt  }
0x7b: {  	_ =	shalt  }
0x7c: {  	_ =	shalt  }
0x7d: {  	_ =	shalt  }
0x7e: {  	_ =	shalt  }
0x7f: {  	_ =	shalt  }
0x80: {  	_ =	shalt  }
0x81: {  	_ =	shalt  }
0x82: {  	_ =	shalt  }
0x83: {  	_ =	shalt  }
0x84: {  	_ =	shalt  }
0x85: {  	_ =	shalt  }
0x86: {  	_ =	shalt  }
0x87: {  	_ =	shalt  }
.Lfunc_end0:
.L_simem_size_0:
called_computation.2_lowered:
.L_overlay_start_0:
0x88: {  	s2 =	sld [smem:$0x3FD9]  }
0x89: {  	s3 =	sld [smem:$0x3FFE];
	_ =	sdelay $0x1  }
0x8a: {  	s1 =	srdreg.scid  }
0x8b: {  	s0 =	sand.u32 $0x1, s1  }
0x8c: {  	s17 =	sshll.u32 s0, $0xA;
	s2 =	sadd.s32 s3, s2  }
0x8d: {  	s2 =	sadd.s32 s2, s17  }
0x8e: {  	[smem:$0x3FBE] =	sst s2  }
0x8f: {  	_ = 	snop  }
0x90: {  	s2 =	sld [smem:$0x3FD0];
	(tm) =	ssettm $0x1  }
0x91: {  	s18 =	sld [smem:$0x3FFB];
	_ =	sdelay $0x3  }
0x92: {  	_ =	strace s18  }
0x93: {  	s3 =	sld [smem:$0x3FFC];
	_ =	sdelay $0x3  }
0x94: {  	_ =	strace s3  }
0x95: {  	s3 =	sld [smem:$0x3FFD];
	_ =	sdelay $0x3  }
0x96: {  	_ =	strace s3  }
0x97: {  	_ =	strace $0x8FFFFFFF  }
0x98: {  	s19 =	sld [smem:$0x3FDB];
	_ =	sdelay $0x1  }
0x99: {  	s4 =	simm.s32 $_scs_section_size  }
0x9a: {  	s5 =	simm.s32 $_size__tile_overlayer_lowered;
	s6 =	simm.s32 $_tile_overlayer_lowered  }
0x9b: {  	s22 =	simm.s32 $0x1BFF;
	s21 =	sshll.u32 s6, $0x1;
	s3 =	sadd.s32 s4, s19  }
0x9c: {  	s7 =	simm.s32 $0x0;
	s20 =	sshll.u32 s5, $0x1;
	s5 =	sadd.s32 s21, s3  }
0x9d: {  	[timem:s7], [sflag:s22] =	dma.local [hbm:s5], s20  }
0x9e: {  	_ =	swait.ge [sflag:s22], s20  }
0x9f: {  	s4 =	ssub.s32 $0x0, s20;
	[sflag:s22] =	ssyncset.done $0x0  }
0xa0: {  	[sflag:s22] =	ssyncadd.s32 s4;
	_ =	sdelay $0x1  }
0xa1: {  	s23 =	simm.s32 $0x1B8B  }
0xa2: {  	_ =	swait.ge [sflag:s23], $0x1  }
0xa3: {  	[sflag:s23] =	ssyncset.done $0x0  }
0xa4: {  	s25 =	simm.s32 $0x1B8E;
	s24 =	sld [smem:$0x3FFE];
	[sflag:s23] =	ssyncadd.s32 $0xFFFFFFFF  }
0xa5: {  	s26 =	simm.s32 $execute0_lowered;
	[smem:$0x3FD2] =	sst s25  }
0xa6: {  	s5 =	sshll.u32 s26, $0x1;
	_ =	strace $0x8000004C;
	[dreg:$0x1] =	wrdreg $0xFFFFFFFF  }
0xa7: {  	s28 =	simm.s32 $_size_execute0_lowered;
	s3 =	sadd.s32 s3, s5;
	[dreg:$0x0] =	wrdreg $0x0  }
0xa8: {  	s5 =	sshll.u32 s28, $0x1;
	[dreg:$0x2] =	wrdreg s3  }
0xa9: {  	[dreg:$0x3] =	wrdreg s5  }
0xaa: {  	[dreg:$0x4] =	wrdreg $0xC0  }
0xab: {  	_ =	task [dreg:s7], $0x5FFFF  }
0xac: {  	[dreg:$0x1] =	wrdreg $0xFFFFFFFF  }
0xad: {  	[dreg:$0x0] =	wrdreg $0x60  }
0xae: {  	[dreg:$0x2] =	wrdreg s2  }
0xaf: {  	[dreg:$0x3] =	wrdreg s24  }
0xb0: {  	[dreg:$0x4] =	wrdreg $0x52000  }
0xb1: {  	[dreg:$0x5] =	wrdreg $0x9  }
0xb2: {  	_ =	task.clear_ibuf [dreg:s7], $0x6FFFF;
	_ =	strace $0x9000004C  }
0xb3: {  	s29 =	simm.s32 $0x9;
	_ =	strace $0x8000004E  }
0xb4: {  	_ =	swait.ge [sflag:s29], $0x1  }
0xb5: {  	[sflag:s29] =	ssyncadd.s32 $0xFFFFFFFF  }
0xb6: {  	_ =	strace $0x9000004E  }
0xb7: {  	_ =	sfence  }
0xb8: {  	s30 =	sld [smem:$0x0];
	_ =	sdelay $0x2  }
0xb9: {  	s31 =	sshll.u32 s1, $0xD;
	s1 =	sshrl.u32 s1, $0x2  }
0xba: {  	s3 =	sand.u32 $0x4000, s31;
	s1 =	sadd.s32 s1, s30  }
0xbb: {  	s0 =	sor.u32 s3, s0;
	s1 =	sshll.u32 s1, $0x11  }
0xbc: {  	s0 =	sor.u32 s1, s0  }
0xbd: {  	s0 =	sadd.s32 $0x8F2B, s0  }
0xbe: {  	[sflag:s0] =	ssyncadd.remote.s32 $0x1  }
0xbf: {  	_ =	sfence.sel $0xFFFF  }
0xc0: {  	[dreg:$0x0] =	wrdreg $0xFFFFFFFF;
	(pc) =	sbr.abs _section_cstart, $3  }
0xc1: {  	[dreg:$0x1] =	wrdreg $0xFFFFFFFF  }
0xc2: {  	_ =	task.clear_ibuf [dreg:s7], $0x2FFFF;
	_ =	strace $0x9FFFFFFF  }
0xc3: {  	(tm) =	ssettm $0x7FFFFFFF  }
tec
execute0_lowered:
.L_overlay_start_1:
0x0: {  	(tag) =	ssettag $0x1  }
0x1: {  	s2 =	rddreg [dreg:$0x0]  }
0x2: {  	s0 =	rddreg [dreg:$0x1]  }
0x3: {  	s3 =	rddreg [dreg:$0x2]  }
0x4: {  	s13 =	stileid.u32;
	s1 =	srdreg.scid;
	s4 =	simm.s32 $0x0  }
0x5: {  	s28 =	simm.s32 $0x2A00;
	s29 =	simm.s32 $0x5;
	s30 =	simm.s32 $0x3  }
0x6: {  	s31 =	simm.s32 $0x6;
	s7 =	smul.u32 $0x14000, s13;
	s1 =	sand.u32 $0x1, s1  }
0x7: {  	[smem:$0x7FF] =	sst s4;
	s5 =	sadd.s32 $0xD600, s0;
	s10 =	smul.u32 $0x50000, s13  }
0x8: {  	s6 =	sadd.s32 $0x3800, s0;
	s19 =	sshll.u32 s13, $0x6;
	s8 =	smul.u32 $0x140000, s1  }
0x9: {  	_ =	strace $0x8000004D;
	s17 =	sshll.u32 s1, $0x4;
	s18 =	ssub.s32 $0x2, s1  }
0xa: {  	s1 =	smul.u32 $0x27100, s1;
	s9 =	sshrl.u32 s7, $0x3;
	s11 =	sshrl.u32 s18, $0x1  }
0xb: {  	s10 =	sshrl.u32 s10, $0x2;
	s9 =	sadd.s32 s9, s0;
	s7 =	sadd.s32 s7, s8  }
0xc: {  	s8 =	sor.u32 s13, s17;
	s10 =	sadd.s32 s10, s3;
	s13 =	smul.u32 $0x2710, s13  }
0xd: {  	s7 =	sshrl.u32 s7, $0x3;
	s8 =	smul.u32 $0x2710, s8;
	s20 =	sadd.s32 $0x17400, s9  }
0xe: {  	s0 =	sadd.s32 s7, s0;
	s7 =	ssub.s32 s18, s11;
	[dreg:$0x4] =	wrdreg s20  }
0xf: {  	s1 =	sadd.s32 s13, s1;
	s18 =	sshrl.u32 s10, $0x3;
	s20 =	simm.s32 $0x100  }
0x10: {  	s12 =	sshrl.u32 s8, $0x3;
	s8 =	sor.u32 $0x1C07, s19;
	s25 =	sadd.s32 $0xF0, s1  }
0x11: {  	s13 =	sadd.s32 $0x3F400, s0;
	s14 =	smax.u32 s7, $0x1;
	s17 =	sadd.s32 $0xA0, s1  }
0x12: {  	s19 =	simm.s32 $0x7;
	s0 =	simm.s32 $0x4;
	s1 =	simm.s32 $0x0  }
0x13: {  	s21 =	sadd.s32 s5, s12;
	s22 =	sadd.s32 s6, s12;
	s23 =	sadd.s32 $0xA, s12  }
0x14: {  	s26 =	sshrl.u32 s25, $0x3;
	s25 =	simm.s32 $0x200;
	[dreg:$0x5] =	wrdreg s21  }
0x15: {  	[dreg:$0x6] =	wrdreg s22;
	s24 =	sadd.s32 s5, s23;
	s9 =	sadd.s32 s6, s23  }
0x16: {  	s15 =	sadd.s32 s26, s6;
	s16 =	sadd.s32 s26, s5;
	s21 =	simm.s32 $0x80  }
0x17: {  	s22 =	simm.s32 $0x180;
	s23 =	simm.s32 $0x1;
	[dreg:$0x7] =	wrdreg s24  }
0x18: {  	s26 =	simm.s32 $0x2;
	[dreg:$0x8] =	wrdreg s9;
	s24 =	simm.s32 $0x50  }
.LBB2_1:
0x19: {  	s7 =	rddreg [dreg:$0x4]  }
0x1a: {  	[spmem:s18], [sflag:s8] =	dma.local [hbm:s7], $0x2800  }
0x1b: {  	_ =	swait.ge [sflag:s19], $0x2800  }
0x1c: {  	[sflag:s19] =	ssyncset.done $0x0  }
0x1d: {  	[sflag:s19] =	ssyncadd.s32 $0xFFFFD800  }
0x1e: {  	[bflag:$0x0] =	sbarrier.arrive $0xFFFF  }
0x1f: {  	s11 =	rddreg [dreg:$0x5]  }
0x20: {  	[tilespmem:s4], [sflag:$0x1] =	stream.linear.gather [hbm4b:s11+s4], $0x50, $0x38;
	[tilespmem:$0x19200] =	vst v63  }
0x21: {  	s12 =	rddreg [dreg:$0x6]  }
0x22: {  	[tilespmem:s20], [sflag:$0x3] =	stream.linear.gather [hbm4b:s12+s4], $0x50, $0x38;
	[tilespmem:$0x19200] =	vst v63  }
0x23: {  	s9 =	rddreg [dreg:$0x7]  }
0x24: {  	[tilespmem:s21], [sflag:$0x2] =	stream.linear.gather [hbm4b:s9+s4], $0x50, $0x38;
	[tilespmem:$0x19200] =	vst v63  }
0x25: {  	s10 =	rddreg [dreg:$0x8]  }
0x26: {  	[tilespmem:s22], [sflag:$0x4] =	stream.linear.gather [hbm4b:s10+s4], $0x50, $0x38;
	[tilespmem:$0x19200] =	vst v63  }
0x27: {  	_ =	swait.ge [sflag:s23], $0x50  }
0x28: {  	[sflag:s23] =	ssyncset.done $0x0  }
0x29: {  	[sflag:s23] =	ssyncadd.s32 $0xFFFFFFB0  }
0x2a: {  	[tilespmem:s25], [sflag:$0x5] =	stream.indirect.gather [hbm4b:s2+s24], $0x80, s4, s24, $0xb8;
	[tilespmem:$0x19200] =	vst v63  }
0x2b: {  	_ =	swait.ge [sflag:s26], $0x50  }
0x2c: {  	[sflag:s26] =	ssyncset.done $0x0  }
0x2d: {  	[sflag:s26] =	ssyncadd.s32 $0xFFFFFFB0  }
0x2e: {  	[tilespmem:s28], [sflag:$0x6] =	stream.indirect.gather [hbm4b:s2+s24], $0x80, s21, s24, $0xb8;
	[tilespmem:$0x19200] =	vst v63  }
0x2f: {  	_ =	swait.ge [sflag:s29], $0x2800  }
0x30: {  	[sflag:s29] =	ssyncset.done $0x0  }
0x31: {  	[sflag:s29] =	ssyncadd.s32 $0xFFFFD800  }
0x32: {  	_ =	swait.ge [sflag:s30], $0x50  }
0x33: {  	[sflag:s30] =	ssyncset.done $0x0  }
0x34: {  	[sflag:s30] =	ssyncadd.s32 $0xFFFFFFB0  }
0x35: {  	[spmem:s3] =	stream.indirect.scatter.add.f32 [tilespmem:s25], [sflag:$0x7], $0x80, s20, s24, $0xb8;
	[tilespmem:$0x19200] =	vst v63  }
0x36: {  	_ =	swait.ge [sflag:s19], $0x2800  }
0x37: {  	s11 =	sshrl.u32 s17, $0x3;
	[sflag:s19] =	ssyncset.done $0x0  }
0x38: {  	s9 =	sadd.s32 s5, s11;
	[sflag:s19] =	ssyncadd.s32 $0xFFFFD800  }
0x39: {  	[tilespmem:s4], [sflag:$0x1] =	stream.linear.gather [hbm4b:s9+s4], $0x50, $0x38;
	[tilespmem:$0x19200] =	vst v63  }
0x3a: {  	s7 =	sadd.s32 s6, s11  }
0x3b: {  	[tilespmem:s20], [sflag:$0x3] =	stream.linear.gather [hbm4b:s7+s4], $0x50, $0x38;
	[tilespmem:$0x19200] =	vst v63  }
0x3c: {  	_ =	swait.ge [sflag:s23], $0x50  }
0x3d: {  	[sflag:s23] =	ssyncset.done $0x0  }
0x3e: {  	[sflag:s23] =	ssyncadd.s32 $0xFFFFFFB0  }
0x3f: {  	[tilespmem:s25], [sflag:$0x5] =	stream.indirect.gather [hbm4b:s2+s24], $0x80, s4, s24, $0xb8;
	[tilespmem:$0x19200] =	vst v63  }
0x40: {  	_ =	swait.ge [sflag:s31], $0x2800  }
0x41: {  	[sflag:s31] =	ssyncset.done $0x0  }
0x42: {  	[sflag:s31] =	ssyncadd.s32 $0xFFFFD800  }
0x43: {  	_ =	swait.ge [sflag:s0], $0x50  }
0x44: {  	[sflag:s0] =	ssyncset.done $0x0  }
0x45: {  	[sflag:s0] =	ssyncadd.s32 $0xFFFFFFB0  }
0x46: {  	[spmem:s3] =	stream.indirect.scatter.add.f32 [tilespmem:s28], [sflag:$0x7], $0x80, s22, s24, $0xb8;
	[tilespmem:$0x19200] =	vst v63  }
0x47: {  	_ =	swait.ge [sflag:s19], $0x2800  }
0x48: {  	s12 =	sadd.s32 $0x0, s16;
	s10 =	sadd.s32 $0x0, s15;
	[sflag:s19] =	ssyncset.done $0x0  }
0x49: {  	s9 =	sadd.s32 $0xA0, s17;
	s7 =	simm.s32 $0x14;
	[sflag:s19] =	ssyncadd.s32 $0xFFFFD800  }
0x4a: {  	[tilespmem:s21], [sflag:$0x2] =	stream.linear.gather [hbm4b:s12+s4], $0x50, $0x38;
	[tilespmem:$0x19200] =	vst v63  }
.LBB2_2:
0x4b: {  	[tilespmem:s22], [sflag:$0x4] =	stream.linear.gather [hbm4b:s10+s4], $0x50, $0x38;
	[tilespmem:$0x19200] =	vst v63  }
0x4c: {  	s10 =	smov.u32 s7  }
0x4d: {  	p0 =	sne.s32 s7, $0x4C4;
	s7 =	sadd.s32 $0x14, s7;
	_ =	swait.ge [sflag:s26], $0x50  }
0x4e: {  	[sflag:s26] =	ssyncset.done $0x0  }
0x4f: {  	[sflag:s26] =	ssyncadd.s32 $0xFFFFFFB0  }
0x50: {  	[tilespmem:s28], [sflag:$0x6] =	stream.indirect.gather [hbm4b:s2+s24], $0x80, s21, s24, $0xb8;
	[tilespmem:$0x19200] =	vst v63  }
0x51: {  	_ =	swait.ge [sflag:s29], $0x2800  }
0x52: {  	[sflag:s29] =	ssyncset.done $0x0  }
0x53: {  	[sflag:s29] =	ssyncadd.s32 $0xFFFFD800  }
0x54: {  	_ =	swait.ge [sflag:s30], $0x50  }
0x55: {  	[sflag:s30] =	ssyncset.done $0x0  }
0x56: {  	[sflag:s30] =	ssyncadd.s32 $0xFFFFFFB0  }
0x57: {  	[spmem:s3] =	stream.indirect.scatter.add.f32 [tilespmem:s25], [sflag:$0x7], $0x80, s20, s24, $0xb8;
	[tilespmem:$0x19200] =	vst v63  }
0x58: {  	_ =	swait.ge [sflag:s19], $0x2800  }
0x59: {  	s11 =	sshrl.u32 s9, $0x3;
	[sflag:s19] =	ssyncset.done $0x0  }
0x5a: {  	s12 =	sadd.s32 s5, s11;
	[sflag:s19] =	ssyncadd.s32 $0xFFFFD800  }
0x5b: {  	[tilespmem:s4], [sflag:$0x1] =	stream.linear.gather [hbm4b:s12+s4], $0x50, $0x38;
	[tilespmem:$0x19200] =	vst v63  }
0x5c: {  	s11 =	sadd.s32 s6, s11  }
0x5d: {  	[tilespmem:s20], [sflag:$0x3] =	stream.linear.gather [hbm4b:s11+s4], $0x50, $0x38;
	[tilespmem:$0x19200] =	vst v63  }
0x5e: {  	_ =	swait.ge [sflag:s23], $0x50  }
0x5f: {  	[sflag:s23] =	ssyncset.done $0x0  }
0x60: {  	[sflag:s23] =	ssyncadd.s32 $0xFFFFFFB0  }
0x61: {  	[tilespmem:s25], [sflag:$0x5] =	stream.indirect.gather [hbm4b:s2+s24], $0x80, s4, s24, $0xb8;
	[tilespmem:$0x19200] =	vst v63  }
0x62: {  	_ =	swait.ge [sflag:s31], $0x2800  }
0x63: {  	[sflag:s31] =	ssyncset.done $0x0  }
0x64: {  	[sflag:s31] =	ssyncadd.s32 $0xFFFFD800  }
0x65: {  	_ =	swait.ge [sflag:s0], $0x50  }
0x66: {  	[sflag:s0] =	ssyncset.done $0x0  }
0x67: {  	[sflag:s0] =	ssyncadd.s32 $0xFFFFFFB0  }
0x68: {  	[spmem:s3] =	stream.indirect.scatter.add.f32 [tilespmem:s28], [sflag:$0x7], $0x80, s22, s24, $0xb8;
	[tilespmem:$0x19200] =	vst v63  }
.Ltmp0:
0x69: {  	_ =	swait.ge [sflag:s19], $0x2800;
	(pc) =	sbr.rel @p0 .LBB2_2-.Ltmp0, $4  }
0x6a: {  	[sflag:s19] =	ssyncset.done $0x0  }
0x6b: {  	s11 =	sadd.s32 s10, s16;
	[sflag:s19] =	ssyncadd.s32 $0xFFFFD800  }
0x6c: {  	[tilespmem:s21], [sflag:$0x2] =	stream.linear.gather [hbm4b:s11+s4], $0x50, $0x38;
	[tilespmem:$0x19200] =	vst v63  }
0x6d: {  	s9 =	sadd.s32 $0xA0, s9;
	s10 =	sadd.s32 s10, s15  }
0x6e: {  	[tilespmem:s22], [sflag:$0x4] =	stream.linear.gather [hbm4b:s10+s4], $0x50, $0x38;
	[tilespmem:$0x19200] =	vst v63  }
0x6f: {  	_ =	swait.ge [sflag:s29], $0x2800  }
0x70: {  	[sflag:s29] =	ssyncset.done $0x0  }
0x71: {  	[sflag:s29] =	ssyncadd.s32 $0xFFFFD800  }
0x72: {  	_ =	swait.ge [sflag:s30], $0x50  }
0x73: {  	[sflag:s30] =	ssyncset.done $0x0  }
0x74: {  	[sflag:s30] =	ssyncadd.s32 $0xFFFFFFB0  }
0x75: {  	[spmem:s3] =	stream.indirect.scatter.add.f32 [tilespmem:s25], [sflag:$0x7], $0x80, s20, s24, $0xb8;
	[tilespmem:$0x19200] =	vst v63  }
0x76: {  	_ =	swait.ge [sflag:s19], $0x2800  }
0x77: {  	[sflag:s19] =	ssyncset.done $0x0  }
0x78: {  	[sflag:s19] =	ssyncadd.s32 $0xFFFFD800  }
0x79: {  	_ =	swait.ge [sflag:s26], $0x50  }
0x7a: {  	[sflag:s26] =	ssyncset.done $0x0  }
0x7b: {  	[sflag:s26] =	ssyncadd.s32 $0xFFFFFFB0  }
0x7c: {  	_ =	swait.ge [sflag:s0], $0x50  }
0x7d: {  	s1 =	sadd.s32 $0x1, s1;
	[sflag:s0] =	ssyncset.done $0x0  }
0x7e: {  	p0 =	sne.s32 s1, s14;
	[sflag:s0] =	ssyncadd.s32 $0xFFFFFFB0  }
.Ltmp1:
0x7f: {  	[bflag:$0x0] =	sbarrier.arrive $0xFFFF;
	(pc) =	sbr.rel @p0 .LBB2_1-.Ltmp1, $4  }
0x80: {  	[hbm:s13], [sflag:s8] =	dma.local [spmem:s18], $0x2800  }
0x81: {  	_ =	swait.ge [sflag:s19], $0x2800  }
0x82: {  	[sflag:s19] =	ssyncset.done $0x0  }
0x83: {  	[sflag:s19] =	ssyncadd.s32 $0xFFFFD800  }
0x84: {  	_ =	sfence.sel $0x180000  }
0x85: {  	[bflag:$0x0] =	sbarrier.arrive $0xFFFF  }
0x86: {  	_ =	strace $0x9000004D  }
0x87: {  	s0 =	stileid.u32;
	[bflag:$0x2] =	sbarrier.arrive $0xFFFF  }
0x88: {  	p0 =	sne.s32 s0, $0x0;
	s0 =	rddreg [dreg:$0x3]  }
0x89: {  	s0 =	sadd.s32 @!p0 $0x100000, s0  }
0x8a: {  	[sflag:s0] =	ssyncadd.tile.s32 @!p0 $0x1;
	_ =	shalt  }
.Lfunc_end2:
_tile_overlayer_lowered:
.L_overlay_start_2:
0x8b: {  	(tag) =	ssettag $0x2  }
0x8c: {  	s0 =	rddreg [dreg:$0x0];
	s2 =	stileid.u32  }
0x8d: {  	s1 =	rddreg [dreg:$0x1];
	p0 =	sne.s32 s2, $0x0  }
0x8e: {  	s3 =	rddreg [dreg:$0x2];
	[bflag:$0x3] =	sbarrier.arrive $0xFFFF;
	s2 =	simm.s32 @!p0 $0x1C07  }
0x8f: {  	[timem:s3], [sflag:s2] =	dma.local @!p0 [hbm:s0], s1  }
0x90: {  	s0 =	simm.s32 @!p0 $0x7  }
0x91: {  	_ =	swait.ge @!p0 [sflag:s0], s1  }
0x92: {  	s1 =	ssub.s32 @!p0 $0x0, s1;
	[sflag:s0] =	ssyncset.done @!p0 $0x0  }
0x93: {  	[sflag:s0] =	ssyncadd.s32 @!p0 s1  }
0x94: {  	[bflag:$0x3] =	sbarrier.arrive $0xFFFF  }
0x95: {  	_ =	shalt  }

// kernel: kernel.21.cloned.1.call-start
scs
__scs_entry_jumppad:
0x0: {  	(pc) =	sbr.rel $0x88, $3  }
0x1: {  	(tag) =	ssettag $0x0;
	lr =	simm.s32 $0x1  }
0x2: {  	[smem:$0x3F97] =	sst lr;
	_ =	strace $0xD0000000  }
0x3: {  	_ = 	snop  }
0x4: {  	_ = 	snop  }
0x5: {  	_ = 	snop  }
0x6: {  	_ = 	snop  }
0x7: {  	_ = 	snop  }
__scs_overlays_trampoline_lowered:
0x8: {  	[smem:$0x3FA6] =	sst s0  }
0x9: {  	[smem:$0x3FA7] =	sst s1  }
0xa: {  	[smem:$0x3FA8] =	sst s2  }
0xb: {  	[smem:$0x3FA9] =	sst s3  }
0xc: {  	[smem:$0x3FAA] =	sst s4  }
0xd: {  	[smem:$0x3FAB] =	sst s5  }
0xe: {  	[smem:$0x3FAC] =	sst s6  }
0xf: {  	[smem:$0x3FAD] =	sst s7  }
0x10: {  	[smem:$0x3FAE] =	sst s8  }
0x11: {  	[smem:$0x3FAF] =	sst s9;
	s0 =	simm.s32 @!p0 $0x0  }
0x12: {  	s1 =	sld [smem:$0x3F95];
	s0 =	simm.s32 @p0 $0x1  }
0x13: {  	[smem:$0x3FB0] =	sst s0;
	s0 =	simm.s32 @!p1 $0x0  }
0x14: {  	s2 =	sld [smem:$0x3F94];
	s0 =	simm.s32 @p1 $0x1  }
0x15: {  	[smem:$0x3FB1] =	sst s0;
	s0 =	simm.s32 @!p2 $0x0  }
0x16: {  	s3 =	sld [smem:$0x3FDB];
	s0 =	simm.s32 @p2 $0x1  }
0x17: {  	s4 =	simm.s32 $0x1BF5;
	[smem:$0x3FB3] =	sst s0  }
0x18: {  	s0 =	sld [smem:$0x3F96];
	_ =	swait.ge [sflag:s4], $0x0  }
0x19: {  	s7 =	sld [smem:$0x3F97]  }
0x1a: {  	s8 =	sadd.s32 $0xFFFFE003, lr  }
0x1b: {  	s9 =	sadd.s32 $0xFFFFFEF7, lr;
	s5 =	simm.s32 $0xFFFFFFFF;
	p2 =	slt.u32 s8, $0xFFFFF086  }
0x1c: {  	p1 =	slt.u32 s9, $0xF7A;
	s5 =	simm.s32 @!p2 $0x0  }
0x1d: {  	s5 =	simm.s32 @p1 $0x1;
	p0 =	seq.s32 s7, s2  }
0x1e: {  	s7 =	smul.u32 @!p0 $0xF7A, s2;
	p2 =	seq.s32 @!p0 s5, $0x0  }
0x1f: {  	s9 =	smul.u32 $0xF7A, s1;
	s8 =	simm.s32 @!p0 $0x1BF5;
	p2 =	por !p2, p0  }
0x20: {  	[sflag:s8] =	ssyncset.s32 @!p0 $0xFFFFF086;
	s6 =	sadd.s32 @!p0 s3, s7;
	s7 =	simm.s32 @!p0 $0x108  }
0x21: {  	s3 =	sadd.s32 s3, s9;
	s6 =	sadd.s32 @!p0 $0x88, s6;
	s7 =	simm.s32 @p2 $0x1082  }
0x22: {  	[simem:s7], [sflag:s8] =	dma.local @!p0 [hbm:s6], $0xF7A  }
0x23: {  	s9 =	sor.u32 $0xD0000000, s2;
	s6 =	simm.s32 $0x108;
	_ =	swait.ge @!p0 [sflag:s8], $0x0  }
0x24: {  	s3 =	sadd.s32 $0x88, s3;
	s6 =	simm.s32 @!p1 $0x1082;
	[sflag:s4] =	ssyncset.s32 $0xFFFFF086  }
0x25: {  	[simem:s6], [sflag:s4] =	dma.local [hbm:s3], $0xF7A  }
0x26: {  	[smem:$0x3F97] =	sst s1;
	(tag) =	ssettag s2;
	_ =	strace s9  }
0x27: {  	s1 =	sld [smem:$0x3FA7]  }
0x28: {  	s2 =	sld [smem:$0x3FA8]  }
0x29: {  	s4 =	sld [smem:$0x3FAA]  }
0x2a: {  	p0 =	seq.s32 s5, $0x0;
	s5 =	sld [smem:$0x3FAB]  }
0x2b: {  	s6 =	sld [smem:$0x3FAC]  }
0x2c: {  	s7 =	sld [smem:$0x3FAD]  }
0x2d: {  	s3 =	simm.s32 $0x108;
	s8 =	sld [smem:$0x3FAE]  }
0x2e: {  	s3 =	simm.s32 @!p0 $0x1082;
	s9 =	sld [smem:$0x3FAF]  }
0x2f: {  	lr =	sadd.s32 s0, s3;
	s0 =	sld [smem:$0x3FA6]  }
0x30: {  	s3 =	sld [smem:$0x3FA9]  }
0x31: {  	[smem:$0x3FB2] =	sst s10  }
0x32: {  	s10 =	sld [smem:$0x3FB0];
	_ =	sdelay $0x3  }
0x33: {  	p0 =	seq.s32 s10, $0x1;
	s10 =	sld [smem:$0x3FB2];
	_ =	sdelay $0x3  }
0x34: {  	[smem:$0x3FB2] =	sst s10  }
0x35: {  	s10 =	sld [smem:$0x3FB1];
	_ =	sdelay $0x3  }
0x36: {  	p1 =	seq.s32 s10, $0x1;
	s10 =	sld [smem:$0x3FB2];
	_ =	sdelay $0x3  }
0x37: {  	[smem:$0x3FB2] =	sst s10  }
0x38: {  	s10 =	sld [smem:$0x3FB3]  }
0x39: {  	_ = 	snop;
	(pc) =	sbr.ind lr, $3  }
0x3a: {  	_ = 	snop  }
0x3b: {  	_ = 	snop  }
0x3c: {  	p2 =	seq.s32 s10, $0x1;
	s10 =	sld [smem:$0x3FB2]  }
0x3d: {  	_ =	shalt  }
0x3e: {  	_ =	shalt  }
0x3f: {  	_ =	shalt  }
0x40: {  	_ =	shalt  }
0x41: {  	_ =	shalt  }
0x42: {  	_ =	shalt  }
0x43: {  	_ =	shalt  }
0x44: {  	_ =	shalt  }
0x45: {  	_ =	shalt  }
0x46: {  	_ =	shalt  }
0x47: {  	_ =	shalt  }
0x48: {  	_ =	shalt  }
0x49: {  	_ =	shalt  }
0x4a: {  	_ =	shalt  }
0x4b: {  	_ =	shalt  }
0x4c: {  	_ =	shalt  }
0x4d: {  	_ =	shalt  }
0x4e: {  	_ =	shalt  }
0x4f: {  	_ =	shalt  }
0x50: {  	_ =	shalt  }
0x51: {  	_ =	shalt  }
0x52: {  	_ =	shalt  }
0x53: {  	_ =	shalt  }
0x54: {  	_ =	shalt  }
0x55: {  	_ =	shalt  }
0x56: {  	_ =	shalt  }
0x57: {  	_ =	shalt  }
0x58: {  	_ =	shalt  }
0x59: {  	_ =	shalt  }
0x5a: {  	_ =	shalt  }
0x5b: {  	_ =	shalt  }
0x5c: {  	_ =	shalt  }
0x5d: {  	_ =	shalt  }
0x5e: {  	_ =	shalt  }
0x5f: {  	_ =	shalt  }
0x60: {  	_ =	shalt  }
0x61: {  	_ =	shalt  }
0x62: {  	_ =	shalt  }
0x63: {  	_ =	shalt  }
0x64: {  	_ =	shalt  }
0x65: {  	_ =	shalt  }
0x66: {  	_ =	shalt  }
0x67: {  	_ =	shalt  }
0x68: {  	_ =	shalt  }
0x69: {  	_ =	shalt  }
0x6a: {  	_ =	shalt  }
0x6b: {  	_ =	shalt  }
0x6c: {  	_ =	shalt  }
0x6d: {  	_ =	shalt  }
0x6e: {  	_ =	shalt  }
0x6f: {  	_ =	shalt  }
0x70: {  	_ =	shalt  }
0x71: {  	_ =	shalt  }
0x72: {  	_ =	shalt  }
0x73: {  	_ =	shalt  }
0x74: {  	_ =	shalt  }
0x75: {  	_ =	shalt  }
0x76: {  	_ =	shalt  }
0x77: {  	_ =	shalt  }
0x78: {  	_ =	shalt  }
0x79: {  	_ =	shalt  }
0x7a: {  	_ =	shalt  }
0x7b: {  	_ =	shalt  }
0x7c: {  	_ =	shalt  }
0x7d: {  	_ =	shalt  }
0x7e: {  	_ =	shalt  }
0x7f: {  	_ =	shalt  }
0x80: {  	_ =	shalt  }
0x81: {  	_ =	shalt  }
0x82: {  	_ =	shalt  }
0x83: {  	_ =	shalt  }
0x84: {  	_ =	shalt  }
0x85: {  	_ =	shalt  }
0x86: {  	_ =	shalt  }
0x87: {  	_ =	shalt  }
.Lfunc_end0:
.L_simem_size_0:
called_computation.3_lowered:
.L_overlay_start_0:
0x88: {  	s2 =	sld [smem:$0x3FD9]  }
0x89: {  	s3 =	sld [smem:$0x3FFE];
	_ =	sdelay $0x1  }
0x8a: {  	s1 =	srdreg.scid  }
0x8b: {  	s0 =	sand.u32 $0x1, s1  }
0x8c: {  	s17 =	sshll.u32 s0, $0xA;
	s2 =	sadd.s32 s3, s2  }
0x8d: {  	s2 =	sadd.s32 s2, s17  }
0x8e: {  	[smem:$0x3FBE] =	sst s2  }
0x8f: {  	_ = 	snop  }
0x90: {  	s2 =	sld [smem:$0x3FD0];
	(tm) =	ssettm $0x1  }
0x91: {  	s18 =	sld [smem:$0x3FFB];
	_ =	sdelay $0x3  }
0x92: {  	_ =	strace s18  }
0x93: {  	s3 =	sld [smem:$0x3FFC];
	_ =	sdelay $0x3  }
0x94: {  	_ =	strace s3  }
0x95: {  	s3 =	sld [smem:$0x3FFD];
	_ =	sdelay $0x3  }
0x96: {  	_ =	strace s3  }
0x97: {  	_ =	strace $0x8FFFFFFF  }
0x98: {  	s19 =	sld [smem:$0x3FDB];
	_ =	sdelay $0x1  }
0x99: {  	s4 =	simm.s32 $_scs_section_size  }
0x9a: {  	s5 =	simm.s32 $_size__tile_overlayer_lowered;
	s6 =	simm.s32 $_tile_overlayer_lowered  }
0x9b: {  	s22 =	simm.s32 $0x1BFF;
	s21 =	sshll.u32 s6, $0x1;
	s3 =	sadd.s32 s4, s19  }
0x9c: {  	s7 =	simm.s32 $0x0;
	s20 =	sshll.u32 s5, $0x1;
	s5 =	sadd.s32 s21, s3  }
0x9d: {  	[timem:s7], [sflag:s22] =	dma.local [hbm:s5], s20  }
0x9e: {  	_ =	swait.ge [sflag:s22], s20  }
0x9f: {  	s4 =	ssub.s32 $0x0, s20;
	[sflag:s22] =	ssyncset.done $0x0  }
0xa0: {  	[sflag:s22] =	ssyncadd.s32 s4;
	_ =	sdelay $0x1  }
0xa1: {  	s23 =	simm.s32 $0x1B8B  }
0xa2: {  	_ =	swait.ge [sflag:s23], $0x1  }
0xa3: {  	[sflag:s23] =	ssyncset.done $0x0  }
0xa4: {  	s25 =	simm.s32 $0x1B8E;
	s24 =	sld [smem:$0x3FFE];
	[sflag:s23] =	ssyncadd.s32 $0xFFFFFFFF  }
0xa5: {  	s26 =	simm.s32 $execute0_lowered;
	[smem:$0x3FD2] =	sst s25  }
0xa6: {  	s5 =	sshll.u32 s26, $0x1;
	_ =	strace $0x8000004F;
	[dreg:$0x1] =	wrdreg $0xFFFFFFFF  }
0xa7: {  	s28 =	simm.s32 $_size_execute0_lowered;
	s3 =	sadd.s32 s3, s5;
	[dreg:$0x0] =	wrdreg $0x0  }
0xa8: {  	s5 =	sshll.u32 s28, $0x1;
	[dreg:$0x2] =	wrdreg s3  }
0xa9: {  	[dreg:$0x3] =	wrdreg s5  }
0xaa: {  	[dreg:$0x4] =	wrdreg $0xC0  }
0xab: {  	_ =	task [dreg:s7], $0x5FFFF  }
0xac: {  	[dreg:$0x1] =	wrdreg $0xFFFFFFFF  }
0xad: {  	[dreg:$0x0] =	wrdreg $0x60  }
0xae: {  	[dreg:$0x2] =	wrdreg s2  }
0xaf: {  	[dreg:$0x3] =	wrdreg s24  }
0xb0: {  	[dreg:$0x4] =	wrdreg $0x52000  }
0xb1: {  	[dreg:$0x5] =	wrdreg $0x9  }
0xb2: {  	_ =	task.clear_ibuf [dreg:s7], $0x6FFFF;
	_ =	strace $0x9000004F  }
0xb3: {  	s29 =	simm.s32 $0x9;
	_ =	strace $0x80000051  }
0xb4: {  	_ =	swait.ge [sflag:s29], $0x1  }
0xb5: {  	[sflag:s29] =	ssyncadd.s32 $0xFFFFFFFF  }
0xb6: {  	_ =	strace $0x90000051  }
0xb7: {  	_ =	sfence  }
0xb8: {  	s30 =	sld [smem:$0x0];
	_ =	sdelay $0x2  }
0xb9: {  	s31 =	sshll.u32 s1, $0xD;
	s1 =	sshrl.u32 s1, $0x2  }
0xba: {  	s3 =	sand.u32 $0x4000, s31;
	s1 =	sadd.s32 s1, s30  }
0xbb: {  	s0 =	sor.u32 s3, s0;
	s1 =	sshll.u32 s1, $0x11  }
0xbc: {  	s0 =	sor.u32 s1, s0  }
0xbd: {  	s0 =	sadd.s32 $0x8F2B, s0  }
0xbe: {  	[sflag:s0] =	ssyncadd.remote.s32 $0x1  }
0xbf: {  	_ =	sfence.sel $0xFFFF  }
0xc0: {  	[dreg:$0x0] =	wrdreg $0xFFFFFFFF;
	(pc) =	sbr.abs _section_cstart, $3  }
0xc1: {  	[dreg:$0x1] =	wrdreg $0xFFFFFFFF  }
0xc2: {  	_ =	task.clear_ibuf [dreg:s7], $0x2FFFF;
	_ =	strace $0x9FFFFFFF  }
0xc3: {  	(tm) =	ssettm $0x7FFFFFFF  }
tec
execute0_lowered:
.L_overlay_start_1:
0x0: {  	(tag) =	ssettag $0x1  }
0x1: {  	s2 =	rddreg [dreg:$0x0]  }
0x2: {  	s0 =	rddreg [dreg:$0x1]  }
0x3: {  	s3 =	rddreg [dreg:$0x2]  }
0x4: {  	s13 =	stileid.u32;
	s1 =	srdreg.scid;
	s4 =	simm.s32 $0x0  }
0x5: {  	s28 =	simm.s32 $0x2A00;
	s29 =	simm.s32 $0x5;
	s30 =	simm.s32 $0x3  }
0x6: {  	s31 =	simm.s32 $0x6;
	s7 =	smul.u32 $0x14000, s13;
	s1 =	sand.u32 $0x1, s1  }
0x7: {  	[smem:$0x7FF] =	sst s4;
	s5 =	sadd.s32 $0xD600, s0;
	s10 =	smul.u32 $0x50000, s13  }
0x8: {  	s6 =	sadd.s32 $0x3800, s0;
	s19 =	sshll.u32 s13, $0x6;
	s8 =	smul.u32 $0x140000, s1  }
0x9: {  	_ =	strace $0x80000050;
	s17 =	sshll.u32 s1, $0x4;
	s18 =	ssub.s32 $0x2, s1  }
0xa: {  	s1 =	smul.u32 $0x27100, s1;
	s9 =	sshrl.u32 s7, $0x3;
	s11 =	sshrl.u32 s18, $0x1  }
0xb: {  	s10 =	sshrl.u32 s10, $0x2;
	s9 =	sadd.s32 s9, s0;
	s7 =	sadd.s32 s7, s8  }
0xc: {  	s8 =	sor.u32 s13, s17;
	s10 =	sadd.s32 s10, s3;
	s13 =	smul.u32 $0x2710, s13  }
0xd: {  	s7 =	sshrl.u32 s7, $0x3;
	s8 =	smul.u32 $0x2710, s8;
	s20 =	sadd.s32 $0x17400, s9  }
0xe: {  	s0 =	sadd.s32 s7, s0;
	s7 =	ssub.s32 s18, s11;
	[dreg:$0x4] =	wrdreg s20  }
0xf: {  	s1 =	sadd.s32 s13, s1;
	s18 =	sshrl.u32 s10, $0x3;
	s20 =	simm.s32 $0x100  }
0x10: {  	s12 =	sshrl.u32 s8, $0x3;
	s8 =	sor.u32 $0x1C07, s19;
	s25 =	sadd.s32 $0xF0, s1  }
0x11: {  	s13 =	sadd.s32 $0x3F400, s0;
	s14 =	smax.u32 s7, $0x1;
	s17 =	sadd.s32 $0xA0, s1  }
0x12: {  	s19 =	simm.s32 $0x7;
	s0 =	simm.s32 $0x4;
	s1 =	simm.s32 $0x0  }
0x13: {  	s21 =	sadd.s32 s5, s12;
	s22 =	sadd.s32 s6, s12;
	s23 =	sadd.s32 $0xA, s12  }
0x14: {  	s26 =	sshrl.u32 s25, $0x3;
	s25 =	simm.s32 $0x200;
	[dreg:$0x5] =	wrdreg s21  }
0x15: {  	[dreg:$0x6] =	wrdreg s22;
	s24 =	sadd.s32 s5, s23;
	s9 =	sadd.s32 s6, s23  }
0x16: {  	s15 =	sadd.s32 s26, s6;
	s16 =	sadd.s32 s26, s5;
	s21 =	simm.s32 $0x80  }
0x17: {  	s22 =	simm.s32 $0x180;
	s23 =	simm.s32 $0x1;
	[dreg:$0x7] =	wrdreg s24  }
0x18: {  	s26 =	simm.s32 $0x2;
	[dreg:$0x8] =	wrdreg s9;
	s24 =	simm.s32 $0x50  }
.LBB2_1:
0x19: {  	s7 =	rddreg [dreg:$0x4]  }
0x1a: {  	[spmem:s18], [sflag:s8] =	dma.local [hbm:s7], $0x2800  }
0x1b: {  	_ =	swait.ge [sflag:s19], $0x2800  }
0x1c: {  	[sflag:s19] =	ssyncset.done $0x0  }
0x1d: {  	[sflag:s19] =	ssyncadd.s32 $0xFFFFD800  }
0x1e: {  	[bflag:$0x0] =	sbarrier.arrive $0xFFFF  }
0x1f: {  	s11 =	rddreg [dreg:$0x5]  }
0x20: {  	[tilespmem:s4], [sflag:$0x1] =	stream.linear.gather [hbm4b:s11+s4], $0x50, $0x38;
	[tilespmem:$0x19200] =	vst v63  }
0x21: {  	s12 =	rddreg [dreg:$0x6]  }
0x22: {  	[tilespmem:s20], [sflag:$0x3] =	stream.linear.gather [hbm4b:s12+s4], $0x50, $0x38;
	[tilespmem:$0x19200] =	vst v63  }
0x23: {  	s9 =	rddreg [dreg:$0x7]  }
0x24: {  	[tilespmem:s21], [sflag:$0x2] =	stream.linear.gather [hbm4b:s9+s4], $0x50, $0x38;
	[tilespmem:$0x19200] =	vst v63  }
0x25: {  	s10 =	rddreg [dreg:$0x8]  }
0x26: {  	[tilespmem:s22], [sflag:$0x4] =	stream.linear.gather [hbm4b:s10+s4], $0x50, $0x38;
	[tilespmem:$0x19200] =	vst v63  }
0x27: {  	_ =	swait.ge [sflag:s23], $0x50  }
0x28: {  	[sflag:s23] =	ssyncset.done $0x0  }
0x29: {  	[sflag:s23] =	ssyncadd.s32 $0xFFFFFFB0  }
0x2a: {  	[tilespmem:s25], [sflag:$0x5] =	stream.indirect.gather [hbm4b:s2+s24], $0x80, s4, s24, $0xb8;
	[tilespmem:$0x19200] =	vst v63  }
0x2b: {  	_ =	swait.ge [sflag:s26], $0x50  }
0x2c: {  	[sflag:s26] =	ssyncset.done $0x0  }
0x2d: {  	[sflag:s26] =	ssyncadd.s32 $0xFFFFFFB0  }
0x2e: {  	[tilespmem:s28], [sflag:$0x6] =	stream.indirect.gather [hbm4b:s2+s24], $0x80, s21, s24, $0xb8;
	[tilespmem:$0x19200] =	vst v63  }
0x2f: {  	_ =	swait.ge [sflag:s29], $0x2800  }
0x30: {  	[sflag:s29] =	ssyncset.done $0x0  }
0x31: {  	[sflag:s29] =	ssyncadd.s32 $0xFFFFD800  }
0x32: {  	_ =	swait.ge [sflag:s30], $0x50  }
0x33: {  	[sflag:s30] =	ssyncset.done $0x0  }
0x34: {  	[sflag:s30] =	ssyncadd.s32 $0xFFFFFFB0  }
0x35: {  	[spmem:s3] =	stream.indirect.scatter.add.f32 [tilespmem:s25], [sflag:$0x7], $0x80, s20, s24, $0xb8;
	[tilespmem:$0x19200] =	vst v63  }
0x36: {  	_ =	swait.ge [sflag:s19], $0x2800  }
0x37: {  	s11 =	sshrl.u32 s17, $0x3;
	[sflag:s19] =	ssyncset.done $0x0  }
0x38: {  	s9 =	sadd.s32 s5, s11;
	[sflag:s19] =	ssyncadd.s32 $0xFFFFD800  }
0x39: {  	[tilespmem:s4], [sflag:$0x1] =	stream.linear.gather [hbm4b:s9+s4], $0x50, $0x38;
	[tilespmem:$0x19200] =	vst v63  }
0x3a: {  	s7 =	sadd.s32 s6, s11  }
0x3b: {  	[tilespmem:s20], [sflag:$0x3] =	stream.linear.gather [hbm4b:s7+s4], $0x50, $0x38;
	[tilespmem:$0x19200] =	vst v63  }
0x3c: {  	_ =	swait.ge [sflag:s23], $0x50  }
0x3d: {  	[sflag:s23] =	ssyncset.done $0x0  }
0x3e: {  	[sflag:s23] =	ssyncadd.s32 $0xFFFFFFB0  }
0x3f: {  	[tilespmem:s25], [sflag:$0x5] =	stream.indirect.gather [hbm4b:s2+s24], $0x80, s4, s24, $0xb8;
	[tilespmem:$0x19200] =	vst v63  }
0x40: {  	_ =	swait.ge [sflag:s31], $0x2800  }
0x41: {  	[sflag:s31] =	ssyncset.done $0x0  }
0x42: {  	[sflag:s31] =	ssyncadd.s32 $0xFFFFD800  }
0x43: {  	_ =	swait.ge [sflag:s0], $0x50  }
0x44: {  	[sflag:s0] =	ssyncset.done $0x0  }
0x45: {  	[sflag:s0] =	ssyncadd.s32 $0xFFFFFFB0  }
0x46: {  	[spmem:s3] =	stream.indirect.scatter.add.f32 [tilespmem:s28], [sflag:$0x7], $0x80, s22, s24, $0xb8;
	[tilespmem:$0x19200] =	vst v63  }
0x47: {  	_ =	swait.ge [sflag:s19], $0x2800  }
0x48: {  	s12 =	sadd.s32 $0x0, s16;
	s10 =	sadd.s32 $0x0, s15;
	[sflag:s19] =	ssyncset.done $0x0  }
0x49: {  	s9 =	sadd.s32 $0xA0, s17;
	s7 =	simm.s32 $0x14;
	[sflag:s19] =	ssyncadd.s32 $0xFFFFD800  }
0x4a: {  	[tilespmem:s21], [sflag:$0x2] =	stream.linear.gather [hbm4b:s12+s4], $0x50, $0x38;
	[tilespmem:$0x19200] =	vst v63  }
.LBB2_2:
0x4b: {  	[tilespmem:s22], [sflag:$0x4] =	stream.linear.gather [hbm4b:s10+s4], $0x50, $0x38;
	[tilespmem:$0x19200] =	vst v63  }
0x4c: {  	s10 =	smov.u32 s7  }
0x4d: {  	p0 =	sne.s32 s7, $0x4C4;
	s7 =	sadd.s32 $0x14, s7;
	_ =	swait.ge [sflag:s26], $0x50  }
0x4e: {  	[sflag:s26] =	ssyncset.done $0x0  }
0x4f: {  	[sflag:s26] =	ssyncadd.s32 $0xFFFFFFB0  }
0x50: {  	[tilespmem:s28], [sflag:$0x6] =	stream.indirect.gather [hbm4b:s2+s24], $0x80, s21, s24, $0xb8;
	[tilespmem:$0x19200] =	vst v63  }
0x51: {  	_ =	swait.ge [sflag:s29], $0x2800  }
0x52: {  	[sflag:s29] =	ssyncset.done $0x0  }
0x53: {  	[sflag:s29] =	ssyncadd.s32 $0xFFFFD800  }
0x54: {  	_ =	swait.ge [sflag:s30], $0x50  }
0x55: {  	[sflag:s30] =	ssyncset.done $0x0  }
0x56: {  	[sflag:s30] =	ssyncadd.s32 $0xFFFFFFB0  }
0x57: {  	[spmem:s3] =	stream.indirect.scatter.add.f32 [tilespmem:s25], [sflag:$0x7], $0x80, s20, s24, $0xb8;
	[tilespmem:$0x19200] =	vst v63  }
0x58: {  	_ =	swait.ge [sflag:s19], $0x2800  }
0x59: {  	s11 =	sshrl.u32 s9, $0x3;
	[sflag:s19] =	ssyncset.done $0x0  }
0x5a: {  	s12 =	sadd.s32 s5, s11;
	[sflag:s19] =	ssyncadd.s32 $0xFFFFD800  }
0x5b: {  	[tilespmem:s4], [sflag:$0x1] =	stream.linear.gather [hbm4b:s12+s4], $0x50, $0x38;
	[tilespmem:$0x19200] =	vst v63  }
0x5c: {  	s11 =	sadd.s32 s6, s11  }
0x5d: {  	[tilespmem:s20], [sflag:$0x3] =	stream.linear.gather [hbm4b:s11+s4], $0x50, $0x38;
	[tilespmem:$0x19200] =	vst v63  }
0x5e: {  	_ =	swait.ge [sflag:s23], $0x50  }
0x5f: {  	[sflag:s23] =	ssyncset.done $0x0  }
0x60: {  	[sflag:s23] =	ssyncadd.s32 $0xFFFFFFB0  }
0x61: {  	[tilespmem:s25], [sflag:$0x5] =	stream.indirect.gather [hbm4b:s2+s24], $0x80, s4, s24, $0xb8;
	[tilespmem:$0x19200] =	vst v63  }
0x62: {  	_ =	swait.ge [sflag:s31], $0x2800  }
0x63: {  	[sflag:s31] =	ssyncset.done $0x0  }
0x64: {  	[sflag:s31] =	ssyncadd.s32 $0xFFFFD800  }
0x65: {  	_ =	swait.ge [sflag:s0], $0x50  }
0x66: {  	[sflag:s0] =	ssyncset.done $0x0  }
0x67: {  	[sflag:s0] =	ssyncadd.s32 $0xFFFFFFB0  }
0x68: {  	[spmem:s3] =	stream.indirect.scatter.add.f32 [tilespmem:s28], [sflag:$0x7], $0x80, s22, s24, $0xb8;
	[tilespmem:$0x19200] =	vst v63  }
.Ltmp0:
0x69: {  	_ =	swait.ge [sflag:s19], $0x2800;
	(pc) =	sbr.rel @p0 .LBB2_2-.Ltmp0, $4  }
0x6a: {  	[sflag:s19] =	ssyncset.done $0x0  }
0x6b: {  	s11 =	sadd.s32 s10, s16;
	[sflag:s19] =	ssyncadd.s32 $0xFFFFD800  }
0x6c: {  	[tilespmem:s21], [sflag:$0x2] =	stream.linear.gather [hbm4b:s11+s4], $0x50, $0x38;
	[tilespmem:$0x19200] =	vst v63  }
0x6d: {  	s9 =	sadd.s32 $0xA0, s9;
	s10 =	sadd.s32 s10, s15  }
0x6e: {  	[tilespmem:s22], [sflag:$0x4] =	stream.linear.gather [hbm4b:s10+s4], $0x50, $0x38;
	[tilespmem:$0x19200] =	vst v63  }
0x6f: {  	_ =	swait.ge [sflag:s29], $0x2800  }
0x70: {  	[sflag:s29] =	ssyncset.done $0x0  }
0x71: {  	[sflag:s29] =	ssyncadd.s32 $0xFFFFD800  }
0x72: {  	_ =	swait.ge [sflag:s30], $0x50  }
0x73: {  	[sflag:s30] =	ssyncset.done $0x0  }
0x74: {  	[sflag:s30] =	ssyncadd.s32 $0xFFFFFFB0  }
0x75: {  	[spmem:s3] =	stream.indirect.scatter.add.f32 [tilespmem:s25], [sflag:$0x7], $0x80, s20, s24, $0xb8;
	[tilespmem:$0x19200] =	vst v63  }
0x76: {  	_ =	swait.ge [sflag:s19], $0x2800  }
0x77: {  	[sflag:s19] =	ssyncset.done $0x0  }
0x78: {  	[sflag:s19] =	ssyncadd.s32 $0xFFFFD800  }
0x79: {  	_ =	swait.ge [sflag:s26], $0x50  }
0x7a: {  	[sflag:s26] =	ssyncset.done $0x0  }
0x7b: {  	[sflag:s26] =	ssyncadd.s32 $0xFFFFFFB0  }
0x7c: {  	_ =	swait.ge [sflag:s0], $0x50  }
0x7d: {  	s1 =	sadd.s32 $0x1, s1;
	[sflag:s0] =	ssyncset.done $0x0  }
0x7e: {  	p0 =	sne.s32 s1, s14;
	[sflag:s0] =	ssyncadd.s32 $0xFFFFFFB0  }
.Ltmp1:
0x7f: {  	[bflag:$0x0] =	sbarrier.arrive $0xFFFF;
	(pc) =	sbr.rel @p0 .LBB2_1-.Ltmp1, $4  }
0x80: {  	[hbm:s13], [sflag:s8] =	dma.local [spmem:s18], $0x2800  }
0x81: {  	_ =	swait.ge [sflag:s19], $0x2800  }
0x82: {  	[sflag:s19] =	ssyncset.done $0x0  }
0x83: {  	[sflag:s19] =	ssyncadd.s32 $0xFFFFD800  }
0x84: {  	_ =	sfence.sel $0x180000  }
0x85: {  	[bflag:$0x0] =	sbarrier.arrive $0xFFFF  }
0x86: {  	_ =	strace $0x90000050  }
0x87: {  	s0 =	stileid.u32;
	[bflag:$0x2] =	sbarrier.arrive $0xFFFF  }
0x88: {  	p0 =	sne.s32 s0, $0x0;
	s0 =	rddreg [dreg:$0x3]  }
0x89: {  	s0 =	sadd.s32 @!p0 $0x100000, s0  }
0x8a: {  	[sflag:s0] =	ssyncadd.tile.s32 @!p0 $0x1;
	_ =	shalt  }
.Lfunc_end2:
_tile_overlayer_lowered:
.L_overlay_start_2:
0x8b: {  	(tag) =	ssettag $0x2  }
0x8c: {  	s0 =	rddreg [dreg:$0x0];
	s2 =	stileid.u32  }
0x8d: {  	s1 =	rddreg [dreg:$0x1];
	p0 =	sne.s32 s2, $0x0  }
0x8e: {  	s3 =	rddreg [dreg:$0x2];
	[bflag:$0x3] =	sbarrier.arrive $0xFFFF;
	s2 =	simm.s32 @!p0 $0x1C07  }
0x8f: {  	[timem:s3], [sflag:s2] =	dma.local @!p0 [hbm:s0], s1  }
0x90: {  	s0 =	simm.s32 @!p0 $0x7  }
0x91: {  	_ =	swait.ge @!p0 [sflag:s0], s1  }
0x92: {  	s1 =	ssub.s32 @!p0 $0x0, s1;
	[sflag:s0] =	ssyncset.done @!p0 $0x0  }
0x93: {  	[sflag:s0] =	ssyncadd.s32 @!p0 s1  }
0x94: {  	[bflag:$0x3] =	sbarrier.arrive $0xFFFF  }
0x95: {  	_ =	shalt  }

// kernel: kernel.24.cloned.1.call-start
scs
__scs_entry_jumppad:
0x0: {  	(pc) =	sbr.rel $0x88, $3  }
0x1: {  	(tag) =	ssettag $0x0;
	lr =	simm.s32 $0x1  }
0x2: {  	[smem:$0x3F97] =	sst lr;
	_ =	strace $0xD0000000  }
0x3: {  	_ = 	snop  }
0x4: {  	_ = 	snop  }
0x5: {  	_ = 	snop  }
0x6: {  	_ = 	snop  }
0x7: {  	_ = 	snop  }
__scs_overlays_trampoline_lowered:
0x8: {  	[smem:$0x3FA6] =	sst s0  }
0x9: {  	[smem:$0x3FA7] =	sst s1  }
0xa: {  	[smem:$0x3FA8] =	sst s2  }
0xb: {  	[smem:$0x3FA9] =	sst s3  }
0xc: {  	[smem:$0x3FAA] =	sst s4  }
0xd: {  	[smem:$0x3FAB] =	sst s5  }
0xe: {  	[smem:$0x3FAC] =	sst s6  }
0xf: {  	[smem:$0x3FAD] =	sst s7  }
0x10: {  	[smem:$0x3FAE] =	sst s8  }
0x11: {  	[smem:$0x3FAF] =	sst s9;
	s0 =	simm.s32 @!p0 $0x0  }
0x12: {  	s1 =	sld [smem:$0x3F95];
	s0 =	simm.s32 @p0 $0x1  }
0x13: {  	[smem:$0x3FB0] =	sst s0;
	s0 =	simm.s32 @!p1 $0x0  }
0x14: {  	s2 =	sld [smem:$0x3F94];
	s0 =	simm.s32 @p1 $0x1  }
0x15: {  	[smem:$0x3FB1] =	sst s0;
	s0 =	simm.s32 @!p2 $0x0  }
0x16: {  	s3 =	sld [smem:$0x3FDB];
	s0 =	simm.s32 @p2 $0x1  }
0x17: {  	s4 =	simm.s32 $0x1BF5;
	[smem:$0x3FB3] =	sst s0  }
0x18: {  	s0 =	sld [smem:$0x3F96];
	_ =	swait.ge [sflag:s4], $0x0  }
0x19: {  	s7 =	sld [smem:$0x3F97]  }
0x1a: {  	s8 =	sadd.s32 $0xFFFFE003, lr  }
0x1b: {  	s9 =	sadd.s32 $0xFFFFFEF7, lr;
	s5 =	simm.s32 $0xFFFFFFFF;
	p2 =	slt.u32 s8, $0xFFFFF086  }
0x1c: {  	p1 =	slt.u32 s9, $0xF7A;
	s5 =	simm.s32 @!p2 $0x0  }
0x1d: {  	s5 =	simm.s32 @p1 $0x1;
	p0 =	seq.s32 s7, s2  }
0x1e: {  	s7 =	smul.u32 @!p0 $0xF7A, s2;
	p2 =	seq.s32 @!p0 s5, $0x0  }
0x1f: {  	s9 =	smul.u32 $0xF7A, s1;
	s8 =	simm.s32 @!p0 $0x1BF5;
	p2 =	por !p2, p0  }
0x20: {  	[sflag:s8] =	ssyncset.s32 @!p0 $0xFFFFF086;
	s6 =	sadd.s32 @!p0 s3, s7;
	s7 =	simm.s32 @!p0 $0x108  }
0x21: {  	s3 =	sadd.s32 s3, s9;
	s6 =	sadd.s32 @!p0 $0x88, s6;
	s7 =	simm.s32 @p2 $0x1082  }
0x22: {  	[simem:s7], [sflag:s8] =	dma.local @!p0 [hbm:s6], $0xF7A  }
0x23: {  	s9 =	sor.u32 $0xD0000000, s2;
	s6 =	simm.s32 $0x108;
	_ =	swait.ge @!p0 [sflag:s8], $0x0  }
0x24: {  	s3 =	sadd.s32 $0x88, s3;
	s6 =	simm.s32 @!p1 $0x1082;
	[sflag:s4] =	ssyncset.s32 $0xFFFFF086  }
0x25: {  	[simem:s6], [sflag:s4] =	dma.local [hbm:s3], $0xF7A  }
0x26: {  	[smem:$0x3F97] =	sst s1;
	(tag) =	ssettag s2;
	_ =	strace s9  }
0x27: {  	s1 =	sld [smem:$0x3FA7]  }
0x28: {  	s2 =	sld [smem:$0x3FA8]  }
0x29: {  	s4 =	sld [smem:$0x3FAA]  }
0x2a: {  	p0 =	seq.s32 s5, $0x0;
	s5 =	sld [smem:$0x3FAB]  }
0x2b: {  	s6 =	sld [smem:$0x3FAC]  }
0x2c: {  	s7 =	sld [smem:$0x3FAD]  }
0x2d: {  	s3 =	simm.s32 $0x108;
	s8 =	sld [smem:$0x3FAE]  }
0x2e: {  	s3 =	simm.s32 @!p0 $0x1082;
	s9 =	sld [smem:$0x3FAF]  }
0x2f: {  	lr =	sadd.s32 s0, s3;
	s0 =	sld [smem:$0x3FA6]  }
0x30: {  	s3 =	sld [smem:$0x3FA9]  }
0x31: {  	[smem:$0x3FB2] =	sst s10  }
0x32: {  	s10 =	sld [smem:$0x3FB0];
	_ =	sdelay $0x3  }
0x33: {  	p0 =	seq.s32 s10, $0x1;
	s10 =	sld [smem:$0x3FB2];
	_ =	sdelay $0x3  }
0x34: {  	[smem:$0x3FB2] =	sst s10  }
0x35: {  	s10 =	sld [smem:$0x3FB1];
	_ =	sdelay $0x3  }
0x36: {  	p1 =	seq.s32 s10, $0x1;
	s10 =	sld [smem:$0x3FB2];
	_ =	sdelay $0x3  }
0x37: {  	[smem:$0x3FB2] =	sst s10  }
0x38: {  	s10 =	sld [smem:$0x3FB3]  }
0x39: {  	_ = 	snop;
	(pc) =	sbr.ind lr, $3  }
0x3a: {  	_ = 	snop  }
0x3b: {  	_ = 	snop  }
0x3c: {  	p2 =	seq.s32 s10, $0x1;
	s10 =	sld [smem:$0x3FB2]  }
0x3d: {  	_ =	shalt  }
0x3e: {  	_ =	shalt  }
0x3f: {  	_ =	shalt  }
0x40: {  	_ =	shalt  }
0x41: {  	_ =	shalt  }
0x42: {  	_ =	shalt  }
0x43: {  	_ =	shalt  }
0x44: {  	_ =	shalt  }
0x45: {  	_ =	shalt  }
0x46: {  	_ =	shalt  }
0x47: {  	_ =	shalt  }
0x48: {  	_ =	shalt  }
0x49: {  	_ =	shalt  }
0x4a: {  	_ =	shalt  }
0x4b: {  	_ =	shalt  }
0x4c: {  	_ =	shalt  }
0x4d: {  	_ =	shalt  }
0x4e: {  	_ =	shalt  }
0x4f: {  	_ =	shalt  }
0x50: {  	_ =	shalt  }
0x51: {  	_ =	shalt  }
0x52: {  	_ =	shalt  }
0x53: {  	_ =	shalt  }
0x54: {  	_ =	shalt  }
0x55: {  	_ =	shalt  }
0x56: {  	_ =	shalt  }
0x57: {  	_ =	shalt  }
0x58: {  	_ =	shalt  }
0x59: {  	_ =	shalt  }
0x5a: {  	_ =	shalt  }
0x5b: {  	_ =	shalt  }
0x5c: {  	_ =	shalt  }
0x5d: {  	_ =	shalt  }
0x5e: {  	_ =	shalt  }
0x5f: {  	_ =	shalt  }
0x60: {  	_ =	shalt  }
0x61: {  	_ =	shalt  }
0x62: {  	_ =	shalt  }
0x63: {  	_ =	shalt  }
0x64: {  	_ =	shalt  }
0x65: {  	_ =	shalt  }
0x66: {  	_ =	shalt  }
0x67: {  	_ =	shalt  }
0x68: {  	_ =	shalt  }
0x69: {  	_ =	shalt  }
0x6a: {  	_ =	shalt  }
0x6b: {  	_ =	shalt  }
0x6c: {  	_ =	shalt  }
0x6d: {  	_ =	shalt  }
0x6e: {  	_ =	shalt  }
0x6f: {  	_ =	shalt  }
0x70: {  	_ =	shalt  }
0x71: {  	_ =	shalt  }
0x72: {  	_ =	shalt  }
0x73: {  	_ =	shalt  }
0x74: {  	_ =	shalt  }
0x75: {  	_ =	shalt  }
0x76: {  	_ =	shalt  }
0x77: {  	_ =	shalt  }
0x78: {  	_ =	shalt  }
0x79: {  	_ =	shalt  }
0x7a: {  	_ =	shalt  }
0x7b: {  	_ =	shalt  }
0x7c: {  	_ =	shalt  }
0x7d: {  	_ =	shalt  }
0x7e: {  	_ =	shalt  }
0x7f: {  	_ =	shalt  }
0x80: {  	_ =	shalt  }
0x81: {  	_ =	shalt  }
0x82: {  	_ =	shalt  }
0x83: {  	_ =	shalt  }
0x84: {  	_ =	shalt  }
0x85: {  	_ =	shalt  }
0x86: {  	_ =	shalt  }
0x87: {  	_ =	shalt  }
.Lfunc_end0:
.L_simem_size_0:
called_computation.4_lowered:
.L_overlay_start_0:
0x88: {  	s2 =	sld [smem:$0x3FD9]  }
0x89: {  	s3 =	sld [smem:$0x3FFE];
	_ =	sdelay $0x1  }
0x8a: {  	s1 =	srdreg.scid  }
0x8b: {  	s0 =	sand.u32 $0x1, s1  }
0x8c: {  	s17 =	sshll.u32 s0, $0xA;
	s2 =	sadd.s32 s3, s2  }
0x8d: {  	s2 =	sadd.s32 s2, s17  }
0x8e: {  	[smem:$0x3FBE] =	sst s2  }
0x8f: {  	_ = 	snop  }
0x90: {  	s2 =	sld [smem:$0x3FD0];
	(tm) =	ssettm $0x1  }
0x91: {  	s18 =	sld [smem:$0x3FFB];
	_ =	sdelay $0x3  }
0x92: {  	_ =	strace s18  }
0x93: {  	s3 =	sld [smem:$0x3FFC];
	_ =	sdelay $0x3  }
0x94: {  	_ =	strace s3  }
0x95: {  	s3 =	sld [smem:$0x3FFD];
	_ =	sdelay $0x3  }
0x96: {  	_ =	strace s3  }
0x97: {  	_ =	strace $0x8FFFFFFF  }
0x98: {  	s19 =	sld [smem:$0x3FDB];
	_ =	sdelay $0x1  }
0x99: {  	s4 =	simm.s32 $_scs_section_size  }
0x9a: {  	s5 =	simm.s32 $_size__tile_overlayer_lowered;
	s6 =	simm.s32 $_tile_overlayer_lowered  }
0x9b: {  	s22 =	simm.s32 $0x1BFF;
	s21 =	sshll.u32 s6, $0x1;
	s3 =	sadd.s32 s4, s19  }
0x9c: {  	s7 =	simm.s32 $0x0;
	s20 =	sshll.u32 s5, $0x1;
	s5 =	sadd.s32 s21, s3  }
0x9d: {  	[timem:s7], [sflag:s22] =	dma.local [hbm:s5], s20  }
0x9e: {  	_ =	swait.ge [sflag:s22], s20  }
0x9f: {  	s4 =	ssub.s32 $0x0, s20;
	[sflag:s22] =	ssyncset.done $0x0  }
0xa0: {  	[sflag:s22] =	ssyncadd.s32 s4;
	_ =	sdelay $0x1  }
0xa1: {  	s23 =	simm.s32 $0x1B8B  }
0xa2: {  	_ =	swait.ge [sflag:s23], $0x1  }
0xa3: {  	[sflag:s23] =	ssyncset.done $0x0  }
0xa4: {  	s25 =	simm.s32 $0x1B8E;
	s24 =	sld [smem:$0x3FFE];
	[sflag:s23] =	ssyncadd.s32 $0xFFFFFFFF  }
0xa5: {  	s26 =	simm.s32 $execute0_lowered;
	[smem:$0x3FD2] =	sst s25  }
0xa6: {  	s5 =	sshll.u32 s26, $0x1;
	_ =	strace $0x80000052;
	[dreg:$0x1] =	wrdreg $0xFFFFFFFF  }
0xa7: {  	s28 =	simm.s32 $_size_execute0_lowered;
	s3 =	sadd.s32 s3, s5;
	[dreg:$0x0] =	wrdreg $0x0  }
0xa8: {  	s5 =	sshll.u32 s28, $0x1;
	[dreg:$0x2] =	wrdreg s3  }
0xa9: {  	[dreg:$0x3] =	wrdreg s5  }
0xaa: {  	[dreg:$0x4] =	wrdreg $0xC0  }
0xab: {  	_ =	task [dreg:s7], $0x5FFFF  }
0xac: {  	[dreg:$0x1] =	wrdreg $0xFFFFFFFF  }
0xad: {  	[dreg:$0x0] =	wrdreg $0x60  }
0xae: {  	[dreg:$0x2] =	wrdreg s2  }
0xaf: {  	[dreg:$0x3] =	wrdreg s24  }
0xb0: {  	[dreg:$0x4] =	wrdreg $0x52000  }
0xb1: {  	[dreg:$0x5] =	wrdreg $0x9  }
0xb2: {  	_ =	task.clear_ibuf [dreg:s7], $0x6FFFF;
	_ =	strace $0x90000052  }
0xb3: {  	s29 =	simm.s32 $0x9;
	_ =	strace $0x80000054  }
0xb4: {  	_ =	swait.ge [sflag:s29], $0x1  }
0xb5: {  	[sflag:s29] =	ssyncadd.s32 $0xFFFFFFFF  }
0xb6: {  	_ =	strace $0x90000054  }
0xb7: {  	_ =	sfence  }
0xb8: {  	s30 =	sld [smem:$0x0];
	_ =	sdelay $0x2  }
0xb9: {  	s31 =	sshll.u32 s1, $0xD;
	s1 =	sshrl.u32 s1, $0x2  }
0xba: {  	s3 =	sand.u32 $0x4000, s31;
	s1 =	sadd.s32 s1, s30  }
0xbb: {  	s0 =	sor.u32 s3, s0;
	s1 =	sshll.u32 s1, $0x11  }
0xbc: {  	s0 =	sor.u32 s1, s0  }
0xbd: {  	s0 =	sadd.s32 $0x8F2B, s0  }
0xbe: {  	[sflag:s0] =	ssyncadd.remote.s32 $0x1  }
0xbf: {  	_ =	sfence.sel $0xFFFF  }
0xc0: {  	[dreg:$0x0] =	wrdreg $0xFFFFFFFF;
	(pc) =	sbr.abs _section_cstart, $3  }
0xc1: {  	[dreg:$0x1] =	wrdreg $0xFFFFFFFF  }
0xc2: {  	_ =	task.clear_ibuf [dreg:s7], $0x2FFFF;
	_ =	strace $0x9FFFFFFF  }
0xc3: {  	(tm) =	ssettm $0x7FFFFFFF  }
tec
execute0_lowered:
.L_overlay_start_1:
0x0: {  	(tag) =	ssettag $0x1  }
0x1: {  	s2 =	rddreg [dreg:$0x0]  }
0x2: {  	s0 =	rddreg [dreg:$0x1]  }
0x3: {  	s3 =	rddreg [dreg:$0x2]  }
0x4: {  	s13 =	stileid.u32;
	s1 =	srdreg.scid;
	s4 =	simm.s32 $0x0  }
0x5: {  	s28 =	simm.s32 $0x2A00;
	s29 =	simm.s32 $0x5;
	s30 =	simm.s32 $0x3  }
0x6: {  	s31 =	simm.s32 $0x6;
	s7 =	smul.u32 $0x14000, s13;
	s1 =	sand.u32 $0x1, s1  }
0x7: {  	[smem:$0x7FF] =	sst s4;
	s5 =	sadd.s32 $0xD600, s0;
	s10 =	smul.u32 $0x50000, s13  }
0x8: {  	s6 =	sadd.s32 $0x3800, s0;
	s19 =	sshll.u32 s13, $0x6;
	s8 =	smul.u32 $0x140000, s1  }
0x9: {  	_ =	strace $0x80000053;
	s17 =	sshll.u32 s1, $0x4;
	s18 =	ssub.s32 $0x2, s1  }
0xa: {  	s1 =	smul.u32 $0x27100, s1;
	s9 =	sshrl.u32 s7, $0x3;
	s11 =	sshrl.u32 s18, $0x1  }
0xb: {  	s10 =	sshrl.u32 s10, $0x2;
	s9 =	sadd.s32 s9, s0;
	s7 =	sadd.s32 s7, s8  }
0xc: {  	s8 =	sor.u32 s13, s17;
	s10 =	sadd.s32 s10, s3;
	s13 =	smul.u32 $0x2710, s13  }
0xd: {  	s7 =	sshrl.u32 s7, $0x3;
	s8 =	smul.u32 $0x2710, s8;
	s20 =	sadd.s32 $0x17400, s9  }
0xe: {  	s0 =	sadd.s32 s7, s0;
	s7 =	ssub.s32 s18, s11;
	[dreg:$0x4] =	wrdreg s20  }
0xf: {  	s1 =	sadd.s32 s13, s1;
	s18 =	sshrl.u32 s10, $0x3;
	s20 =	simm.s32 $0x100  }
0x10: {  	s12 =	sshrl.u32 s8, $0x3;
	s8 =	sor.u32 $0x1C07, s19;
	s25 =	sadd.s32 $0xF0, s1  }
0x11: {  	s13 =	sadd.s32 $0x3F400, s0;
	s14 =	smax.u32 s7, $0x1;
	s17 =	sadd.s32 $0xA0, s1  }
0x12: {  	s19 =	simm.s32 $0x7;
	s0 =	simm.s32 $0x4;
	s1 =	simm.s32 $0x0  }
0x13: {  	s21 =	sadd.s32 s5, s12;
	s22 =	sadd.s32 s6, s12;
	s23 =	sadd.s32 $0xA, s12  }
0x14: {  	s26 =	sshrl.u32 s25, $0x3;
	s25 =	simm.s32 $0x200;
	[dreg:$0x5] =	wrdreg s21  }
0x15: {  	[dreg:$0x6] =	wrdreg s22;
	s24 =	sadd.s32 s5, s23;
	s9 =	sadd.s32 s6, s23  }
0x16: {  	s15 =	sadd.s32 s26, s6;
	s16 =	sadd.s32 s26, s5;
	s21 =	simm.s32 $0x80  }
0x17: {  	s22 =	simm.s32 $0x180;
	s23 =	simm.s32 $0x1;
	[dreg:$0x7] =	wrdreg s24  }
0x18: {  	s26 =	simm.s32 $0x2;
	[dreg:$0x8] =	wrdreg s9;
	s24 =	simm.s32 $0x50  }
.LBB2_1:
0x19: {  	s7 =	rddreg [dreg:$0x4]  }
0x1a: {  	[spmem:s18], [sflag:s8] =	dma.local [hbm:s7], $0x2800  }
0x1b: {  	_ =	swait.ge [sflag:s19], $0x2800  }
0x1c: {  	[sflag:s19] =	ssyncset.done $0x0  }
0x1d: {  	[sflag:s19] =	ssyncadd.s32 $0xFFFFD800  }
0x1e: {  	[bflag:$0x0] =	sbarrier.arrive $0xFFFF  }
0x1f: {  	s11 =	rddreg [dreg:$0x5]  }
0x20: {  	[tilespmem:s4], [sflag:$0x1] =	stream.linear.gather [hbm4b:s11+s4], $0x50, $0x38;
	[tilespmem:$0x19200] =	vst v63  }
0x21: {  	s12 =	rddreg [dreg:$0x6]  }
0x22: {  	[tilespmem:s20], [sflag:$0x3] =	stream.linear.gather [hbm4b:s12+s4], $0x50, $0x38;
	[tilespmem:$0x19200] =	vst v63  }
0x23: {  	s9 =	rddreg [dreg:$0x7]  }
0x24: {  	[tilespmem:s21], [sflag:$0x2] =	stream.linear.gather [hbm4b:s9+s4], $0x50, $0x38;
	[tilespmem:$0x19200] =	vst v63  }
0x25: {  	s10 =	rddreg [dreg:$0x8]  }
0x26: {  	[tilespmem:s22], [sflag:$0x4] =	stream.linear.gather [hbm4b:s10+s4], $0x50, $0x38;
	[tilespmem:$0x19200] =	vst v63  }
0x27: {  	_ =	swait.ge [sflag:s23], $0x50  }
0x28: {  	[sflag:s23] =	ssyncset.done $0x0  }
0x29: {  	[sflag:s23] =	ssyncadd.s32 $0xFFFFFFB0  }
0x2a: {  	[tilespmem:s25], [sflag:$0x5] =	stream.indirect.gather [hbm4b:s2+s24], $0x80, s4, s24, $0xb8;
	[tilespmem:$0x19200] =	vst v63  }
0x2b: {  	_ =	swait.ge [sflag:s26], $0x50  }
0x2c: {  	[sflag:s26] =	ssyncset.done $0x0  }
0x2d: {  	[sflag:s26] =	ssyncadd.s32 $0xFFFFFFB0  }
0x2e: {  	[tilespmem:s28], [sflag:$0x6] =	stream.indirect.gather [hbm4b:s2+s24], $0x80, s21, s24, $0xb8;
	[tilespmem:$0x19200] =	vst v63  }
0x2f: {  	_ =	swait.ge [sflag:s29], $0x2800  }
0x30: {  	[sflag:s29] =	ssyncset.done $0x0  }
0x31: {  	[sflag:s29] =	ssyncadd.s32 $0xFFFFD800  }
0x32: {  	_ =	swait.ge [sflag:s30], $0x50  }
0x33: {  	[sflag:s30] =	ssyncset.done $0x0  }
0x34: {  	[sflag:s30] =	ssyncadd.s32 $0xFFFFFFB0  }
0x35: {  	[spmem:s3] =	stream.indirect.scatter.add.f32 [tilespmem:s25], [sflag:$0x7], $0x80, s20, s24, $0xb8;
	[tilespmem:$0x19200] =	vst v63  }
0x36: {  	_ =	swait.ge [sflag:s19], $0x2800  }
0x37: {  	s11 =	sshrl.u32 s17, $0x3;
	[sflag:s19] =	ssyncset.done $0x0  }
0x38: {  	s9 =	sadd.s32 s5, s11;
	[sflag:s19] =	ssyncadd.s32 $0xFFFFD800  }
0x39: {  	[tilespmem:s4], [sflag:$0x1] =	stream.linear.gather [hbm4b:s9+s4], $0x50, $0x38;
	[tilespmem:$0x19200] =	vst v63  }
0x3a: {  	s7 =	sadd.s32 s6, s11  }
0x3b: {  	[tilespmem:s20], [sflag:$0x3] =	stream.linear.gather [hbm4b:s7+s4], $0x50, $0x38;
	[tilespmem:$0x19200] =	vst v63  }
0x3c: {  	_ =	swait.ge [sflag:s23], $0x50  }
0x3d: {  	[sflag:s23] =	ssyncset.done $0x0  }
0x3e: {  	[sflag:s23] =	ssyncadd.s32 $0xFFFFFFB0  }
0x3f: {  	[tilespmem:s25], [sflag:$0x5] =	stream.indirect.gather [hbm4b:s2+s24], $0x80, s4, s24, $0xb8;
	[tilespmem:$0x19200] =	vst v63  }
0x40: {  	_ =	swait.ge [sflag:s31], $0x2800  }
0x41: {  	[sflag:s31] =	ssyncset.done $0x0  }
0x42: {  	[sflag:s31] =	ssyncadd.s32 $0xFFFFD800  }
0x43: {  	_ =	swait.ge [sflag:s0], $0x50  }
0x44: {  	[sflag:s0] =	ssyncset.done $0x0  }
0x45: {  	[sflag:s0] =	ssyncadd.s32 $0xFFFFFFB0  }
0x46: {  	[spmem:s3] =	stream.indirect.scatter.add.f32 [tilespmem:s28], [sflag:$0x7], $0x80, s22, s24, $0xb8;
	[tilespmem:$0x19200] =	vst v63  }
0x47: {  	_ =	swait.ge [sflag:s19], $0x2800  }
0x48: {  	s12 =	sadd.s32 $0x0, s16;
	s10 =	sadd.s32 $0x0, s15;
	[sflag:s19] =	ssyncset.done $0x0  }
0x49: {  	s9 =	sadd.s32 $0xA0, s17;
	s7 =	simm.s32 $0x14;
	[sflag:s19] =	ssyncadd.s32 $0xFFFFD800  }
0x4a: {  	[tilespmem:s21], [sflag:$0x2] =	stream.linear.gather [hbm4b:s12+s4], $0x50, $0x38;
	[tilespmem:$0x19200] =	vst v63  }
.LBB2_2:
0x4b: {  	[tilespmem:s22], [sflag:$0x4] =	stream.linear.gather [hbm4b:s10+s4], $0x50, $0x38;
	[tilespmem:$0x19200] =	vst v63  }
0x4c: {  	s10 =	smov.u32 s7  }
0x4d: {  	p0 =	sne.s32 s7, $0x4C4;
	s7 =	sadd.s32 $0x14, s7;
	_ =	swait.ge [sflag:s26], $0x50  }
0x4e: {  	[sflag:s26] =	ssyncset.done $0x0  }
0x4f: {  	[sflag:s26] =	ssyncadd.s32 $0xFFFFFFB0  }
0x50: {  	[tilespmem:s28], [sflag:$0x6] =	stream.indirect.gather [hbm4b:s2+s24], $0x80, s21, s24, $0xb8;
	[tilespmem:$0x19200] =	vst v63  }
0x51: {  	_ =	swait.ge [sflag:s29], $0x2800  }
0x52: {  	[sflag:s29] =	ssyncset.done $0x0  }
0x53: {  	[sflag:s29] =	ssyncadd.s32 $0xFFFFD800  }
0x54: {  	_ =	swait.ge [sflag:s30], $0x50  }
0x55: {  	[sflag:s30] =	ssyncset.done $0x0  }
0x56: {  	[sflag:s30] =	ssyncadd.s32 $0xFFFFFFB0  }
0x57: {  	[spmem:s3] =	stream.indirect.scatter.add.f32 [tilespmem:s25], [sflag:$0x7], $0x80, s20, s24, $0xb8;
	[tilespmem:$0x19200] =	vst v63  }
0x58: {  	_ =	swait.ge [sflag:s19], $0x2800  }
0x59: {  	s11 =	sshrl.u32 s9, $0x3;
	[sflag:s19] =	ssyncset.done $0x0  }
0x5a: {  	s12 =	sadd.s32 s5, s11;
	[sflag:s19] =	ssyncadd.s32 $0xFFFFD800  }
0x5b: {  	[tilespmem:s4], [sflag:$0x1] =	stream.linear.gather [hbm4b:s12+s4], $0x50, $0x38;
	[tilespmem:$0x19200] =	vst v63  }
0x5c: {  	s11 =	sadd.s32 s6, s11  }
0x5d: {  	[tilespmem:s20], [sflag:$0x3] =	stream.linear.gather [hbm4b:s11+s4], $0x50, $0x38;
	[tilespmem:$0x19200] =	vst v63  }
0x5e: {  	_ =	swait.ge [sflag:s23], $0x50  }
0x5f: {  	[sflag:s23] =	ssyncset.done $0x0  }
0x60: {  	[sflag:s23] =	ssyncadd.s32 $0xFFFFFFB0  }
0x61: {  	[tilespmem:s25], [sflag:$0x5] =	stream.indirect.gather [hbm4b:s2+s24], $0x80, s4, s24, $0xb8;
	[tilespmem:$0x19200] =	vst v63  }
0x62: {  	_ =	swait.ge [sflag:s31], $0x2800  }
0x63: {  	[sflag:s31] =	ssyncset.done $0x0  }
0x64: {  	[sflag:s31] =	ssyncadd.s32 $0xFFFFD800  }
0x65: {  	_ =	swait.ge [sflag:s0], $0x50  }
0x66: {  	[sflag:s0] =	ssyncset.done $0x0  }
0x67: {  	[sflag:s0] =	ssyncadd.s32 $0xFFFFFFB0  }
0x68: {  	[spmem:s3] =	stream.indirect.scatter.add.f32 [tilespmem:s28], [sflag:$0x7], $0x80, s22, s24, $0xb8;
	[tilespmem:$0x19200] =	vst v63  }
.Ltmp0:
0x69: {  	_ =	swait.ge [sflag:s19], $0x2800;
	(pc) =	sbr.rel @p0 .LBB2_2-.Ltmp0, $4  }
0x6a: {  	[sflag:s19] =	ssyncset.done $0x0  }
0x6b: {  	s11 =	sadd.s32 s10, s16;
	[sflag:s19] =	ssyncadd.s32 $0xFFFFD800  }
0x6c: {  	[tilespmem:s21], [sflag:$0x2] =	stream.linear.gather [hbm4b:s11+s4], $0x50, $0x38;
	[tilespmem:$0x19200] =	vst v63  }
0x6d: {  	s9 =	sadd.s32 $0xA0, s9;
	s10 =	sadd.s32 s10, s15  }
0x6e: {  	[tilespmem:s22], [sflag:$0x4] =	stream.linear.gather [hbm4b:s10+s4], $0x50, $0x38;
	[tilespmem:$0x19200] =	vst v63  }
0x6f: {  	_ =	swait.ge [sflag:s29], $0x2800  }
0x70: {  	[sflag:s29] =	ssyncset.done $0x0  }
0x71: {  	[sflag:s29] =	ssyncadd.s32 $0xFFFFD800  }
0x72: {  	_ =	swait.ge [sflag:s30], $0x50  }
0x73: {  	[sflag:s30] =	ssyncset.done $0x0  }
0x74: {  	[sflag:s30] =	ssyncadd.s32 $0xFFFFFFB0  }
0x75: {  	[spmem:s3] =	stream.indirect.scatter.add.f32 [tilespmem:s25], [sflag:$0x7], $0x80, s20, s24, $0xb8;
	[tilespmem:$0x19200] =	vst v63  }
0x76: {  	_ =	swait.ge [sflag:s19], $0x2800  }
0x77: {  	[sflag:s19] =	ssyncset.done $0x0  }
0x78: {  	[sflag:s19] =	ssyncadd.s32 $0xFFFFD800  }
0x79: {  	_ =	swait.ge [sflag:s26], $0x50  }
0x7a: {  	[sflag:s26] =	ssyncset.done $0x0  }
0x7b: {  	[sflag:s26] =	ssyncadd.s32 $0xFFFFFFB0  }
0x7c: {  	_ =	swait.ge [sflag:s0], $0x50  }
0x7d: {  	s1 =	sadd.s32 $0x1, s1;
	[sflag:s0] =	ssyncset.done $0x0  }
0x7e: {  	p0 =	sne.s32 s1, s14;
	[sflag:s0] =	ssyncadd.s32 $0xFFFFFFB0  }
.Ltmp1:
0x7f: {  	[bflag:$0x0] =	sbarrier.arrive $0xFFFF;
	(pc) =	sbr.rel @p0 .LBB2_1-.Ltmp1, $4  }
0x80: {  	[hbm:s13], [sflag:s8] =	dma.local [spmem:s18], $0x2800  }
0x81: {  	_ =	swait.ge [sflag:s19], $0x2800  }
0x82: {  	[sflag:s19] =	ssyncset.done $0x0  }
0x83: {  	[sflag:s19] =	ssyncadd.s32 $0xFFFFD800  }
0x84: {  	_ =	sfence.sel $0x180000  }
0x85: {  	[bflag:$0x0] =	sbarrier.arrive $0xFFFF  }
0x86: {  	_ =	strace $0x90000053  }
0x87: {  	s0 =	stileid.u32;
	[bflag:$0x2] =	sbarrier.arrive $0xFFFF  }
0x88: {  	p0 =	sne.s32 s0, $0x0;
	s0 =	rddreg [dreg:$0x3]  }
0x89: {  	s0 =	sadd.s32 @!p0 $0x100000, s0  }
0x8a: {  	[sflag:s0] =	ssyncadd.tile.s32 @!p0 $0x1;
	_ =	shalt  }
.Lfunc_end2:
_tile_overlayer_lowered:
.L_overlay_start_2:
0x8b: {  	(tag) =	ssettag $0x2  }
0x8c: {  	s0 =	rddreg [dreg:$0x0];
	s2 =	stileid.u32  }
0x8d: {  	s1 =	rddreg [dreg:$0x1];
	p0 =	sne.s32 s2, $0x0  }
0x8e: {  	s3 =	rddreg [dreg:$0x2];
	[bflag:$0x3] =	sbarrier.arrive $0xFFFF;
	s2 =	simm.s32 @!p0 $0x1C07  }
0x8f: {  	[timem:s3], [sflag:s2] =	dma.local @!p0 [hbm:s0], s1  }
0x90: {  	s0 =	simm.s32 @!p0 $0x7  }
0x91: {  	_ =	swait.ge @!p0 [sflag:s0], s1  }
0x92: {  	s1 =	ssub.s32 @!p0 $0x0, s1;
	[sflag:s0] =	ssyncset.done @!p0 $0x0  }
0x93: {  	[sflag:s0] =	ssyncadd.s32 @!p0 s1  }
0x94: {  	[bflag:$0x3] =	sbarrier.arrive $0xFFFF  }
0x95: {  	_ =	shalt  }

</sc_bundles>
